<compile_context>
chip_gen: v7x
topology: tpu7x:2x2x1
jax: 0.10.2.dev20260603
libtpu: 0.0.44.dev20260713+nightly
codegen_flags: <defaults>
</compile_context>

<pallas_src>
import functools

import jax
import jax.numpy as jnp
from jax import lax
from jax.experimental import pallas as pl
from jax.experimental.pallas import tpu as pltpu
from jax.experimental.pallas import tpu_sc as plsc

N, E, D_IN, H, L, T, G, DE = 10000, 320000, 128, 128, 3, 12, 64, 16
NP = 10240
HALF = NP // 2
EPT = E // 16
C = 80
CHT = EPT // C
ROWS_PER_TILE = HALF // 16

_f32 = jnp.float32



def _embed_body(x_ref, w_ref, b_ref, o_ref):
    o_ref[...] = jnp.dot(x_ref[...], w_ref[...],
                         preferred_element_type=_f32) + b_ref[...]


def _tc_embed(x_pad, W_emb, b_emb2):
    blk = NP // 10
    return pl.pallas_call(
        _embed_body,
        grid=(10,),
        in_specs=[
            pl.BlockSpec((blk, D_IN), lambda i: (i, 0)),
            pl.BlockSpec((D_IN, H), lambda i: (0, 0)),
            pl.BlockSpec((1, H), lambda i: (0, 0)),
        ],
        out_specs=pl.BlockSpec((blk, H), lambda i: (i, 0)),
        out_shape=jax.ShapeDtypeStruct((NP, H), _f32),
    )(x_pad, W_emb, b_emb2)


def _edge_body(a_ref, w_ref, o_ref):
    o_ref[...] = jnp.dot(a_ref[...], w_ref[...], preferred_element_type=_f32)


def _tc_edge(edge_attr, edge_W):
    blk = E // 80
    return pl.pallas_call(
        _edge_body,
        grid=(80,),
        in_specs=[
            pl.BlockSpec((blk, DE), lambda i: (i, 0)),
            pl.BlockSpec((DE, H), lambda i: (0, 0)),
        ],
        out_specs=pl.BlockSpec((blk, H), lambda i: (i, 0)),
        out_shape=jax.ShapeDtypeStruct((E, H), _f32),
    )(edge_attr, edge_W)


def _update_body(agg_ref, w_ref, b_ref, h_ref, o_ref):
    u = jnp.dot(agg_ref[...], w_ref[...], preferred_element_type=_f32) + b_ref[...]
    o_ref[...] = jnp.maximum(u, 0.0) + h_ref[...]


def _tc_update(agg, W, b2, h):
    blk = NP // 10
    return pl.pallas_call(
        _update_body,
        grid=(10,),
        in_specs=[
            pl.BlockSpec((blk, H), lambda i: (i, 0)),
            pl.BlockSpec((H, H), lambda i: (0, 0)),
            pl.BlockSpec((1, H), lambda i: (0, 0)),
            pl.BlockSpec((blk, H), lambda i: (i, 0)),
        ],
        out_specs=pl.BlockSpec((blk, H), lambda i: (i, 0)),
        out_shape=jax.ShapeDtypeStruct((NP, H), _f32),
    )(agg, W, b2, h)


def _pool_head_body(h_ref, batch_ref, wh_ref, bh_ref, o_ref):
    onehot = (batch_ref[...] ==
              lax.broadcasted_iota(jnp.int32, (NP, G), 1)).astype(_f32)
    graph_repr = lax.dot_general(onehot, h_ref[...],
                                 (((0,), (0,)), ((), ())),
                                 preferred_element_type=_f32)
    o_ref[...] = jnp.dot(graph_repr, wh_ref[...],
                         preferred_element_type=_f32) + bh_ref[...]


def _tc_pool_head(h, batch_col, W_head, b_head2):
    return pl.pallas_call(
        _pool_head_body,
        in_specs=[
            pl.BlockSpec((NP, H), lambda: (0, 0)),
            pl.BlockSpec((NP, 1), lambda: (0, 0)),
            pl.BlockSpec((H, T), lambda: (0, 0)),
            pl.BlockSpec((1, T), lambda: (0, 0)),
        ],
        out_specs=pl.BlockSpec((G, T), lambda: (0, 0)),
        out_shape=jax.ShapeDtypeStruct((G, T), _f32),
    )(h, batch_col, W_head, b_head2)



def _sc_body(h_hbm, e_hbm, src_hbm, dst_hbm, out_hbm,
             src_v, dst_v, ei_buf, e_buf, acc, sem):
    cid = lax.axis_index("c")
    sid = lax.axis_index("s")
    wid = cid * 16 + sid

    pltpu.sync_copy(src_hbm.at[wid], src_v)
    pltpu.sync_copy(dst_hbm.at[wid], dst_v)

    def zrow(r, carry):
        for q in range(H // 16):
            e_buf[r, pl.ds(q * 16, 16)] = jnp.zeros((16,), _f32)
        return carry

    lax.fori_loop(0, C, zrow, 0)
    for k in range(ROWS_PER_TILE // C):
        pltpu.sync_copy(e_buf, acc.at[pl.ds(sid * ROWS_PER_TILE + k * C, C)])

    plsc.subcore_barrier()

    def chunk(j, carry):
        base = sid * EPT + j * C
        for q in range(C // 16):
            sl = pl.ds(q * 16, 16)
            d = dst_v[j, sl]
            ramp = lax.broadcasted_iota(jnp.int32, (16,), 0) + (base + q * 16)
            ei_buf[sl] = jnp.where(d < 0, -1, ramp)
        pltpu.sync_copy(
            e_hbm.at[plsc.Indices(ei_buf, ignored_value=-1)], e_buf)
        pltpu.sync_copy(
            h_hbm.at[plsc.Indices(src_v.at[j], ignored_value=-1)],
            e_buf, add=True)

        def row(r, carry2):
            for q in range(H // 16):
                sl = pl.ds(q * 16, 16)
                e_buf[r, sl] = jnp.maximum(e_buf[r, sl], 0.0)
            return carry2

        lax.fori_loop(0, C, row, 0)
        pltpu.sync_copy(
            e_buf, acc.at[plsc.Indices(dst_v.at[j], ignored_value=-1)],
            add=True)
        return carry

    lax.fori_loop(0, CHT, chunk, 0)
    plsc.subcore_barrier()
    rows = pl.ds(sid * ROWS_PER_TILE, ROWS_PER_TILE)
    pltpu.sync_copy(acc.at[rows],
                    out_hbm.at[pl.ds(cid * HALF + sid * ROWS_PER_TILE,
                                     ROWS_PER_TILE)])


@functools.cache
def _sc_message_pass():
    mesh = plsc.VectorSubcoreMesh(core_axis_name="c", subcore_axis_name="s")
    return pl.kernel(
        _sc_body,
        mesh=mesh,
        out_type=jax.ShapeDtypeStruct((NP, H), _f32),
        scratch_types=[
            pltpu.VMEM((CHT, C), jnp.int32),
            pltpu.VMEM((CHT, C), jnp.int32),
            pltpu.VMEM((C,), jnp.int32),
            pltpu.VMEM((C, H), _f32),
            pltpu.VMEM_SHARED((HALF, H), _f32),
            pltpu.SemaphoreType.DMA,
        ],
    )



def kernel(x, edge_index, edge_attr, batch, W_emb, b_emb, edge_W,
           W_layers, b_layers, W_head, b_head):
    x_pad = jnp.zeros((NP, D_IN), _f32).at[:N].set(x)
    s0 = edge_index[0].astype(jnp.int32)
    d0 = edge_index[1].astype(jnp.int32)
    lo = d0 < HALF
    src = jnp.stack([jnp.where(lo, s0, -1),
                     jnp.where(lo, -1, s0)]).reshape(32, CHT, C)
    dst = jnp.stack([jnp.where(lo, d0, -1),
                     jnp.where(lo, -1, d0 - HALF)]).reshape(32, CHT, C)
    batch_col = jnp.full((NP, 1), G, jnp.int32).at[:N, 0].set(
        batch.astype(jnp.int32))
    b_emb2 = b_emb.reshape(1, H)
    b_head2 = b_head.reshape(1, T)

    h = _tc_embed(x_pad, W_emb, b_emb2)
    e = _tc_edge(edge_attr, edge_W)
    for l in range(L):
        agg = _sc_message_pass()(h, e, src, dst)
        h = _tc_update(agg, W_layers[l], b_layers[l].reshape(1, H), h)
    return _tc_pool_head(h, batch_col, W_head, b_head2)

# --- scband reference (transcript-rebuilt; emitter-appended) ---
"""Pipeline reference for scband-base-gnn-89550068122188 (READ-ONLY COPY).

The authoritative reference and input builder live on the scoring server;
editing this copy changes nothing except your own understanding.
"""

import jax, jax.numpy as jnp
import numpy as np

N, E, D_IN, H, L, T, G, DE = 10000, 320000, 128, 128, 3, 12, 64, 16

def setup_inputs(seed: int = 0) -> dict:
    key = jax.random.key(seed)
    ks = jax.random.split(key, 12)
    x = jax.random.normal(ks[0], (N, D_IN), dtype=jnp.float32)
    edge_index = jax.random.randint(ks[1], (2, E), 0, N)
    edge_attr = jax.random.normal(ks[2], (E, DE), dtype=jnp.float32)
    batch = jnp.sort(jax.random.randint(ks[3], (N,), 0, G))
    s = 1.0 / np.sqrt(H)
    W_emb = jax.random.normal(ks[4], (D_IN, H), dtype=jnp.float32) * s
    b_emb = jnp.zeros((H,), dtype=jnp.float32)
    edge_W = jax.random.normal(ks[5], (DE, H), dtype=jnp.float32) * (1.0 / np.sqrt(DE))
    W_layers = jax.random.normal(ks[6], (L, H, H), dtype=jnp.float32) * s
    b_layers = jnp.zeros((L, H), dtype=jnp.float32)
    W_head = jax.random.normal(ks[7], (H, T), dtype=jnp.float32) * s
    b_head = jnp.zeros((T,), dtype=jnp.float32)
    return {"x": x, "edge_index": edge_index, "edge_attr": edge_attr, "batch": batch,
            "W_emb": W_emb, "b_emb": b_emb, "edge_W": edge_W,
            "W_layers": W_layers, "b_layers": b_layers,
            "W_head": W_head, "b_head": b_head}

def reference(x, edge_index, edge_attr, batch, W_emb, b_emb, edge_W, W_layers, b_layers, W_head, b_head):
    # node_embedding
    h = x @ W_emb + b_emb
    src = edge_index[0]
    dst = edge_index[1]
    e = edge_attr @ edge_W  # [E, H] edge encoder
    # message passing layers (concrete realization of abstract message_pass)
    for l in range(W_layers.shape[0]):
        m = jax.nn.relu(jnp.take(h, src, axis=0) + e)          # messages on edges (gather)
        agg = jax.ops.segment_sum(m, dst, num_segments=h.shape[0])  # scatter-add to dst nodes
        h = jax.nn.relu(agg @ W_layers[l] + b_layers[l]) + h   # update with residual
    # global_add_pool over batch assignment
    graph_repr = jax.ops.segment_sum(h, batch, num_segments=G)
    # prediction head
    out = graph_repr @ W_head + b_head
    return out

if __name__ == "__main__":
    import jax
    _d = setup_inputs()
    print(jax.jit(kernel)(*tuple(_d.values())))

</pallas_src>

<mosaic_0001>
#map = affine_map<(d0, d1) -> (0, 0)>
#map1 = affine_map<(d0, d1) -> (0, 0, 0)>
module attributes {stable_mosaic.version = 14 : i64} {
  func.func @_sc_body(%arg0: i32, %arg1: i32, %arg2: memref<10240x128xf32, #tpu.memory_space<hbm>>, %arg3: memref<320000x128xf32, #tpu.memory_space<hbm>>, %arg4: memref<32x250x80xi32, #tpu.memory_space<hbm>>, %arg5: memref<32x250x80xi32, #tpu.memory_space<hbm>>, %arg6: memref<10240x128xf32, #tpu.memory_space<hbm>>, %arg7: memref<250x80xi32, #tpu.memory_space<vmem>>, %arg8: memref<250x80xi32, #tpu.memory_space<vmem>>, %arg9: memref<80xi32, #tpu.memory_space<vmem>>, %arg10: memref<80x128xf32, #tpu.memory_space<vmem>>, %arg11: memref<5120x128xf32, #tpu.memory_space<vmem_shared>>, %arg12: memref<!tpu.dma_semaphore, #tpu.memory_space<semaphore_mem>>) attributes {dimension_semantics = [#tpu.dimension_semantics<core_parallel>, #tpu.dimension_semantics<subcore_parallel>], iteration_bounds = array<i64: 2, 16>, scalar_prefetch = 0 : i64, scratch_operands = 6 : i64, tpu.core_type = #tpu.core_type<sc_vector_subcore>, window_params = [{transform_indices = #map}, {transform_indices = #map}, {transform_indices = #map1}, {transform_indices = #map1}, {transform_indices = #map}]} {
    %mul3A = arith.constant 16 : i32
    %mul3A_0 = arith.muli %arg0, %mul3A : i32
    %add3A = arith.addi %mul3A_0, %arg1 : i32
    "tpu.region"() ({
      %run_scoped3A = tpu.sem_alloc : memref<!tpu.dma_semaphore, #tpu.memory_space<semaphore_mem>>
      %dma_start3A = arith.constant 0 : i32
      %dma_start3A_36 = arith.constant 0 : i32
      %dma_start3A_37 = tpu.memref_slice %arg4[%add3A, %dma_start3A, %dma_start3A_36] : memref<32x250x80xi32, #tpu.memory_space<hbm>> -> memref<1x250x80xi32, #tpu.memory_space<hbm>>
      %dma_start3A_38 = tpu.memref_squeeze %dma_start3A_37 : memref<1x250x80xi32, #tpu.memory_space<hbm>> -> memref<250x80xi32, #tpu.memory_space<hbm>>
      %dma_start3A_39 = arith.constant 0 : i32
      %dma_start3A_40 = arith.constant 0 : i32
      %dma_start3A_41 = tpu.memref_slice %arg4[%add3A, %dma_start3A_39, %dma_start3A_40] : memref<32x250x80xi32, #tpu.memory_space<hbm>> -> memref<1x250x80xi32, #tpu.memory_space<hbm>>
      %dma_start3A_42 = tpu.memref_squeeze %dma_start3A_41 : memref<1x250x80xi32, #tpu.memory_space<hbm>> -> memref<250x80xi32, #tpu.memory_space<hbm>>
      tpu.enqueue_dma source(%dma_start3A_42 : memref<250x80xi32, #tpu.memory_space<hbm>>) target(%arg7 : memref<250x80xi32, #tpu.memory_space<vmem>>) target_semaphore(%run_scoped3A : memref<!tpu.dma_semaphore, #tpu.memory_space<semaphore_mem>>)
      %dma_wait3A = arith.constant 0 : i32
      %dma_wait3A_43 = arith.constant 0 : i32
      %dma_wait3A_44 = tpu.memref_slice %arg4[%add3A, %dma_wait3A, %dma_wait3A_43] : memref<32x250x80xi32, #tpu.memory_space<hbm>> -> memref<1x250x80xi32, #tpu.memory_space<hbm>>
      %dma_wait3A_45 = tpu.memref_squeeze %dma_wait3A_44 : memref<1x250x80xi32, #tpu.memory_space<hbm>> -> memref<250x80xi32, #tpu.memory_space<hbm>>
      %dma_wait3A_46 = arith.constant 0 : i32
      %dma_wait3A_47 = arith.constant 0 : i32
      %dma_wait3A_48 = tpu.memref_slice %arg4[%add3A, %dma_wait3A_46, %dma_wait3A_47] : memref<32x250x80xi32, #tpu.memory_space<hbm>> -> memref<1x250x80xi32, #tpu.memory_space<hbm>>
      %dma_wait3A_49 = tpu.memref_squeeze %dma_wait3A_48 : memref<1x250x80xi32, #tpu.memory_space<hbm>> -> memref<250x80xi32, #tpu.memory_space<hbm>>
      tpu.wait_dma2 semaphore(%run_scoped3A : memref<!tpu.dma_semaphore, #tpu.memory_space<semaphore_mem>>) src(%dma_wait3A_49 : memref<250x80xi32, #tpu.memory_space<hbm>>) dst(%arg7 : memref<250x80xi32, #tpu.memory_space<vmem>>)
      tpu.yield
    }) : () -> ()
    "tpu.region"() ({
      %run_scoped3A = tpu.sem_alloc : memref<!tpu.dma_semaphore, #tpu.memory_space<semaphore_mem>>
      %dma_start3A = arith.constant 0 : i32
      %dma_start3A_36 = arith.constant 0 : i32
      %dma_start3A_37 = tpu.memref_slice %arg5[%add3A, %dma_start3A, %dma_start3A_36] : memref<32x250x80xi32, #tpu.memory_space<hbm>> -> memref<1x250x80xi32, #tpu.memory_space<hbm>>
      %dma_start3A_38 = tpu.memref_squeeze %dma_start3A_37 : memref<1x250x80xi32, #tpu.memory_space<hbm>> -> memref<250x80xi32, #tpu.memory_space<hbm>>
      %dma_start3A_39 = arith.constant 0 : i32
      %dma_start3A_40 = arith.constant 0 : i32
      %dma_start3A_41 = tpu.memref_slice %arg5[%add3A, %dma_start3A_39, %dma_start3A_40] : memref<32x250x80xi32, #tpu.memory_space<hbm>> -> memref<1x250x80xi32, #tpu.memory_space<hbm>>
      %dma_start3A_42 = tpu.memref_squeeze %dma_start3A_41 : memref<1x250x80xi32, #tpu.memory_space<hbm>> -> memref<250x80xi32, #tpu.memory_space<hbm>>
      tpu.enqueue_dma source(%dma_start3A_42 : memref<250x80xi32, #tpu.memory_space<hbm>>) target(%arg8 : memref<250x80xi32, #tpu.memory_space<vmem>>) target_semaphore(%run_scoped3A : memref<!tpu.dma_semaphore, #tpu.memory_space<semaphore_mem>>)
      %dma_wait3A = arith.constant 0 : i32
      %dma_wait3A_43 = arith.constant 0 : i32
      %dma_wait3A_44 = tpu.memref_slice %arg5[%add3A, %dma_wait3A, %dma_wait3A_43] : memref<32x250x80xi32, #tpu.memory_space<hbm>> -> memref<1x250x80xi32, #tpu.memory_space<hbm>>
      %dma_wait3A_45 = tpu.memref_squeeze %dma_wait3A_44 : memref<1x250x80xi32, #tpu.memory_space<hbm>> -> memref<250x80xi32, #tpu.memory_space<hbm>>
      %dma_wait3A_46 = arith.constant 0 : i32
      %dma_wait3A_47 = arith.constant 0 : i32
      %dma_wait3A_48 = tpu.memref_slice %arg5[%add3A, %dma_wait3A_46, %dma_wait3A_47] : memref<32x250x80xi32, #tpu.memory_space<hbm>> -> memref<1x250x80xi32, #tpu.memory_space<hbm>>
      %dma_wait3A_49 = tpu.memref_squeeze %dma_wait3A_48 : memref<1x250x80xi32, #tpu.memory_space<hbm>> -> memref<250x80xi32, #tpu.memory_space<hbm>>
      tpu.wait_dma2 semaphore(%run_scoped3A : memref<!tpu.dma_semaphore, #tpu.memory_space<semaphore_mem>>) src(%dma_wait3A_49 : memref<250x80xi32, #tpu.memory_space<hbm>>) dst(%arg8 : memref<250x80xi32, #tpu.memory_space<vmem>>)
      tpu.yield
    }) : () -> ()
    %scan3A = arith.constant 0 : i32
    %scan3A_1 = arith.constant 0 : i32
    %scan3A_2 = arith.constant 80 : i32
    %scan3A_3 = arith.addi %scan3A_1, %scan3A_2 : i32
    %scan3A_4 = arith.constant 1 : i32
    scf.for %scan3A_36 = %scan3A_1 to %scan3A_3 step %scan3A_4  : i32 {
      %broadcast_in_dim3A = arith.constant 0.000000e+00 : f32
      %broadcast_in_dim3A_37 = vector.broadcast %broadcast_in_dim3A : f32 to vector<16xf32>
      %swap3A = arith.index_cast %scan3A_36 : i32 to index
      %swap3A_38 = arith.constant 0 : index
      %swap3A_39 = tpu.vector_load %arg10[%swap3A, %swap3A_38] {strides = array<i32>} : memref<80x128xf32, #tpu.memory_space<vmem>>, vector<1x16xf32>,
      %swap3A_40 = vector.shape_cast %swap3A_39 : vector<1x16xf32> to vector<16xf32>
      %swap3A_41 = vector.shape_cast %broadcast_in_dim3A_37 : vector<16xf32> to vector<1x16xf32>
      tpu.vector_store %arg10[%swap3A, %swap3A_38], %swap3A_41 {strides = array<i32>} : memref<80x128xf32, #tpu.memory_space<vmem>>, vector<1x16xf32>,
      %broadcast_in_dim3A_42 = arith.constant 0.000000e+00 : f32
      %broadcast_in_dim3A_43 = vector.broadcast %broadcast_in_dim3A_42 : f32 to vector<16xf32>
      %swap3A_44 = arith.index_cast %scan3A_36 : i32 to index
      %swap3A_45 = arith.constant 16 : index
      %swap3A_46 = tpu.vector_load %arg10[%swap3A_44, %swap3A_45] {strides = array<i32>} : memref<80x128xf32, #tpu.memory_space<vmem>>, vector<1x16xf32>,
      %swap3A_47 = vector.shape_cast %swap3A_46 : vector<1x16xf32> to vector<16xf32>
      %swap3A_48 = vector.shape_cast %broadcast_in_dim3A_43 : vector<16xf32> to vector<1x16xf32>
      tpu.vector_store %arg10[%swap3A_44, %swap3A_45], %swap3A_48 {strides = array<i32>} : memref<80x128xf32, #tpu.memory_space<vmem>>, vector<1x16xf32>,
      %broadcast_in_dim3A_49 = arith.constant 0.000000e+00 : f32
      %broadcast_in_dim3A_50 = vector.broadcast %broadcast_in_dim3A_49 : f32 to vector<16xf32>
      %swap3A_51 = arith.index_cast %scan3A_36 : i32 to index
      %swap3A_52 = arith.constant 32 : index
      %swap3A_53 = tpu.vector_load %arg10[%swap3A_51, %swap3A_52] {strides = array<i32>} : memref<80x128xf32, #tpu.memory_space<vmem>>, vector<1x16xf32>,
      %swap3A_54 = vector.shape_cast %swap3A_53 : vector<1x16xf32> to vector<16xf32>
      %swap3A_55 = vector.shape_cast %broadcast_in_dim3A_50 : vector<16xf32> to vector<1x16xf32>
      tpu.vector_store %arg10[%swap3A_51, %swap3A_52], %swap3A_55 {strides = array<i32>} : memref<80x128xf32, #tpu.memory_space<vmem>>, vector<1x16xf32>,
      %broadcast_in_dim3A_56 = arith.constant 0.000000e+00 : f32
      %broadcast_in_dim3A_57 = vector.broadcast %broadcast_in_dim3A_56 : f32 to vector<16xf32>
      %swap3A_58 = arith.index_cast %scan3A_36 : i32 to index
      %swap3A_59 = arith.constant 48 : index
      %swap3A_60 = tpu.vector_load %arg10[%swap3A_58, %swap3A_59] {strides = array<i32>} : memref<80x128xf32, #tpu.memory_space<vmem>>, vector<1x16xf32>,
      %swap3A_61 = vector.shape_cast %swap3A_60 : vector<1x16xf32> to vector<16xf32>
      %swap3A_62 = vector.shape_cast %broadcast_in_dim3A_57 : vector<16xf32> to vector<1x16xf32>
      tpu.vector_store %arg10[%swap3A_58, %swap3A_59], %swap3A_62 {strides = array<i32>} : memref<80x128xf32, #tpu.memory_space<vmem>>, vector<1x16xf32>,
      %broadcast_in_dim3A_63 = arith.constant 0.000000e+00 : f32
      %broadcast_in_dim3A_64 = vector.broadcast %broadcast_in_dim3A_63 : f32 to vector<16xf32>
      %swap3A_65 = arith.index_cast %scan3A_36 : i32 to index
      %swap3A_66 = arith.constant 64 : index
      %swap3A_67 = tpu.vector_load %arg10[%swap3A_65, %swap3A_66] {strides = array<i32>} : memref<80x128xf32, #tpu.memory_space<vmem>>, vector<1x16xf32>,
      %swap3A_68 = vector.shape_cast %swap3A_67 : vector<1x16xf32> to vector<16xf32>
      %swap3A_69 = vector.shape_cast %broadcast_in_dim3A_64 : vector<16xf32> to vector<1x16xf32>
      tpu.vector_store %arg10[%swap3A_65, %swap3A_66], %swap3A_69 {strides = array<i32>} : memref<80x128xf32, #tpu.memory_space<vmem>>, vector<1x16xf32>,
      %broadcast_in_dim3A_70 = arith.constant 0.000000e+00 : f32
      %broadcast_in_dim3A_71 = vector.broadcast %broadcast_in_dim3A_70 : f32 to vector<16xf32>
      %swap3A_72 = arith.index_cast %scan3A_36 : i32 to index
      %swap3A_73 = arith.constant 80 : index
      %swap3A_74 = tpu.vector_load %arg10[%swap3A_72, %swap3A_73] {strides = array<i32>} : memref<80x128xf32, #tpu.memory_space<vmem>>, vector<1x16xf32>,
      %swap3A_75 = vector.shape_cast %swap3A_74 : vector<1x16xf32> to vector<16xf32>
      %swap3A_76 = vector.shape_cast %broadcast_in_dim3A_71 : vector<16xf32> to vector<1x16xf32>
      tpu.vector_store %arg10[%swap3A_72, %swap3A_73], %swap3A_76 {strides = array<i32>} : memref<80x128xf32, #tpu.memory_space<vmem>>, vector<1x16xf32>,
      %broadcast_in_dim3A_77 = arith.constant 0.000000e+00 : f32
      %broadcast_in_dim3A_78 = vector.broadcast %broadcast_in_dim3A_77 : f32 to vector<16xf32>
      %swap3A_79 = arith.index_cast %scan3A_36 : i32 to index
      %swap3A_80 = arith.constant 96 : index
      %swap3A_81 = tpu.vector_load %arg10[%swap3A_79, %swap3A_80] {strides = array<i32>} : memref<80x128xf32, #tpu.memory_space<vmem>>, vector<1x16xf32>,
      %swap3A_82 = vector.shape_cast %swap3A_81 : vector<1x16xf32> to vector<16xf32>
      %swap3A_83 = vector.shape_cast %broadcast_in_dim3A_78 : vector<16xf32> to vector<1x16xf32>
      tpu.vector_store %arg10[%swap3A_79, %swap3A_80], %swap3A_83 {strides = array<i32>} : memref<80x128xf32, #tpu.memory_space<vmem>>, vector<1x16xf32>,
      %broadcast_in_dim3A_84 = arith.constant 0.000000e+00 : f32
      %broadcast_in_dim3A_85 = vector.broadcast %broadcast_in_dim3A_84 : f32 to vector<16xf32>
      %swap3A_86 = arith.index_cast %scan3A_36 : i32 to index
      %swap3A_87 = arith.constant 112 : index
      %swap3A_88 = tpu.vector_load %arg10[%swap3A_86, %swap3A_87] {strides = array<i32>} : memref<80x128xf32, #tpu.memory_space<vmem>>, vector<1x16xf32>,
      %swap3A_89 = vector.shape_cast %swap3A_88 : vector<1x16xf32> to vector<16xf32>
      %swap3A_90 = vector.shape_cast %broadcast_in_dim3A_85 : vector<16xf32> to vector<1x16xf32>
      tpu.vector_store %arg10[%swap3A_86, %swap3A_87], %swap3A_90 {strides = array<i32>} : memref<80x128xf32, #tpu.memory_space<vmem>>, vector<1x16xf32>,
    }
    %scan3A_5 = arith.constant 80 : i32
    %mul3A_6 = arith.constant 320 : i32
    %mul3A_7 = arith.muli %arg1, %mul3A_6 : i32
    %add3A_8 = arith.constant 0 : i32
    %add3A_9 = arith.addi %mul3A_7, %add3A_8 : i32
    "tpu.region"() ({
      %run_scoped3A = tpu.sem_alloc : memref<!tpu.dma_semaphore, #tpu.memory_space<semaphore_mem>>
      %dma_start3A = arith.constant 0 : i32
      %dma_start3A_36 = tpu.memref_slice %arg11[%add3A_9, %dma_start3A] : memref<5120x128xf32, #tpu.memory_space<vmem_shared>> -> memref<80x128xf32, #tpu.memory_space<vmem_shared>>
      %dma_start3A_37 = arith.constant 0 : i32
      %dma_start3A_38 = tpu.memref_slice %arg11[%add3A_9, %dma_start3A_37] : memref<5120x128xf32, #tpu.memory_space<vmem_shared>> -> memref<80x128xf32, #tpu.memory_space<vmem_shared>>
      tpu.enqueue_dma source(%arg10 : memref<80x128xf32, #tpu.memory_space<vmem>>) target(%dma_start3A_38 : memref<80x128xf32, #tpu.memory_space<vmem_shared>>) target_semaphore(%run_scoped3A : memref<!tpu.dma_semaphore, #tpu.memory_space<semaphore_mem>>)
      %dma_wait3A = arith.constant 0 : i32
      %dma_wait3A_39 = tpu.memref_slice %arg11[%add3A_9, %dma_wait3A] : memref<5120x128xf32, #tpu.memory_space<vmem_shared>> -> memref<80x128xf32, #tpu.memory_space<vmem_shared>>
      %dma_wait3A_40 = arith.constant 0 : i32
      %dma_wait3A_41 = tpu.memref_slice %arg11[%add3A_9, %dma_wait3A_40] : memref<5120x128xf32, #tpu.memory_space<vmem_shared>> -> memref<80x128xf32, #tpu.memory_space<vmem_shared>>
      tpu.wait_dma2 semaphore(%run_scoped3A : memref<!tpu.dma_semaphore, #tpu.memory_space<semaphore_mem>>) src(%arg10 : memref<80x128xf32, #tpu.memory_space<vmem>>) dst(%dma_wait3A_41 : memref<80x128xf32, #tpu.memory_space<vmem_shared>>)
      tpu.yield
    }) : () -> ()
    %mul3A_10 = arith.constant 320 : i32
    %mul3A_11 = arith.muli %arg1, %mul3A_10 : i32
    %add3A_12 = arith.constant 80 : i32
    %add3A_13 = arith.addi %mul3A_11, %add3A_12 : i32
    "tpu.region"() ({
      %run_scoped3A = tpu.sem_alloc : memref<!tpu.dma_semaphore, #tpu.memory_space<semaphore_mem>>
      %dma_start3A = arith.constant 0 : i32
      %dma_start3A_36 = tpu.memref_slice %arg11[%add3A_13, %dma_start3A] : memref<5120x128xf32, #tpu.memory_space<vmem_shared>> -> memref<80x128xf32, #tpu.memory_space<vmem_shared>>
      %dma_start3A_37 = arith.constant 0 : i32
      %dma_start3A_38 = tpu.memref_slice %arg11[%add3A_13, %dma_start3A_37] : memref<5120x128xf32, #tpu.memory_space<vmem_shared>> -> memref<80x128xf32, #tpu.memory_space<vmem_shared>>
      tpu.enqueue_dma source(%arg10 : memref<80x128xf32, #tpu.memory_space<vmem>>) target(%dma_start3A_38 : memref<80x128xf32, #tpu.memory_space<vmem_shared>>) target_semaphore(%run_scoped3A : memref<!tpu.dma_semaphore, #tpu.memory_space<semaphore_mem>>)
      %dma_wait3A = arith.constant 0 : i32
      %dma_wait3A_39 = tpu.memref_slice %arg11[%add3A_13, %dma_wait3A] : memref<5120x128xf32, #tpu.memory_space<vmem_shared>> -> memref<80x128xf32, #tpu.memory_space<vmem_shared>>
      %dma_wait3A_40 = arith.constant 0 : i32
      %dma_wait3A_41 = tpu.memref_slice %arg11[%add3A_13, %dma_wait3A_40] : memref<5120x128xf32, #tpu.memory_space<vmem_shared>> -> memref<80x128xf32, #tpu.memory_space<vmem_shared>>
      tpu.wait_dma2 semaphore(%run_scoped3A : memref<!tpu.dma_semaphore, #tpu.memory_space<semaphore_mem>>) src(%arg10 : memref<80x128xf32, #tpu.memory_space<vmem>>) dst(%dma_wait3A_41 : memref<80x128xf32, #tpu.memory_space<vmem_shared>>)
      tpu.yield
    }) : () -> ()
    %mul3A_14 = arith.constant 320 : i32
    %mul3A_15 = arith.muli %arg1, %mul3A_14 : i32
    %add3A_16 = arith.constant 160 : i32
    %add3A_17 = arith.addi %mul3A_15, %add3A_16 : i32
    "tpu.region"() ({
      %run_scoped3A = tpu.sem_alloc : memref<!tpu.dma_semaphore, #tpu.memory_space<semaphore_mem>>
      %dma_start3A = arith.constant 0 : i32
      %dma_start3A_36 = tpu.memref_slice %arg11[%add3A_17, %dma_start3A] : memref<5120x128xf32, #tpu.memory_space<vmem_shared>> -> memref<80x128xf32, #tpu.memory_space<vmem_shared>>
      %dma_start3A_37 = arith.constant 0 : i32
      %dma_start3A_38 = tpu.memref_slice %arg11[%add3A_17, %dma_start3A_37] : memref<5120x128xf32, #tpu.memory_space<vmem_shared>> -> memref<80x128xf32, #tpu.memory_space<vmem_shared>>
      tpu.enqueue_dma source(%arg10 : memref<80x128xf32, #tpu.memory_space<vmem>>) target(%dma_start3A_38 : memref<80x128xf32, #tpu.memory_space<vmem_shared>>) target_semaphore(%run_scoped3A : memref<!tpu.dma_semaphore, #tpu.memory_space<semaphore_mem>>)
      %dma_wait3A = arith.constant 0 : i32
      %dma_wait3A_39 = tpu.memref_slice %arg11[%add3A_17, %dma_wait3A] : memref<5120x128xf32, #tpu.memory_space<vmem_shared>> -> memref<80x128xf32, #tpu.memory_space<vmem_shared>>
      %dma_wait3A_40 = arith.constant 0 : i32
      %dma_wait3A_41 = tpu.memref_slice %arg11[%add3A_17, %dma_wait3A_40] : memref<5120x128xf32, #tpu.memory_space<vmem_shared>> -> memref<80x128xf32, #tpu.memory_space<vmem_shared>>
      tpu.wait_dma2 semaphore(%run_scoped3A : memref<!tpu.dma_semaphore, #tpu.memory_space<semaphore_mem>>) src(%arg10 : memref<80x128xf32, #tpu.memory_space<vmem>>) dst(%dma_wait3A_41 : memref<80x128xf32, #tpu.memory_space<vmem_shared>>)
      tpu.yield
    }) : () -> ()
    %mul3A_18 = arith.constant 320 : i32
    %mul3A_19 = arith.muli %arg1, %mul3A_18 : i32
    %add3A_20 = arith.constant 240 : i32
    %add3A_21 = arith.addi %mul3A_19, %add3A_20 : i32
    "tpu.region"() ({
      %run_scoped3A = tpu.sem_alloc : memref<!tpu.dma_semaphore, #tpu.memory_space<semaphore_mem>>
      %dma_start3A = arith.constant 0 : i32
      %dma_start3A_36 = tpu.memref_slice %arg11[%add3A_21, %dma_start3A] : memref<5120x128xf32, #tpu.memory_space<vmem_shared>> -> memref<80x128xf32, #tpu.memory_space<vmem_shared>>
      %dma_start3A_37 = arith.constant 0 : i32
      %dma_start3A_38 = tpu.memref_slice %arg11[%add3A_21, %dma_start3A_37] : memref<5120x128xf32, #tpu.memory_space<vmem_shared>> -> memref<80x128xf32, #tpu.memory_space<vmem_shared>>
      tpu.enqueue_dma source(%arg10 : memref<80x128xf32, #tpu.memory_space<vmem>>) target(%dma_start3A_38 : memref<80x128xf32, #tpu.memory_space<vmem_shared>>) target_semaphore(%run_scoped3A : memref<!tpu.dma_semaphore, #tpu.memory_space<semaphore_mem>>)
      %dma_wait3A = arith.constant 0 : i32
      %dma_wait3A_39 = tpu.memref_slice %arg11[%add3A_21, %dma_wait3A] : memref<5120x128xf32, #tpu.memory_space<vmem_shared>> -> memref<80x128xf32, #tpu.memory_space<vmem_shared>>
      %dma_wait3A_40 = arith.constant 0 : i32
      %dma_wait3A_41 = tpu.memref_slice %arg11[%add3A_21, %dma_wait3A_40] : memref<5120x128xf32, #tpu.memory_space<vmem_shared>> -> memref<80x128xf32, #tpu.memory_space<vmem_shared>>
      tpu.wait_dma2 semaphore(%run_scoped3A : memref<!tpu.dma_semaphore, #tpu.memory_space<semaphore_mem>>) src(%arg10 : memref<80x128xf32, #tpu.memory_space<vmem>>) dst(%dma_wait3A_41 : memref<80x128xf32, #tpu.memory_space<vmem_shared>>)
      tpu.yield
    }) : () -> ()
    %barrier3A = arith.constant 0 : index
    tpu.barrier barrier_id(%barrier3A)
    %scan3A_22 = arith.constant 0 : i32
    %scan3A_23 = arith.constant 0 : i32
    %scan3A_24 = arith.constant 250 : i32
    %scan3A_25 = arith.addi %scan3A_23, %scan3A_24 : i32
    %scan3A_26 = arith.constant 1 : i32
    scf.for %scan3A_36 = %scan3A_23 to %scan3A_25 step %scan3A_26  : i32 {
      %mul3A_37 = arith.constant 20000 : i32
      %mul3A_38 = arith.muli %arg1, %mul3A_37 : i32
      %mul3A_39 = arith.constant 80 : i32
      %mul3A_40 = arith.muli %scan3A_36, %mul3A_39 : i32
      %add3A_41 = arith.addi %mul3A_38, %mul3A_40 : i32
      %get3A = arith.index_cast %scan3A_36 : i32 to index
      %get3A_42 = arith.constant 0 : index
      %get3A_43 = tpu.vector_load %arg8[%get3A, %get3A_42] {strides = array<i32>} : memref<250x80xi32, #tpu.memory_space<vmem>>, vector<1x16xi32>,
      %get3A_44 = vector.shape_cast %get3A_43 : vector<1x16xi32> to vector<16xi32>
      %iota3A = tpu.iota {dimensions = array<i32: 0>} : vector<16xi32>
      %add3A_45 = arith.constant 0 : i32
      %add3A_46 = arith.addi %add3A_41, %add3A_45 : i32
      %add3A_47 = vector.broadcast %add3A_46 : i32 to vector<16xi32>
      %add3A_48 = arith.addi %iota3A, %add3A_47 : vector<16xi32>
      %lt3A = arith.constant 0 : i32
      %lt3A_49 = vector.broadcast %lt3A : i32 to vector<16xi32>
      %lt3A_50 = arith.cmpi slt, %get3A_44, %lt3A_49 : vector<16xi32>
      %jit3A = arith.constant -1 : i32
      %broadcast_in_dim3A = vector.broadcast %jit3A : i32 to vector<16xi32>
      %select_n3A = arith.select %lt3A_50, %broadcast_in_dim3A, %add3A_48 : vector<16xi1>, vector<16xi32>
      %swap3A = arith.constant 0 : index
      %swap3A_51 = tpu.vector_load %arg9[%swap3A] {strides = array<i32>} : memref<80xi32, #tpu.memory_space<vmem>>, vector<16xi32>,
      %swap3A_52 = vector.shape_cast %swap3A_51 : vector<16xi32> to vector<16xi32>
      %swap3A_53 = vector.shape_cast %select_n3A : vector<16xi32> to vector<16xi32>
      tpu.vector_store %arg9[%swap3A], %swap3A_53 {strides = array<i32>} : memref<80xi32, #tpu.memory_space<vmem>>, vector<16xi32>,
      %get3A_54 = arith.index_cast %scan3A_36 : i32 to index
      %get3A_55 = arith.constant 16 : index
      %get3A_56 = tpu.vector_load %arg8[%get3A_54, %get3A_55] {strides = array<i32>} : memref<250x80xi32, #tpu.memory_space<vmem>>, vector<1x16xi32>,
      %get3A_57 = vector.shape_cast %get3A_56 : vector<1x16xi32> to vector<16xi32>
      %iota3A_58 = tpu.iota {dimensions = array<i32: 0>} : vector<16xi32>
      %add3A_59 = arith.constant 16 : i32
      %add3A_60 = arith.addi %add3A_41, %add3A_59 : i32
      %add3A_61 = vector.broadcast %add3A_60 : i32 to vector<16xi32>
      %add3A_62 = arith.addi %iota3A_58, %add3A_61 : vector<16xi32>
      %lt3A_63 = arith.constant 0 : i32
      %lt3A_64 = vector.broadcast %lt3A_63 : i32 to vector<16xi32>
      %lt3A_65 = arith.cmpi slt, %get3A_57, %lt3A_64 : vector<16xi32>
      %jit3A_66 = arith.constant -1 : i32
      %broadcast_in_dim3A_67 = vector.broadcast %jit3A_66 : i32 to vector<16xi32>
      %select_n3A_68 = arith.select %lt3A_65, %broadcast_in_dim3A_67, %add3A_62 : vector<16xi1>, vector<16xi32>
      %swap3A_69 = arith.constant 16 : index
      %swap3A_70 = tpu.vector_load %arg9[%swap3A_69] {strides = array<i32>} : memref<80xi32, #tpu.memory_space<vmem>>, vector<16xi32>,
      %swap3A_71 = vector.shape_cast %swap3A_70 : vector<16xi32> to vector<16xi32>
      %swap3A_72 = vector.shape_cast %select_n3A_68 : vector<16xi32> to vector<16xi32>
      tpu.vector_store %arg9[%swap3A_69], %swap3A_72 {strides = array<i32>} : memref<80xi32, #tpu.memory_space<vmem>>, vector<16xi32>,
      %get3A_73 = arith.index_cast %scan3A_36 : i32 to index
      %get3A_74 = arith.constant 32 : index
      %get3A_75 = tpu.vector_load %arg8[%get3A_73, %get3A_74] {strides = array<i32>} : memref<250x80xi32, #tpu.memory_space<vmem>>, vector<1x16xi32>,
      %get3A_76 = vector.shape_cast %get3A_75 : vector<1x16xi32> to vector<16xi32>
      %iota3A_77 = tpu.iota {dimensions = array<i32: 0>} : vector<16xi32>
      %add3A_78 = arith.constant 32 : i32
      %add3A_79 = arith.addi %add3A_41, %add3A_78 : i32
      %add3A_80 = vector.broadcast %add3A_79 : i32 to vector<16xi32>
      %add3A_81 = arith.addi %iota3A_77, %add3A_80 : vector<16xi32>
      %lt3A_82 = arith.constant 0 : i32
      %lt3A_83 = vector.broadcast %lt3A_82 : i32 to vector<16xi32>
      %lt3A_84 = arith.cmpi slt, %get3A_76, %lt3A_83 : vector<16xi32>
      %jit3A_85 = arith.constant -1 : i32
      %broadcast_in_dim3A_86 = vector.broadcast %jit3A_85 : i32 to vector<16xi32>
      %select_n3A_87 = arith.select %lt3A_84, %broadcast_in_dim3A_86, %add3A_81 : vector<16xi1>, vector<16xi32>
      %swap3A_88 = arith.constant 32 : index
      %swap3A_89 = tpu.vector_load %arg9[%swap3A_88] {strides = array<i32>} : memref<80xi32, #tpu.memory_space<vmem>>, vector<16xi32>,
      %swap3A_90 = vector.shape_cast %swap3A_89 : vector<16xi32> to vector<16xi32>
      %swap3A_91 = vector.shape_cast %select_n3A_87 : vector<16xi32> to vector<16xi32>
      tpu.vector_store %arg9[%swap3A_88], %swap3A_91 {strides = array<i32>} : memref<80xi32, #tpu.memory_space<vmem>>, vector<16xi32>,
      %get3A_92 = arith.index_cast %scan3A_36 : i32 to index
      %get3A_93 = arith.constant 48 : index
      %get3A_94 = tpu.vector_load %arg8[%get3A_92, %get3A_93] {strides = array<i32>} : memref<250x80xi32, #tpu.memory_space<vmem>>, vector<1x16xi32>,
      %get3A_95 = vector.shape_cast %get3A_94 : vector<1x16xi32> to vector<16xi32>
      %iota3A_96 = tpu.iota {dimensions = array<i32: 0>} : vector<16xi32>
      %add3A_97 = arith.constant 48 : i32
      %add3A_98 = arith.addi %add3A_41, %add3A_97 : i32
      %add3A_99 = vector.broadcast %add3A_98 : i32 to vector<16xi32>
      %add3A_100 = arith.addi %iota3A_96, %add3A_99 : vector<16xi32>
      %lt3A_101 = arith.constant 0 : i32
      %lt3A_102 = vector.broadcast %lt3A_101 : i32 to vector<16xi32>
      %lt3A_103 = arith.cmpi slt, %get3A_95, %lt3A_102 : vector<16xi32>
      %jit3A_104 = arith.constant -1 : i32
      %broadcast_in_dim3A_105 = vector.broadcast %jit3A_104 : i32 to vector<16xi32>
      %select_n3A_106 = arith.select %lt3A_103, %broadcast_in_dim3A_105, %add3A_100 : vector<16xi1>, vector<16xi32>
      %swap3A_107 = arith.constant 48 : index
      %swap3A_108 = tpu.vector_load %arg9[%swap3A_107] {strides = array<i32>} : memref<80xi32, #tpu.memory_space<vmem>>, vector<16xi32>,
      %swap3A_109 = vector.shape_cast %swap3A_108 : vector<16xi32> to vector<16xi32>
      %swap3A_110 = vector.shape_cast %select_n3A_106 : vector<16xi32> to vector<16xi32>
      tpu.vector_store %arg9[%swap3A_107], %swap3A_110 {strides = array<i32>} : memref<80xi32, #tpu.memory_space<vmem>>, vector<16xi32>,
      %get3A_111 = arith.index_cast %scan3A_36 : i32 to index
      %get3A_112 = arith.constant 64 : index
      %get3A_113 = tpu.vector_load %arg8[%get3A_111, %get3A_112] {strides = array<i32>} : memref<250x80xi32, #tpu.memory_space<vmem>>, vector<1x16xi32>,
      %get3A_114 = vector.shape_cast %get3A_113 : vector<1x16xi32> to vector<16xi32>
      %iota3A_115 = tpu.iota {dimensions = array<i32: 0>} : vector<16xi32>
      %add3A_116 = arith.constant 64 : i32
      %add3A_117 = arith.addi %add3A_41, %add3A_116 : i32
      %add3A_118 = vector.broadcast %add3A_117 : i32 to vector<16xi32>
      %add3A_119 = arith.addi %iota3A_115, %add3A_118 : vector<16xi32>
      %lt3A_120 = arith.constant 0 : i32
      %lt3A_121 = vector.broadcast %lt3A_120 : i32 to vector<16xi32>
      %lt3A_122 = arith.cmpi slt, %get3A_114, %lt3A_121 : vector<16xi32>
      %jit3A_123 = arith.constant -1 : i32
      %broadcast_in_dim3A_124 = vector.broadcast %jit3A_123 : i32 to vector<16xi32>
      %select_n3A_125 = arith.select %lt3A_122, %broadcast_in_dim3A_124, %add3A_119 : vector<16xi1>, vector<16xi32>
      %swap3A_126 = arith.constant 64 : index
      %swap3A_127 = tpu.vector_load %arg9[%swap3A_126] {strides = array<i32>} : memref<80xi32, #tpu.memory_space<vmem>>, vector<16xi32>,
      %swap3A_128 = vector.shape_cast %swap3A_127 : vector<16xi32> to vector<16xi32>
      %swap3A_129 = vector.shape_cast %select_n3A_125 : vector<16xi32> to vector<16xi32>
      tpu.vector_store %arg9[%swap3A_126], %swap3A_129 {strides = array<i32>} : memref<80xi32, #tpu.memory_space<vmem>>, vector<16xi32>,
      "tpu.region"() ({
        %run_scoped3A = tpu.sem_alloc : memref<!tpu.dma_semaphore, #tpu.memory_space<semaphore_mem>>
        %dma_start3A = arith.constant 0 : i32
        %dma_start3A_136 = arith.constant 0 : i32
        %dma_start3A_137 = tpu.memref_slice %arg3[%dma_start3A, %dma_start3A_136] : memref<320000x128xf32, #tpu.memory_space<hbm>> -> memref<320000x128xf32, #tpu.memory_space<hbm>>
        %dma_start3A_138 = arith.constant -1 : i32
        tpu.enqueue_indirect_dma source(%dma_start3A_137 : memref<320000x128xf32, #tpu.memory_space<hbm>>) target(%arg10 : memref<80x128xf32, #tpu.memory_space<vmem>>) offsets(%arg9 : memref<80xi32, #tpu.memory_space<vmem>>) offset_filter(%dma_start3A_138) semaphore(%run_scoped3A : memref<!tpu.dma_semaphore, #tpu.memory_space<semaphore_mem>>)
        %dma_wait3A = arith.constant 0 : i32
        %dma_wait3A_139 = arith.constant 0 : i32
        %dma_wait3A_140 = tpu.memref_slice %arg3[%dma_wait3A, %dma_wait3A_139] : memref<320000x128xf32, #tpu.memory_space<hbm>> -> memref<320000x128xf32, #tpu.memory_space<hbm>>
        tpu.wait_indirect_dma semaphore(%run_scoped3A : memref<!tpu.dma_semaphore, #tpu.memory_space<semaphore_mem>>) src(%dma_wait3A_140 : memref<320000x128xf32, #tpu.memory_space<hbm>>) dst(%arg10 : memref<80x128xf32, #tpu.memory_space<vmem>>)
        tpu.yield
      }) : () -> ()
      "tpu.region"() ({
        %run_scoped3A = tpu.sem_alloc : memref<!tpu.dma_semaphore, #tpu.memory_space<semaphore_mem>>
        %dma_start3A = arith.constant 0 : i32
        %dma_start3A_136 = tpu.memref_slice %arg7[%scan3A_36, %dma_start3A] : memref<250x80xi32, #tpu.memory_space<vmem>> -> memref<1x80xi32, #tpu.memory_space<vmem>>
        %dma_start3A_137 = tpu.memref_squeeze %dma_start3A_136 : memref<1x80xi32, #tpu.memory_space<vmem>> -> memref<80xi32, #tpu.memory_space<vmem>>
        %dma_start3A_138 = arith.constant 0 : i32
        %dma_start3A_139 = arith.constant 0 : i32
        %dma_start3A_140 = tpu.memref_slice %arg2[%dma_start3A_138, %dma_start3A_139] : memref<10240x128xf32, #tpu.memory_space<hbm>> -> memref<10240x128xf32, #tpu.memory_space<hbm>>
        %dma_start3A_141 = arith.constant -1 : i32
        tpu.enqueue_indirect_dma source(%dma_start3A_140 : memref<10240x128xf32, #tpu.memory_space<hbm>>) target(%arg10 : memref<80x128xf32, #tpu.memory_space<vmem>>) offsets(%dma_start3A_137 : memref<80xi32, #tpu.memory_space<vmem>>) offset_filter(%dma_start3A_141) semaphore(%run_scoped3A : memref<!tpu.dma_semaphore, #tpu.memory_space<semaphore_mem>>) {add = true}
        %dma_wait3A = arith.constant 0 : i32
        %dma_wait3A_142 = tpu.memref_slice %arg7[%scan3A_36, %dma_wait3A] : memref<250x80xi32, #tpu.memory_space<vmem>> -> memref<1x80xi32, #tpu.memory_space<vmem>>
        %dma_wait3A_143 = tpu.memref_squeeze %dma_wait3A_142 : memref<1x80xi32, #tpu.memory_space<vmem>> -> memref<80xi32, #tpu.memory_space<vmem>>
        %dma_wait3A_144 = arith.constant 0 : i32
        %dma_wait3A_145 = arith.constant 0 : i32
        %dma_wait3A_146 = tpu.memref_slice %arg2[%dma_wait3A_144, %dma_wait3A_145] : memref<10240x128xf32, #tpu.memory_space<hbm>> -> memref<10240x128xf32, #tpu.memory_space<hbm>>
        tpu.wait_indirect_dma semaphore(%run_scoped3A : memref<!tpu.dma_semaphore, #tpu.memory_space<semaphore_mem>>) src(%dma_wait3A_146 : memref<10240x128xf32, #tpu.memory_space<hbm>>) dst(%arg10 : memref<80x128xf32, #tpu.memory_space<vmem>>)
        tpu.yield
      }) : () -> ()
      %scan3A_130 = arith.constant 0 : i32
      %scan3A_131 = arith.constant 0 : i32
      %scan3A_132 = arith.constant 80 : i32
      %scan3A_133 = arith.addi %scan3A_131, %scan3A_132 : i32
      %scan3A_134 = arith.constant 1 : i32
      scf.for %scan3A_136 = %scan3A_131 to %scan3A_133 step %scan3A_134  : i32 {
        %get3A_137 = arith.index_cast %scan3A_136 : i32 to index
        %get3A_138 = arith.constant 0 : index
        %get3A_139 = tpu.vector_load %arg10[%get3A_137, %get3A_138] {strides = array<i32>} : memref<80x128xf32, #tpu.memory_space<vmem>>, vector<1x16xf32>,
        %get3A_140 = vector.shape_cast %get3A_139 : vector<1x16xf32> to vector<16xf32>
        %max3A = arith.constant 0.000000e+00 : f32
        %max3A_141 = vector.broadcast %max3A : f32 to vector<16xf32>
        %max3A_142 = arith.maximumf %get3A_140, %max3A_141 : vector<16xf32>
        %swap3A_143 = arith.index_cast %scan3A_136 : i32 to index
        %swap3A_144 = arith.constant 0 : index
        %swap3A_145 = tpu.vector_load %arg10[%swap3A_143, %swap3A_144] {strides = array<i32>} : memref<80x128xf32, #tpu.memory_space<vmem>>, vector<1x16xf32>,
        %swap3A_146 = vector.shape_cast %swap3A_145 : vector<1x16xf32> to vector<16xf32>
        %swap3A_147 = vector.shape_cast %max3A_142 : vector<16xf32> to vector<1x16xf32>
        tpu.vector_store %arg10[%swap3A_143, %swap3A_144], %swap3A_147 {strides = array<i32>} : memref<80x128xf32, #tpu.memory_space<vmem>>, vector<1x16xf32>,
        %get3A_148 = arith.index_cast %scan3A_136 : i32 to index
        %get3A_149 = arith.constant 16 : index
        %get3A_150 = tpu.vector_load %arg10[%get3A_148, %get3A_149] {strides = array<i32>} : memref<80x128xf32, #tpu.memory_space<vmem>>, vector<1x16xf32>,
        %get3A_151 = vector.shape_cast %get3A_150 : vector<1x16xf32> to vector<16xf32>
        %max3A_152 = arith.constant 0.000000e+00 : f32
        %max3A_153 = vector.broadcast %max3A_152 : f32 to vector<16xf32>
        %max3A_154 = arith.maximumf %get3A_151, %max3A_153 : vector<16xf32>
        %swap3A_155 = arith.index_cast %scan3A_136 : i32 to index
        %swap3A_156 = arith.constant 16 : index
        %swap3A_157 = tpu.vector_load %arg10[%swap3A_155, %swap3A_156] {strides = array<i32>} : memref<80x128xf32, #tpu.memory_space<vmem>>, vector<1x16xf32>,
        %swap3A_158 = vector.shape_cast %swap3A_157 : vector<1x16xf32> to vector<16xf32>
        %swap3A_159 = vector.shape_cast %max3A_154 : vector<16xf32> to vector<1x16xf32>
        tpu.vector_store %arg10[%swap3A_155, %swap3A_156], %swap3A_159 {strides = array<i32>} : memref<80x128xf32, #tpu.memory_space<vmem>>, vector<1x16xf32>,
        %get3A_160 = arith.index_cast %scan3A_136 : i32 to index
        %get3A_161 = arith.constant 32 : index
        %get3A_162 = tpu.vector_load %arg10[%get3A_160, %get3A_161] {strides = array<i32>} : memref<80x128xf32, #tpu.memory_space<vmem>>, vector<1x16xf32>,
        %get3A_163 = vector.shape_cast %get3A_162 : vector<1x16xf32> to vector<16xf32>
        %max3A_164 = arith.constant 0.000000e+00 : f32
        %max3A_165 = vector.broadcast %max3A_164 : f32 to vector<16xf32>
        %max3A_166 = arith.maximumf %get3A_163, %max3A_165 : vector<16xf32>
        %swap3A_167 = arith.index_cast %scan3A_136 : i32 to index
        %swap3A_168 = arith.constant 32 : index
        %swap3A_169 = tpu.vector_load %arg10[%swap3A_167, %swap3A_168] {strides = array<i32>} : memref<80x128xf32, #tpu.memory_space<vmem>>, vector<1x16xf32>,
        %swap3A_170 = vector.shape_cast %swap3A_169 : vector<1x16xf32> to vector<16xf32>
        %swap3A_171 = vector.shape_cast %max3A_166 : vector<16xf32> to vector<1x16xf32>
        tpu.vector_store %arg10[%swap3A_167, %swap3A_168], %swap3A_171 {strides = array<i32>} : memref<80x128xf32, #tpu.memory_space<vmem>>, vector<1x16xf32>,
        %get3A_172 = arith.index_cast %scan3A_136 : i32 to index
        %get3A_173 = arith.constant 48 : index
        %get3A_174 = tpu.vector_load %arg10[%get3A_172, %get3A_173] {strides = array<i32>} : memref<80x128xf32, #tpu.memory_space<vmem>>, vector<1x16xf32>,
        %get3A_175 = vector.shape_cast %get3A_174 : vector<1x16xf32> to vector<16xf32>
        %max3A_176 = arith.constant 0.000000e+00 : f32
        %max3A_177 = vector.broadcast %max3A_176 : f32 to vector<16xf32>
        %max3A_178 = arith.maximumf %get3A_175, %max3A_177 : vector<16xf32>
        %swap3A_179 = arith.index_cast %scan3A_136 : i32 to index
        %swap3A_180 = arith.constant 48 : index
        %swap3A_181 = tpu.vector_load %arg10[%swap3A_179, %swap3A_180] {strides = array<i32>} : memref<80x128xf32, #tpu.memory_space<vmem>>, vector<1x16xf32>,
        %swap3A_182 = vector.shape_cast %swap3A_181 : vector<1x16xf32> to vector<16xf32>
        %swap3A_183 = vector.shape_cast %max3A_178 : vector<16xf32> to vector<1x16xf32>
        tpu.vector_store %arg10[%swap3A_179, %swap3A_180], %swap3A_183 {strides = array<i32>} : memref<80x128xf32, #tpu.memory_space<vmem>>, vector<1x16xf32>,
        %get3A_184 = arith.index_cast %scan3A_136 : i32 to index
        %get3A_185 = arith.constant 64 : index
        %get3A_186 = tpu.vector_load %arg10[%get3A_184, %get3A_185] {strides = array<i32>} : memref<80x128xf32, #tpu.memory_space<vmem>>, vector<1x16xf32>,
        %get3A_187 = vector.shape_cast %get3A_186 : vector<1x16xf32> to vector<16xf32>
        %max3A_188 = arith.constant 0.000000e+00 : f32
        %max3A_189 = vector.broadcast %max3A_188 : f32 to vector<16xf32>
        %max3A_190 = arith.maximumf %get3A_187, %max3A_189 : vector<16xf32>
        %swap3A_191 = arith.index_cast %scan3A_136 : i32 to index
        %swap3A_192 = arith.constant 64 : index
        %swap3A_193 = tpu.vector_load %arg10[%swap3A_191, %swap3A_192] {strides = array<i32>} : memref<80x128xf32, #tpu.memory_space<vmem>>, vector<1x16xf32>,
        %swap3A_194 = vector.shape_cast %swap3A_193 : vector<1x16xf32> to vector<16xf32>
        %swap3A_195 = vector.shape_cast %max3A_190 : vector<16xf32> to vector<1x16xf32>
        tpu.vector_store %arg10[%swap3A_191, %swap3A_192], %swap3A_195 {strides = array<i32>} : memref<80x128xf32, #tpu.memory_space<vmem>>, vector<1x16xf32>,
        %get3A_196 = arith.index_cast %scan3A_136 : i32 to index
        %get3A_197 = arith.constant 80 : index
        %get3A_198 = tpu.vector_load %arg10[%get3A_196, %get3A_197] {strides = array<i32>} : memref<80x128xf32, #tpu.memory_space<vmem>>, vector<1x16xf32>,
        %get3A_199 = vector.shape_cast %get3A_198 : vector<1x16xf32> to vector<16xf32>
        %max3A_200 = arith.constant 0.000000e+00 : f32
        %max3A_201 = vector.broadcast %max3A_200 : f32 to vector<16xf32>
        %max3A_202 = arith.maximumf %get3A_199, %max3A_201 : vector<16xf32>
        %swap3A_203 = arith.index_cast %scan3A_136 : i32 to index
        %swap3A_204 = arith.constant 80 : index
        %swap3A_205 = tpu.vector_load %arg10[%swap3A_203, %swap3A_204] {strides = array<i32>} : memref<80x128xf32, #tpu.memory_space<vmem>>, vector<1x16xf32>,
        %swap3A_206 = vector.shape_cast %swap3A_205 : vector<1x16xf32> to vector<16xf32>
        %swap3A_207 = vector.shape_cast %max3A_202 : vector<16xf32> to vector<1x16xf32>
        tpu.vector_store %arg10[%swap3A_203, %swap3A_204], %swap3A_207 {strides = array<i32>} : memref<80x128xf32, #tpu.memory_space<vmem>>, vector<1x16xf32>,
        %get3A_208 = arith.index_cast %scan3A_136 : i32 to index
        %get3A_209 = arith.constant 96 : index
        %get3A_210 = tpu.vector_load %arg10[%get3A_208, %get3A_209] {strides = array<i32>} : memref<80x128xf32, #tpu.memory_space<vmem>>, vector<1x16xf32>,
        %get3A_211 = vector.shape_cast %get3A_210 : vector<1x16xf32> to vector<16xf32>
        %max3A_212 = arith.constant 0.000000e+00 : f32
        %max3A_213 = vector.broadcast %max3A_212 : f32 to vector<16xf32>
        %max3A_214 = arith.maximumf %get3A_211, %max3A_213 : vector<16xf32>
        %swap3A_215 = arith.index_cast %scan3A_136 : i32 to index
        %swap3A_216 = arith.constant 96 : index
        %swap3A_217 = tpu.vector_load %arg10[%swap3A_215, %swap3A_216] {strides = array<i32>} : memref<80x128xf32, #tpu.memory_space<vmem>>, vector<1x16xf32>,
        %swap3A_218 = vector.shape_cast %swap3A_217 : vector<1x16xf32> to vector<16xf32>
        %swap3A_219 = vector.shape_cast %max3A_214 : vector<16xf32> to vector<1x16xf32>
        tpu.vector_store %arg10[%swap3A_215, %swap3A_216], %swap3A_219 {strides = array<i32>} : memref<80x128xf32, #tpu.memory_space<vmem>>, vector<1x16xf32>,
        %get3A_220 = arith.index_cast %scan3A_136 : i32 to index
        %get3A_221 = arith.constant 112 : index
        %get3A_222 = tpu.vector_load %arg10[%get3A_220, %get3A_221] {strides = array<i32>} : memref<80x128xf32, #tpu.memory_space<vmem>>, vector<1x16xf32>,
        %get3A_223 = vector.shape_cast %get3A_222 : vector<1x16xf32> to vector<16xf32>
        %max3A_224 = arith.constant 0.000000e+00 : f32
        %max3A_225 = vector.broadcast %max3A_224 : f32 to vector<16xf32>
        %max3A_226 = arith.maximumf %get3A_223, %max3A_225 : vector<16xf32>
        %swap3A_227 = arith.index_cast %scan3A_136 : i32 to index
        %swap3A_228 = arith.constant 112 : index
        %swap3A_229 = tpu.vector_load %arg10[%swap3A_227, %swap3A_228] {strides = array<i32>} : memref<80x128xf32, #tpu.memory_space<vmem>>, vector<1x16xf32>,
        %swap3A_230 = vector.shape_cast %swap3A_229 : vector<1x16xf32> to vector<16xf32>
        %swap3A_231 = vector.shape_cast %max3A_226 : vector<16xf32> to vector<1x16xf32>
        tpu.vector_store %arg10[%swap3A_227, %swap3A_228], %swap3A_231 {strides = array<i32>} : memref<80x128xf32, #tpu.memory_space<vmem>>, vector<1x16xf32>,
      }
      %scan3A_135 = arith.constant 80 : i32
      "tpu.region"() ({
        %run_scoped3A = tpu.sem_alloc : memref<!tpu.dma_semaphore, #tpu.memory_space<semaphore_mem>>
        %dma_start3A = arith.constant 0 : i32
        %dma_start3A_136 = tpu.memref_slice %arg8[%scan3A_36, %dma_start3A] : memref<250x80xi32, #tpu.memory_space<vmem>> -> memref<1x80xi32, #tpu.memory_space<vmem>>
        %dma_start3A_137 = tpu.memref_squeeze %dma_start3A_136 : memref<1x80xi32, #tpu.memory_space<vmem>> -> memref<80xi32, #tpu.memory_space<vmem>>
        %dma_start3A_138 = arith.constant 0 : i32
        %dma_start3A_139 = arith.constant 0 : i32
        %dma_start3A_140 = tpu.memref_slice %arg11[%dma_start3A_138, %dma_start3A_139] : memref<5120x128xf32, #tpu.memory_space<vmem_shared>> -> memref<5120x128xf32, #tpu.memory_space<vmem_shared>>
        %dma_start3A_141 = arith.constant -1 : i32
        tpu.enqueue_indirect_dma source(%arg10 : memref<80x128xf32, #tpu.memory_space<vmem>>) target(%dma_start3A_140 : memref<5120x128xf32, #tpu.memory_space<vmem_shared>>) offsets(%dma_start3A_137 : memref<80xi32, #tpu.memory_space<vmem>>) offset_filter(%dma_start3A_141) semaphore(%run_scoped3A : memref<!tpu.dma_semaphore, #tpu.memory_space<semaphore_mem>>) {add = true}
        %dma_wait3A = arith.constant 0 : i32
        %dma_wait3A_142 = tpu.memref_slice %arg8[%scan3A_36, %dma_wait3A] : memref<250x80xi32, #tpu.memory_space<vmem>> -> memref<1x80xi32, #tpu.memory_space<vmem>>
        %dma_wait3A_143 = tpu.memref_squeeze %dma_wait3A_142 : memref<1x80xi32, #tpu.memory_space<vmem>> -> memref<80xi32, #tpu.memory_space<vmem>>
        %dma_wait3A_144 = arith.constant 0 : i32
        %dma_wait3A_145 = arith.constant 0 : i32
        %dma_wait3A_146 = tpu.memref_slice %arg11[%dma_wait3A_144, %dma_wait3A_145] : memref<5120x128xf32, #tpu.memory_space<vmem_shared>> -> memref<5120x128xf32, #tpu.memory_space<vmem_shared>>
        tpu.wait_indirect_dma semaphore(%run_scoped3A : memref<!tpu.dma_semaphore, #tpu.memory_space<semaphore_mem>>) src(%arg10 : memref<80x128xf32, #tpu.memory_space<vmem>>) dst(%dma_wait3A_146 : memref<5120x128xf32, #tpu.memory_space<vmem_shared>>)
        tpu.yield
      }) : () -> ()
    }
    %scan3A_27 = arith.constant 250 : i32
    %barrier3A_28 = arith.constant 0 : index
    tpu.barrier barrier_id(%barrier3A_28)
    %mul3A_29 = arith.constant 320 : i32
    %mul3A_30 = arith.muli %arg1, %mul3A_29 : i32
    %mul3A_31 = arith.constant 5120 : i32
    %mul3A_32 = arith.muli %arg0, %mul3A_31 : i32
    %mul3A_33 = arith.constant 320 : i32
    %mul3A_34 = arith.muli %arg1, %mul3A_33 : i32
    %add3A_35 = arith.addi %mul3A_32, %mul3A_34 : i32
    "tpu.region"() ({
      %run_scoped3A = tpu.sem_alloc : memref<!tpu.dma_semaphore, #tpu.memory_space<semaphore_mem>>
      %dma_start3A = arith.constant 0 : i32
      %dma_start3A_36 = tpu.memref_slice %arg6[%add3A_35, %dma_start3A] : memref<10240x128xf32, #tpu.memory_space<hbm>> -> memref<320x128xf32, #tpu.memory_space<hbm>>
      %dma_start3A_37 = arith.constant 0 : i32
      %dma_start3A_38 = tpu.memref_slice %arg11[%mul3A_30, %dma_start3A_37] : memref<5120x128xf32, #tpu.memory_space<vmem_shared>> -> memref<320x128xf32, #tpu.memory_space<vmem_shared>>
      tpu.enqueue_dma source(%dma_start3A_38 : memref<320x128xf32, #tpu.memory_space<vmem_shared>>) target(%dma_start3A_36 : memref<320x128xf32, #tpu.memory_space<hbm>>) target_semaphore(%run_scoped3A : memref<!tpu.dma_semaphore, #tpu.memory_space<semaphore_mem>>)
      %dma_wait3A = arith.constant 0 : i32
      %dma_wait3A_39 = tpu.memref_slice %arg6[%add3A_35, %dma_wait3A] : memref<10240x128xf32, #tpu.memory_space<hbm>> -> memref<320x128xf32, #tpu.memory_space<hbm>>
      %dma_wait3A_40 = arith.constant 0 : i32
      %dma_wait3A_41 = tpu.memref_slice %arg11[%mul3A_30, %dma_wait3A_40] : memref<5120x128xf32, #tpu.memory_space<vmem_shared>> -> memref<320x128xf32, #tpu.memory_space<vmem_shared>>
      tpu.wait_dma2 semaphore(%run_scoped3A : memref<!tpu.dma_semaphore, #tpu.memory_space<semaphore_mem>>) src(%dma_wait3A_41 : memref<320x128xf32, #tpu.memory_space<vmem_shared>>) dst(%dma_wait3A_39 : memref<320x128xf32, #tpu.memory_space<hbm>>)
      tpu.yield
    }) : () -> ()
    return
  }
}

#map = affine_map<(d0, d1) -> (0, 0)>
#map1 = affine_map<(d0, d1) -> (0, 0, 0)>
module attributes {stable_mosaic.version = 14 : i64} {
  func.func @_sc_body(%arg0: i32, %arg1: i32, %arg2: memref<10240x128xf32, #tpu.memory_space<hbm>>, %arg3: memref<320000x128xf32, #tpu.memory_space<hbm>>, %arg4: memref<32x250x80xi32, #tpu.memory_space<hbm>>, %arg5: memref<32x250x80xi32, #tpu.memory_space<hbm>>, %arg6: memref<10240x128xf32, #tpu.memory_space<hbm>>, %arg7: memref<250x80xi32, #tpu.memory_space<vmem>>, %arg8: memref<250x80xi32, #tpu.memory_space<vmem>>, %arg9: memref<80xi32, #tpu.memory_space<vmem>>, %arg10: memref<80x128xf32, #tpu.memory_space<vmem>>, %arg11: memref<5120x128xf32, #tpu.memory_space<vmem_shared>>, %arg12: memref<!tpu.dma_semaphore, #tpu.memory_space<semaphore_mem>>) attributes {dimension_semantics = [#tpu.dimension_semantics<core_parallel>, #tpu.dimension_semantics<subcore_parallel>], iteration_bounds = array<i64: 2, 16>, scalar_prefetch = 0 : i64, scratch_operands = 6 : i64, tpu.core_type = #tpu.core_type<sc_vector_subcore>, window_params = [{transform_indices = #map}, {transform_indices = #map}, {transform_indices = #map1}, {transform_indices = #map1}, {transform_indices = #map}]} {
    %mul3A = arith.constant 16 : i32
    %mul3A_0 = arith.muli %arg0, %mul3A : i32
    %add3A = arith.addi %mul3A_0, %arg1 : i32
    "tpu.region"() ({
      %run_scoped3A = tpu.sem_alloc : memref<!tpu.dma_semaphore, #tpu.memory_space<semaphore_mem>>
      %dma_start3A = arith.constant 0 : i32
      %dma_start3A_36 = arith.constant 0 : i32
      %dma_start3A_37 = tpu.memref_slice %arg4[%add3A, %dma_start3A, %dma_start3A_36] : memref<32x250x80xi32, #tpu.memory_space<hbm>> -> memref<1x250x80xi32, #tpu.memory_space<hbm>>
      %dma_start3A_38 = tpu.memref_squeeze %dma_start3A_37 : memref<1x250x80xi32, #tpu.memory_space<hbm>> -> memref<250x80xi32, #tpu.memory_space<hbm>>
      %dma_start3A_39 = arith.constant 0 : i32
      %dma_start3A_40 = arith.constant 0 : i32
      %dma_start3A_41 = tpu.memref_slice %arg4[%add3A, %dma_start3A_39, %dma_start3A_40] : memref<32x250x80xi32, #tpu.memory_space<hbm>> -> memref<1x250x80xi32, #tpu.memory_space<hbm>>
      %dma_start3A_42 = tpu.memref_squeeze %dma_start3A_41 : memref<1x250x80xi32, #tpu.memory_space<hbm>> -> memref<250x80xi32, #tpu.memory_space<hbm>>
      tpu.enqueue_dma source(%dma_start3A_42 : memref<250x80xi32, #tpu.memory_space<hbm>>) target(%arg7 : memref<250x80xi32, #tpu.memory_space<vmem>>) target_semaphore(%run_scoped3A : memref<!tpu.dma_semaphore, #tpu.memory_space<semaphore_mem>>)
      %dma_wait3A = arith.constant 0 : i32
      %dma_wait3A_43 = arith.constant 0 : i32
      %dma_wait3A_44 = tpu.memref_slice %arg4[%add3A, %dma_wait3A, %dma_wait3A_43] : memref<32x250x80xi32, #tpu.memory_space<hbm>> -> memref<1x250x80xi32, #tpu.memory_space<hbm>>
      %dma_wait3A_45 = tpu.memref_squeeze %dma_wait3A_44 : memref<1x250x80xi32, #tpu.memory_space<hbm>> -> memref<250x80xi32, #tpu.memory_space<hbm>>
      %dma_wait3A_46 = arith.constant 0 : i32
      %dma_wait3A_47 = arith.constant 0 : i32
      %dma_wait3A_48 = tpu.memref_slice %arg4[%add3A, %dma_wait3A_46, %dma_wait3A_47] : memref<32x250x80xi32, #tpu.memory_space<hbm>> -> memref<1x250x80xi32, #tpu.memory_space<hbm>>
      %dma_wait3A_49 = tpu.memref_squeeze %dma_wait3A_48 : memref<1x250x80xi32, #tpu.memory_space<hbm>> -> memref<250x80xi32, #tpu.memory_space<hbm>>
      tpu.wait_dma2 semaphore(%run_scoped3A : memref<!tpu.dma_semaphore, #tpu.memory_space<semaphore_mem>>) src(%dma_wait3A_49 : memref<250x80xi32, #tpu.memory_space<hbm>>) dst(%arg7 : memref<250x80xi32, #tpu.memory_space<vmem>>)
      tpu.yield
    }) : () -> ()
    "tpu.region"() ({
      %run_scoped3A = tpu.sem_alloc : memref<!tpu.dma_semaphore, #tpu.memory_space<semaphore_mem>>
      %dma_start3A = arith.constant 0 : i32
      %dma_start3A_36 = arith.constant 0 : i32
      %dma_start3A_37 = tpu.memref_slice %arg5[%add3A, %dma_start3A, %dma_start3A_36] : memref<32x250x80xi32, #tpu.memory_space<hbm>> -> memref<1x250x80xi32, #tpu.memory_space<hbm>>
      %dma_start3A_38 = tpu.memref_squeeze %dma_start3A_37 : memref<1x250x80xi32, #tpu.memory_space<hbm>> -> memref<250x80xi32, #tpu.memory_space<hbm>>
      %dma_start3A_39 = arith.constant 0 : i32
      %dma_start3A_40 = arith.constant 0 : i32
      %dma_start3A_41 = tpu.memref_slice %arg5[%add3A, %dma_start3A_39, %dma_start3A_40] : memref<32x250x80xi32, #tpu.memory_space<hbm>> -> memref<1x250x80xi32, #tpu.memory_space<hbm>>
      %dma_start3A_42 = tpu.memref_squeeze %dma_start3A_41 : memref<1x250x80xi32, #tpu.memory_space<hbm>> -> memref<250x80xi32, #tpu.memory_space<hbm>>
      tpu.enqueue_dma source(%dma_start3A_42 : memref<250x80xi32, #tpu.memory_space<hbm>>) target(%arg8 : memref<250x80xi32, #tpu.memory_space<vmem>>) target_semaphore(%run_scoped3A : memref<!tpu.dma_semaphore, #tpu.memory_space<semaphore_mem>>)
      %dma_wait3A = arith.constant 0 : i32
      %dma_wait3A_43 = arith.constant 0 : i32
      %dma_wait3A_44 = tpu.memref_slice %arg5[%add3A, %dma_wait3A, %dma_wait3A_43] : memref<32x250x80xi32, #tpu.memory_space<hbm>> -> memref<1x250x80xi32, #tpu.memory_space<hbm>>
      %dma_wait3A_45 = tpu.memref_squeeze %dma_wait3A_44 : memref<1x250x80xi32, #tpu.memory_space<hbm>> -> memref<250x80xi32, #tpu.memory_space<hbm>>
      %dma_wait3A_46 = arith.constant 0 : i32
      %dma_wait3A_47 = arith.constant 0 : i32
      %dma_wait3A_48 = tpu.memref_slice %arg5[%add3A, %dma_wait3A_46, %dma_wait3A_47] : memref<32x250x80xi32, #tpu.memory_space<hbm>> -> memref<1x250x80xi32, #tpu.memory_space<hbm>>
      %dma_wait3A_49 = tpu.memref_squeeze %dma_wait3A_48 : memref<1x250x80xi32, #tpu.memory_space<hbm>> -> memref<250x80xi32, #tpu.memory_space<hbm>>
      tpu.wait_dma2 semaphore(%run_scoped3A : memref<!tpu.dma_semaphore, #tpu.memory_space<semaphore_mem>>) src(%dma_wait3A_49 : memref<250x80xi32, #tpu.memory_space<hbm>>) dst(%arg8 : memref<250x80xi32, #tpu.memory_space<vmem>>)
      tpu.yield
    }) : () -> ()
    %scan3A = arith.constant 0 : i32
    %scan3A_1 = arith.constant 0 : i32
    %scan3A_2 = arith.constant 80 : i32
    %scan3A_3 = arith.addi %scan3A_1, %scan3A_2 : i32
    %scan3A_4 = arith.constant 1 : i32
    scf.for %scan3A_36 = %scan3A_1 to %scan3A_3 step %scan3A_4  : i32 {
      %broadcast_in_dim3A = arith.constant 0.000000e+00 : f32
      %broadcast_in_dim3A_37 = vector.broadcast %broadcast_in_dim3A : f32 to vector<16xf32>
      %swap3A = arith.index_cast %scan3A_36 : i32 to index
      %swap3A_38 = arith.constant 0 : index
      %swap3A_39 = tpu.vector_load %arg10[%swap3A, %swap3A_38] {strides = array<i32>} : memref<80x128xf32, #tpu.memory_space<vmem>>, vector<1x16xf32>,
      %swap3A_40 = vector.shape_cast %swap3A_39 : vector<1x16xf32> to vector<16xf32>
      %swap3A_41 = vector.shape_cast %broadcast_in_dim3A_37 : vector<16xf32> to vector<1x16xf32>
      tpu.vector_store %arg10[%swap3A, %swap3A_38], %swap3A_41 {strides = array<i32>} : memref<80x128xf32, #tpu.memory_space<vmem>>, vector<1x16xf32>,
      %broadcast_in_dim3A_42 = arith.constant 0.000000e+00 : f32
      %broadcast_in_dim3A_43 = vector.broadcast %broadcast_in_dim3A_42 : f32 to vector<16xf32>
      %swap3A_44 = arith.index_cast %scan3A_36 : i32 to index
      %swap3A_45 = arith.constant 16 : index
      %swap3A_46 = tpu.vector_load %arg10[%swap3A_44, %swap3A_45] {strides = array<i32>} : memref<80x128xf32, #tpu.memory_space<vmem>>, vector<1x16xf32>,
      %swap3A_47 = vector.shape_cast %swap3A_46 : vector<1x16xf32> to vector<16xf32>
      %swap3A_48 = vector.shape_cast %broadcast_in_dim3A_43 : vector<16xf32> to vector<1x16xf32>
      tpu.vector_store %arg10[%swap3A_44, %swap3A_45], %swap3A_48 {strides = array<i32>} : memref<80x128xf32, #tpu.memory_space<vmem>>, vector<1x16xf32>,
      %broadcast_in_dim3A_49 = arith.constant 0.000000e+00 : f32
      %broadcast_in_dim3A_50 = vector.broadcast %broadcast_in_dim3A_49 : f32 to vector<16xf32>
      %swap3A_51 = arith.index_cast %scan3A_36 : i32 to index
      %swap3A_52 = arith.constant 32 : index
      %swap3A_53 = tpu.vector_load %arg10[%swap3A_51, %swap3A_52] {strides = array<i32>} : memref<80x128xf32, #tpu.memory_space<vmem>>, vector<1x16xf32>,
      %swap3A_54 = vector.shape_cast %swap3A_53 : vector<1x16xf32> to vector<16xf32>
      %swap3A_55 = vector.shape_cast %broadcast_in_dim3A_50 : vector<16xf32> to vector<1x16xf32>
      tpu.vector_store %arg10[%swap3A_51, %swap3A_52], %swap3A_55 {strides = array<i32>} : memref<80x128xf32, #tpu.memory_space<vmem>>, vector<1x16xf32>,
      %broadcast_in_dim3A_56 = arith.constant 0.000000e+00 : f32
      %broadcast_in_dim3A_57 = vector.broadcast %broadcast_in_dim3A_56 : f32 to vector<16xf32>
      %swap3A_58 = arith.index_cast %scan3A_36 : i32 to index
      %swap3A_59 = arith.constant 48 : index
      %swap3A_60 = tpu.vector_load %arg10[%swap3A_58, %swap3A_59] {strides = array<i32>} : memref<80x128xf32, #tpu.memory_space<vmem>>, vector<1x16xf32>,
      %swap3A_61 = vector.shape_cast %swap3A_60 : vector<1x16xf32> to vector<16xf32>
      %swap3A_62 = vector.shape_cast %broadcast_in_dim3A_57 : vector<16xf32> to vector<1x16xf32>
      tpu.vector_store %arg10[%swap3A_58, %swap3A_59], %swap3A_62 {strides = array<i32>} : memref<80x128xf32, #tpu.memory_space<vmem>>, vector<1x16xf32>,
      %broadcast_in_dim3A_63 = arith.constant 0.000000e+00 : f32
      %broadcast_in_dim3A_64 = vector.broadcast %broadcast_in_dim3A_63 : f32 to vector<16xf32>
      %swap3A_65 = arith.index_cast %scan3A_36 : i32 to index
      %swap3A_66 = arith.constant 64 : index
      %swap3A_67 = tpu.vector_load %arg10[%swap3A_65, %swap3A_66] {strides = array<i32>} : memref<80x128xf32, #tpu.memory_space<vmem>>, vector<1x16xf32>,
      %swap3A_68 = vector.shape_cast %swap3A_67 : vector<1x16xf32> to vector<16xf32>
      %swap3A_69 = vector.shape_cast %broadcast_in_dim3A_64 : vector<16xf32> to vector<1x16xf32>
      tpu.vector_store %arg10[%swap3A_65, %swap3A_66], %swap3A_69 {strides = array<i32>} : memref<80x128xf32, #tpu.memory_space<vmem>>, vector<1x16xf32>,
      %broadcast_in_dim3A_70 = arith.constant 0.000000e+00 : f32
      %broadcast_in_dim3A_71 = vector.broadcast %broadcast_in_dim3A_70 : f32 to vector<16xf32>
      %swap3A_72 = arith.index_cast %scan3A_36 : i32 to index
      %swap3A_73 = arith.constant 80 : index
      %swap3A_74 = tpu.vector_load %arg10[%swap3A_72, %swap3A_73] {strides = array<i32>} : memref<80x128xf32, #tpu.memory_space<vmem>>, vector<1x16xf32>,
      %swap3A_75 = vector.shape_cast %swap3A_74 : vector<1x16xf32> to vector<16xf32>
      %swap3A_76 = vector.shape_cast %broadcast_in_dim3A_71 : vector<16xf32> to vector<1x16xf32>
      tpu.vector_store %arg10[%swap3A_72, %swap3A_73], %swap3A_76 {strides = array<i32>} : memref<80x128xf32, #tpu.memory_space<vmem>>, vector<1x16xf32>,
      %broadcast_in_dim3A_77 = arith.constant 0.000000e+00 : f32
      %broadcast_in_dim3A_78 = vector.broadcast %broadcast_in_dim3A_77 : f32 to vector<16xf32>
      %swap3A_79 = arith.index_cast %scan3A_36 : i32 to index
      %swap3A_80 = arith.constant 96 : index
      %swap3A_81 = tpu.vector_load %arg10[%swap3A_79, %swap3A_80] {strides = array<i32>} : memref<80x128xf32, #tpu.memory_space<vmem>>, vector<1x16xf32>,
      %swap3A_82 = vector.shape_cast %swap3A_81 : vector<1x16xf32> to vector<16xf32>
      %swap3A_83 = vector.shape_cast %broadcast_in_dim3A_78 : vector<16xf32> to vector<1x16xf32>
      tpu.vector_store %arg10[%swap3A_79, %swap3A_80], %swap3A_83 {strides = array<i32>} : memref<80x128xf32, #tpu.memory_space<vmem>>, vector<1x16xf32>,
      %broadcast_in_dim3A_84 = arith.constant 0.000000e+00 : f32
      %broadcast_in_dim3A_85 = vector.broadcast %broadcast_in_dim3A_84 : f32 to vector<16xf32>
      %swap3A_86 = arith.index_cast %scan3A_36 : i32 to index
      %swap3A_87 = arith.constant 112 : index
      %swap3A_88 = tpu.vector_load %arg10[%swap3A_86, %swap3A_87] {strides = array<i32>} : memref<80x128xf32, #tpu.memory_space<vmem>>, vector<1x16xf32>,
      %swap3A_89 = vector.shape_cast %swap3A_88 : vector<1x16xf32> to vector<16xf32>
      %swap3A_90 = vector.shape_cast %broadcast_in_dim3A_85 : vector<16xf32> to vector<1x16xf32>
      tpu.vector_store %arg10[%swap3A_86, %swap3A_87], %swap3A_90 {strides = array<i32>} : memref<80x128xf32, #tpu.memory_space<vmem>>, vector<1x16xf32>,
    }
    %scan3A_5 = arith.constant 80 : i32
    %mul3A_6 = arith.constant 320 : i32
    %mul3A_7 = arith.muli %arg1, %mul3A_6 : i32
    %add3A_8 = arith.constant 0 : i32
    %add3A_9 = arith.addi %mul3A_7, %add3A_8 : i32
    "tpu.region"() ({
      %run_scoped3A = tpu.sem_alloc : memref<!tpu.dma_semaphore, #tpu.memory_space<semaphore_mem>>
      %dma_start3A = arith.constant 0 : i32
      %dma_start3A_36 = tpu.memref_slice %arg11[%add3A_9, %dma_start3A] : memref<5120x128xf32, #tpu.memory_space<vmem_shared>> -> memref<80x128xf32, #tpu.memory_space<vmem_shared>>
      %dma_start3A_37 = arith.constant 0 : i32
      %dma_start3A_38 = tpu.memref_slice %arg11[%add3A_9, %dma_start3A_37] : memref<5120x128xf32, #tpu.memory_space<vmem_shared>> -> memref<80x128xf32, #tpu.memory_space<vmem_shared>>
      tpu.enqueue_dma source(%arg10 : memref<80x128xf32, #tpu.memory_space<vmem>>) target(%dma_start3A_38 : memref<80x128xf32, #tpu.memory_space<vmem_shared>>) target_semaphore(%run_scoped3A : memref<!tpu.dma_semaphore, #tpu.memory_space<semaphore_mem>>)
      %dma_wait3A = arith.constant 0 : i32
      %dma_wait3A_39 = tpu.memref_slice %arg11[%add3A_9, %dma_wait3A] : memref<5120x128xf32, #tpu.memory_space<vmem_shared>> -> memref<80x128xf32, #tpu.memory_space<vmem_shared>>
      %dma_wait3A_40 = arith.constant 0 : i32
      %dma_wait3A_41 = tpu.memref_slice %arg11[%add3A_9, %dma_wait3A_40] : memref<5120x128xf32, #tpu.memory_space<vmem_shared>> -> memref<80x128xf32, #tpu.memory_space<vmem_shared>>
      tpu.wait_dma2 semaphore(%run_scoped3A : memref<!tpu.dma_semaphore, #tpu.memory_space<semaphore_mem>>) src(%arg10 : memref<80x128xf32, #tpu.memory_space<vmem>>) dst(%dma_wait3A_41 : memref<80x128xf32, #tpu.memory_space<vmem_shared>>)
      tpu.yield
    }) : () -> ()
    %mul3A_10 = arith.constant 320 : i32
    %mul3A_11 = arith.muli %arg1, %mul3A_10 : i32
    %add3A_12 = arith.constant 80 : i32
    %add3A_13 = arith.addi %mul3A_11, %add3A_12 : i32
    "tpu.region"() ({
      %run_scoped3A = tpu.sem_alloc : memref<!tpu.dma_semaphore, #tpu.memory_space<semaphore_mem>>
      %dma_start3A = arith.constant 0 : i32
      %dma_start3A_36 = tpu.memref_slice %arg11[%add3A_13, %dma_start3A] : memref<5120x128xf32, #tpu.memory_space<vmem_shared>> -> memref<80x128xf32, #tpu.memory_space<vmem_shared>>
      %dma_start3A_37 = arith.constant 0 : i32
      %dma_start3A_38 = tpu.memref_slice %arg11[%add3A_13, %dma_start3A_37] : memref<5120x128xf32, #tpu.memory_space<vmem_shared>> -> memref<80x128xf32, #tpu.memory_space<vmem_shared>>
      tpu.enqueue_dma source(%arg10 : memref<80x128xf32, #tpu.memory_space<vmem>>) target(%dma_start3A_38 : memref<80x128xf32, #tpu.memory_space<vmem_shared>>) target_semaphore(%run_scoped3A : memref<!tpu.dma_semaphore, #tpu.memory_space<semaphore_mem>>)
      %dma_wait3A = arith.constant 0 : i32
      %dma_wait3A_39 = tpu.memref_slice %arg11[%add3A_13, %dma_wait3A] : memref<5120x128xf32, #tpu.memory_space<vmem_shared>> -> memref<80x128xf32, #tpu.memory_space<vmem_shared>>
      %dma_wait3A_40 = arith.constant 0 : i32
      %dma_wait3A_41 = tpu.memref_slice %arg11[%add3A_13, %dma_wait3A_40] : memref<5120x128xf32, #tpu.memory_space<vmem_shared>> -> memref<80x128xf32, #tpu.memory_space<vmem_shared>>
      tpu.wait_dma2 semaphore(%run_scoped3A : memref<!tpu.dma_semaphore, #tpu.memory_space<semaphore_mem>>) src(%arg10 : memref<80x128xf32, #tpu.memory_space<vmem>>) dst(%dma_wait3A_41 : memref<80x128xf32, #tpu.memory_space<vmem_shared>>)
      tpu.yield
    }) : () -> ()
    %mul3A_14 = arith.constant 320 : i32
    %mul3A_15 = arith.muli %arg1, %mul3A_14 : i32
    %add3A_16 = arith.constant 160 : i32
    %add3A_17 = arith.addi %mul3A_15, %add3A_16 : i32
    "tpu.region"() ({
      %run_scoped3A = tpu.sem_alloc : memref<!tpu.dma_semaphore, #tpu.memory_space<semaphore_mem>>
      %dma_start3A = arith.constant 0 : i32
      %dma_start3A_36 = tpu.memref_slice %arg11[%add3A_17, %dma_start3A] : memref<5120x128xf32, #tpu.memory_space<vmem_shared>> -> memref<80x128xf32, #tpu.memory_space<vmem_shared>>
      %dma_start3A_37 = arith.constant 0 : i32
      %dma_start3A_38 = tpu.memref_slice %arg11[%add3A_17, %dma_start3A_37] : memref<5120x128xf32, #tpu.memory_space<vmem_shared>> -> memref<80x128xf32, #tpu.memory_space<vmem_shared>>
      tpu.enqueue_dma source(%arg10 : memref<80x128xf32, #tpu.memory_space<vmem>>) target(%dma_start3A_38 : memref<80x128xf32, #tpu.memory_space<vmem_shared>>) target_semaphore(%run_scoped3A : memref<!tpu.dma_semaphore, #tpu.memory_space<semaphore_mem>>)
      %dma_wait3A = arith.constant 0 : i32
      %dma_wait3A_39 = tpu.memref_slice %arg11[%add3A_17, %dma_wait3A] : memref<5120x128xf32, #tpu.memory_space<vmem_shared>> -> memref<80x128xf32, #tpu.memory_space<vmem_shared>>
      %dma_wait3A_40 = arith.constant 0 : i32
      %dma_wait3A_41 = tpu.memref_slice %arg11[%add3A_17, %dma_wait3A_40] : memref<5120x128xf32, #tpu.memory_space<vmem_shared>> -> memref<80x128xf32, #tpu.memory_space<vmem_shared>>
      tpu.wait_dma2 semaphore(%run_scoped3A : memref<!tpu.dma_semaphore, #tpu.memory_space<semaphore_mem>>) src(%arg10 : memref<80x128xf32, #tpu.memory_space<vmem>>) dst(%dma_wait3A_41 : memref<80x128xf32, #tpu.memory_space<vmem_shared>>)
      tpu.yield
    }) : () -> ()
    %mul3A_18 = arith.constant 320 : i32
    %mul3A_19 = arith.muli %arg1, %mul3A_18 : i32
    %add3A_20 = arith.constant 240 : i32
    %add3A_21 = arith.addi %mul3A_19, %add3A_20 : i32
    "tpu.region"() ({
      %run_scoped3A = tpu.sem_alloc : memref<!tpu.dma_semaphore, #tpu.memory_space<semaphore_mem>>
      %dma_start3A = arith.constant 0 : i32
      %dma_start3A_36 = tpu.memref_slice %arg11[%add3A_21, %dma_start3A] : memref<5120x128xf32, #tpu.memory_space<vmem_shared>> -> memref<80x128xf32, #tpu.memory_space<vmem_shared>>
      %dma_start3A_37 = arith.constant 0 : i32
      %dma_start3A_38 = tpu.memref_slice %arg11[%add3A_21, %dma_start3A_37] : memref<5120x128xf32, #tpu.memory_space<vmem_shared>> -> memref<80x128xf32, #tpu.memory_space<vmem_shared>>
      tpu.enqueue_dma source(%arg10 : memref<80x128xf32, #tpu.memory_space<vmem>>) target(%dma_start3A_38 : memref<80x128xf32, #tpu.memory_space<vmem_shared>>) target_semaphore(%run_scoped3A : memref<!tpu.dma_semaphore, #tpu.memory_space<semaphore_mem>>)
      %dma_wait3A = arith.constant 0 : i32
      %dma_wait3A_39 = tpu.memref_slice %arg11[%add3A_21, %dma_wait3A] : memref<5120x128xf32, #tpu.memory_space<vmem_shared>> -> memref<80x128xf32, #tpu.memory_space<vmem_shared>>
      %dma_wait3A_40 = arith.constant 0 : i32
      %dma_wait3A_41 = tpu.memref_slice %arg11[%add3A_21, %dma_wait3A_40] : memref<5120x128xf32, #tpu.memory_space<vmem_shared>> -> memref<80x128xf32, #tpu.memory_space<vmem_shared>>
      tpu.wait_dma2 semaphore(%run_scoped3A : memref<!tpu.dma_semaphore, #tpu.memory_space<semaphore_mem>>) src(%arg10 : memref<80x128xf32, #tpu.memory_space<vmem>>) dst(%dma_wait3A_41 : memref<80x128xf32, #tpu.memory_space<vmem_shared>>)
      tpu.yield
    }) : () -> ()
    %barrier3A = arith.constant 0 : index
    tpu.barrier barrier_id(%barrier3A)
    %scan3A_22 = arith.constant 0 : i32
    %scan3A_23 = arith.constant 0 : i32
    %scan3A_24 = arith.constant 250 : i32
    %scan3A_25 = arith.addi %scan3A_23, %scan3A_24 : i32
    %scan3A_26 = arith.constant 1 : i32
    scf.for %scan3A_36 = %scan3A_23 to %scan3A_25 step %scan3A_26  : i32 {
      %mul3A_37 = arith.constant 20000 : i32
      %mul3A_38 = arith.muli %arg1, %mul3A_37 : i32
      %mul3A_39 = arith.constant 80 : i32
      %mul3A_40 = arith.muli %scan3A_36, %mul3A_39 : i32
      %add3A_41 = arith.addi %mul3A_38, %mul3A_40 : i32
      %get3A = arith.index_cast %scan3A_36 : i32 to index
      %get3A_42 = arith.constant 0 : index
      %get3A_43 = tpu.vector_load %arg8[%get3A, %get3A_42] {strides = array<i32>} : memref<250x80xi32, #tpu.memory_space<vmem>>, vector<1x16xi32>,
      %get3A_44 = vector.shape_cast %get3A_43 : vector<1x16xi32> to vector<16xi32>
      %iota3A = tpu.iota {dimensions = array<i32: 0>} : vector<16xi32>
      %add3A_45 = arith.constant 0 : i32
      %add3A_46 = arith.addi %add3A_41, %add3A_45 : i32
      %add3A_47 = vector.broadcast %add3A_46 : i32 to vector<16xi32>
      %add3A_48 = arith.addi %iota3A, %add3A_47 : vector<16xi32>
      %lt3A = arith.constant 0 : i32
      %lt3A_49 = vector.broadcast %lt3A : i32 to vector<16xi32>
      %lt3A_50 = arith.cmpi slt, %get3A_44, %lt3A_49 : vector<16xi32>
      %jit3A = arith.constant -1 : i32
      %broadcast_in_dim3A = vector.broadcast %jit3A : i32 to vector<16xi32>
      %select_n3A = arith.select %lt3A_50, %broadcast_in_dim3A, %add3A_48 : vector<16xi1>, vector<16xi32>
      %swap3A = arith.constant 0 : index
      %swap3A_51 = tpu.vector_load %arg9[%swap3A] {strides = array<i32>} : memref<80xi32, #tpu.memory_space<vmem>>, vector<16xi32>,
      %swap3A_52 = vector.shape_cast %swap3A_51 : vector<16xi32> to vector<16xi32>
      %swap3A_53 = vector.shape_cast %select_n3A : vector<16xi32> to vector<16xi32>
      tpu.vector_store %arg9[%swap3A], %swap3A_53 {strides = array<i32>} : memref<80xi32, #tpu.memory_space<vmem>>, vector<16xi32>,
      %get3A_54 = arith.index_cast %scan3A_36 : i32 to index
      %get3A_55 = arith.constant 16 : index
      %get3A_56 = tpu.vector_load %arg8[%get3A_54, %get3A_55] {strides = array<i32>} : memref<250x80xi32, #tpu.memory_space<vmem>>, vector<1x16xi32>,
      %get3A_57 = vector.shape_cast %get3A_56 : vector<1x16xi32> to vector<16xi32>
      %iota3A_58 = tpu.iota {dimensions = array<i32: 0>} : vector<16xi32>
      %add3A_59 = arith.constant 16 : i32
      %add3A_60 = arith.addi %add3A_41, %add3A_59 : i32
      %add3A_61 = vector.broadcast %add3A_60 : i32 to vector<16xi32>
      %add3A_62 = arith.addi %iota3A_58, %add3A_61 : vector<16xi32>
      %lt3A_63 = arith.constant 0 : i32
      %lt3A_64 = vector.broadcast %lt3A_63 : i32 to vector<16xi32>
      %lt3A_65 = arith.cmpi slt, %get3A_57, %lt3A_64 : vector<16xi32>
      %jit3A_66 = arith.constant -1 : i32
      %broadcast_in_dim3A_67 = vector.broadcast %jit3A_66 : i32 to vector<16xi32>
      %select_n3A_68 = arith.select %lt3A_65, %broadcast_in_dim3A_67, %add3A_62 : vector<16xi1>, vector<16xi32>
      %swap3A_69 = arith.constant 16 : index
      %swap3A_70 = tpu.vector_load %arg9[%swap3A_69] {strides = array<i32>} : memref<80xi32, #tpu.memory_space<vmem>>, vector<16xi32>,
      %swap3A_71 = vector.shape_cast %swap3A_70 : vector<16xi32> to vector<16xi32>
      %swap3A_72 = vector.shape_cast %select_n3A_68 : vector<16xi32> to vector<16xi32>
      tpu.vector_store %arg9[%swap3A_69], %swap3A_72 {strides = array<i32>} : memref<80xi32, #tpu.memory_space<vmem>>, vector<16xi32>,
      %get3A_73 = arith.index_cast %scan3A_36 : i32 to index
      %get3A_74 = arith.constant 32 : index
      %get3A_75 = tpu.vector_load %arg8[%get3A_73, %get3A_74] {strides = array<i32>} : memref<250x80xi32, #tpu.memory_space<vmem>>, vector<1x16xi32>,
      %get3A_76 = vector.shape_cast %get3A_75 : vector<1x16xi32> to vector<16xi32>
      %iota3A_77 = tpu.iota {dimensions = array<i32: 0>} : vector<16xi32>
      %add3A_78 = arith.constant 32 : i32
      %add3A_79 = arith.addi %add3A_41, %add3A_78 : i32
      %add3A_80 = vector.broadcast %add3A_79 : i32 to vector<16xi32>
      %add3A_81 = arith.addi %iota3A_77, %add3A_80 : vector<16xi32>
      %lt3A_82 = arith.constant 0 : i32
      %lt3A_83 = vector.broadcast %lt3A_82 : i32 to vector<16xi32>
      %lt3A_84 = arith.cmpi slt, %get3A_76, %lt3A_83 : vector<16xi32>
      %jit3A_85 = arith.constant -1 : i32
      %broadcast_in_dim3A_86 = vector.broadcast %jit3A_85 : i32 to vector<16xi32>
      %select_n3A_87 = arith.select %lt3A_84, %broadcast_in_dim3A_86, %add3A_81 : vector<16xi1>, vector<16xi32>
      %swap3A_88 = arith.constant 32 : index
      %swap3A_89 = tpu.vector_load %arg9[%swap3A_88] {strides = array<i32>} : memref<80xi32, #tpu.memory_space<vmem>>, vector<16xi32>,
      %swap3A_90 = vector.shape_cast %swap3A_89 : vector<16xi32> to vector<16xi32>
      %swap3A_91 = vector.shape_cast %select_n3A_87 : vector<16xi32> to vector<16xi32>
      tpu.vector_store %arg9[%swap3A_88], %swap3A_91 {strides = array<i32>} : memref<80xi32, #tpu.memory_space<vmem>>, vector<16xi32>,
      %get3A_92 = arith.index_cast %scan3A_36 : i32 to index
      %get3A_93 = arith.constant 48 : index
      %get3A_94 = tpu.vector_load %arg8[%get3A_92, %get3A_93] {strides = array<i32>} : memref<250x80xi32, #tpu.memory_space<vmem>>, vector<1x16xi32>,
      %get3A_95 = vector.shape_cast %get3A_94 : vector<1x16xi32> to vector<16xi32>
      %iota3A_96 = tpu.iota {dimensions = array<i32: 0>} : vector<16xi32>
      %add3A_97 = arith.constant 48 : i32
      %add3A_98 = arith.addi %add3A_41, %add3A_97 : i32
      %add3A_99 = vector.broadcast %add3A_98 : i32 to vector<16xi32>
      %add3A_100 = arith.addi %iota3A_96, %add3A_99 : vector<16xi32>
      %lt3A_101 = arith.constant 0 : i32
      %lt3A_102 = vector.broadcast %lt3A_101 : i32 to vector<16xi32>
      %lt3A_103 = arith.cmpi slt, %get3A_95, %lt3A_102 : vector<16xi32>
      %jit3A_104 = arith.constant -1 : i32
      %broadcast_in_dim3A_105 = vector.broadcast %jit3A_104 : i32 to vector<16xi32>
      %select_n3A_106 = arith.select %lt3A_103, %broadcast_in_dim3A_105, %add3A_100 : vector<16xi1>, vector<16xi32>
      %swap3A_107 = arith.constant 48 : index
      %swap3A_108 = tpu.vector_load %arg9[%swap3A_107] {strides = array<i32>} : memref<80xi32, #tpu.memory_space<vmem>>, vector<16xi32>,
      %swap3A_109 = vector.shape_cast %swap3A_108 : vector<16xi32> to vector<16xi32>
      %swap3A_110 = vector.shape_cast %select_n3A_106 : vector<16xi32> to vector<16xi32>
      tpu.vector_store %arg9[%swap3A_107], %swap3A_110 {strides = array<i32>} : memref<80xi32, #tpu.memory_space<vmem>>, vector<16xi32>,
      %get3A_111 = arith.index_cast %scan3A_36 : i32 to index
      %get3A_112 = arith.constant 64 : index
      %get3A_113 = tpu.vector_load %arg8[%get3A_111, %get3A_112] {strides = array<i32>} : memref<250x80xi32, #tpu.memory_space<vmem>>, vector<1x16xi32>,
      %get3A_114 = vector.shape_cast %get3A_113 : vector<1x16xi32> to vector<16xi32>
      %iota3A_115 = tpu.iota {dimensions = array<i32: 0>} : vector<16xi32>
      %add3A_116 = arith.constant 64 : i32
      %add3A_117 = arith.addi %add3A_41, %add3A_116 : i32
      %add3A_118 = vector.broadcast %add3A_117 : i32 to vector<16xi32>
      %add3A_119 = arith.addi %iota3A_115, %add3A_118 : vector<16xi32>
      %lt3A_120 = arith.constant 0 : i32
      %lt3A_121 = vector.broadcast %lt3A_120 : i32 to vector<16xi32>
      %lt3A_122 = arith.cmpi slt, %get3A_114, %lt3A_121 : vector<16xi32>
      %jit3A_123 = arith.constant -1 : i32
      %broadcast_in_dim3A_124 = vector.broadcast %jit3A_123 : i32 to vector<16xi32>
      %select_n3A_125 = arith.select %lt3A_122, %broadcast_in_dim3A_124, %add3A_119 : vector<16xi1>, vector<16xi32>
      %swap3A_126 = arith.constant 64 : index
      %swap3A_127 = tpu.vector_load %arg9[%swap3A_126] {strides = array<i32>} : memref<80xi32, #tpu.memory_space<vmem>>, vector<16xi32>,
      %swap3A_128 = vector.shape_cast %swap3A_127 : vector<16xi32> to vector<16xi32>
      %swap3A_129 = vector.shape_cast %select_n3A_125 : vector<16xi32> to vector<16xi32>
      tpu.vector_store %arg9[%swap3A_126], %swap3A_129 {strides = array<i32>} : memref<80xi32, #tpu.memory_space<vmem>>, vector<16xi32>,
      "tpu.region"() ({
        %run_scoped3A = tpu.sem_alloc : memref<!tpu.dma_semaphore, #tpu.memory_space<semaphore_mem>>
        %dma_start3A = arith.constant 0 : i32
        %dma_start3A_136 = arith.constant 0 : i32
        %dma_start3A_137 = tpu.memref_slice %arg3[%dma_start3A, %dma_start3A_136] : memref<320000x128xf32, #tpu.memory_space<hbm>> -> memref<320000x128xf32, #tpu.memory_space<hbm>>
        %dma_start3A_138 = arith.constant -1 : i32
        tpu.enqueue_indirect_dma source(%dma_start3A_137 : memref<320000x128xf32, #tpu.memory_space<hbm>>) target(%arg10 : memref<80x128xf32, #tpu.memory_space<vmem>>) offsets(%arg9 : memref<80xi32, #tpu.memory_space<vmem>>) offset_filter(%dma_start3A_138) semaphore(%run_scoped3A : memref<!tpu.dma_semaphore, #tpu.memory_space<semaphore_mem>>)
        %dma_wait3A = arith.constant 0 : i32
        %dma_wait3A_139 = arith.constant 0 : i32
        %dma_wait3A_140 = tpu.memref_slice %arg3[%dma_wait3A, %dma_wait3A_139] : memref<320000x128xf32, #tpu.memory_space<hbm>> -> memref<320000x128xf32, #tpu.memory_space<hbm>>
        tpu.wait_indirect_dma semaphore(%run_scoped3A : memref<!tpu.dma_semaphore, #tpu.memory_space<semaphore_mem>>) src(%dma_wait3A_140 : memref<320000x128xf32, #tpu.memory_space<hbm>>) dst(%arg10 : memref<80x128xf32, #tpu.memory_space<vmem>>)
        tpu.yield
      }) : () -> ()
      "tpu.region"() ({
        %run_scoped3A = tpu.sem_alloc : memref<!tpu.dma_semaphore, #tpu.memory_space<semaphore_mem>>
        %dma_start3A = arith.constant 0 : i32
        %dma_start3A_136 = tpu.memref_slice %arg7[%scan3A_36, %dma_start3A] : memref<250x80xi32, #tpu.memory_space<vmem>> -> memref<1x80xi32, #tpu.memory_space<vmem>>
        %dma_start3A_137 = tpu.memref_squeeze %dma_start3A_136 : memref<1x80xi32, #tpu.memory_space<vmem>> -> memref<80xi32, #tpu.memory_space<vmem>>
        %dma_start3A_138 = arith.constant 0 : i32
        %dma_start3A_139 = arith.constant 0 : i32
        %dma_start3A_140 = tpu.memref_slice %arg2[%dma_start3A_138, %dma_start3A_139] : memref<10240x128xf32, #tpu.memory_space<hbm>> -> memref<10240x128xf32, #tpu.memory_space<hbm>>
        %dma_start3A_141 = arith.constant -1 : i32
        tpu.enqueue_indirect_dma source(%dma_start3A_140 : memref<10240x128xf32, #tpu.memory_space<hbm>>) target(%arg10 : memref<80x128xf32, #tpu.memory_space<vmem>>) offsets(%dma_start3A_137 : memref<80xi32, #tpu.memory_space<vmem>>) offset_filter(%dma_start3A_141) semaphore(%run_scoped3A : memref<!tpu.dma_semaphore, #tpu.memory_space<semaphore_mem>>) {add = true}
        %dma_wait3A = arith.constant 0 : i32
        %dma_wait3A_142 = tpu.memref_slice %arg7[%scan3A_36, %dma_wait3A] : memref<250x80xi32, #tpu.memory_space<vmem>> -> memref<1x80xi32, #tpu.memory_space<vmem>>
        %dma_wait3A_143 = tpu.memref_squeeze %dma_wait3A_142 : memref<1x80xi32, #tpu.memory_space<vmem>> -> memref<80xi32, #tpu.memory_space<vmem>>
        %dma_wait3A_144 = arith.constant 0 : i32
        %dma_wait3A_145 = arith.constant 0 : i32
        %dma_wait3A_146 = tpu.memref_slice %arg2[%dma_wait3A_144, %dma_wait3A_145] : memref<10240x128xf32, #tpu.memory_space<hbm>> -> memref<10240x128xf32, #tpu.memory_space<hbm>>
        tpu.wait_indirect_dma semaphore(%run_scoped3A : memref<!tpu.dma_semaphore, #tpu.memory_space<semaphore_mem>>) src(%dma_wait3A_146 : memref<10240x128xf32, #tpu.memory_space<hbm>>) dst(%arg10 : memref<80x128xf32, #tpu.memory_space<vmem>>)
        tpu.yield
      }) : () -> ()
      %scan3A_130 = arith.constant 0 : i32
      %scan3A_131 = arith.constant 0 : i32
      %scan3A_132 = arith.constant 80 : i32
      %scan3A_133 = arith.addi %scan3A_131, %scan3A_132 : i32
      %scan3A_134 = arith.constant 1 : i32
      scf.for %scan3A_136 = %scan3A_131 to %scan3A_133 step %scan3A_134  : i32 {
        %get3A_137 = arith.index_cast %scan3A_136 : i32 to index
        %get3A_138 = arith.constant 0 : index
        %get3A_139 = tpu.vector_load %arg10[%get3A_137, %get3A_138] {strides = array<i32>} : memref<80x128xf32, #tpu.memory_space<vmem>>, vector<1x16xf32>,
        %get3A_140 = vector.shape_cast %get3A_139 : vector<1x16xf32> to vector<16xf32>
        %max3A = arith.constant 0.000000e+00 : f32
        %max3A_141 = vector.broadcast %max3A : f32 to vector<16xf32>
        %max3A_142 = arith.maximumf %get3A_140, %max3A_141 : vector<16xf32>
        %swap3A_143 = arith.index_cast %scan3A_136 : i32 to index
        %swap3A_144 = arith.constant 0 : index
        %swap3A_145 = tpu.vector_load %arg10[%swap3A_143, %swap3A_144] {strides = array<i32>} : memref<80x128xf32, #tpu.memory_space<vmem>>, vector<1x16xf32>,
        %swap3A_146 = vector.shape_cast %swap3A_145 : vector<1x16xf32> to vector<16xf32>
        %swap3A_147 = vector.shape_cast %max3A_142 : vector<16xf32> to vector<1x16xf32>
        tpu.vector_store %arg10[%swap3A_143, %swap3A_144], %swap3A_147 {strides = array<i32>} : memref<80x128xf32, #tpu.memory_space<vmem>>, vector<1x16xf32>,
        %get3A_148 = arith.index_cast %scan3A_136 : i32 to index
        %get3A_149 = arith.constant 16 : index
        %get3A_150 = tpu.vector_load %arg10[%get3A_148, %get3A_149] {strides = array<i32>} : memref<80x128xf32, #tpu.memory_space<vmem>>, vector<1x16xf32>,
        %get3A_151 = vector.shape_cast %get3A_150 : vector<1x16xf32> to vector<16xf32>
        %max3A_152 = arith.constant 0.000000e+00 : f32
        %max3A_153 = vector.broadcast %max3A_152 : f32 to vector<16xf32>
        %max3A_154 = arith.maximumf %get3A_151, %max3A_153 : vector<16xf32>
        %swap3A_155 = arith.index_cast %scan3A_136 : i32 to index
        %swap3A_156 = arith.constant 16 : index
        %swap3A_157 = tpu.vector_load %arg10[%swap3A_155, %swap3A_156] {strides = array<i32>} : memref<80x128xf32, #tpu.memory_space<vmem>>, vector<1x16xf32>,
        %swap3A_158 = vector.shape_cast %swap3A_157 : vector<1x16xf32> to vector<16xf32>
        %swap3A_159 = vector.shape_cast %max3A_154 : vector<16xf32> to vector<1x16xf32>
        tpu.vector_store %arg10[%swap3A_155, %swap3A_156], %swap3A_159 {strides = array<i32>} : memref<80x128xf32, #tpu.memory_space<vmem>>, vector<1x16xf32>,
        %get3A_160 = arith.index_cast %scan3A_136 : i32 to index
        %get3A_161 = arith.constant 32 : index
        %get3A_162 = tpu.vector_load %arg10[%get3A_160, %get3A_161] {strides = array<i32>} : memref<80x128xf32, #tpu.memory_space<vmem>>, vector<1x16xf32>,
        %get3A_163 = vector.shape_cast %get3A_162 : vector<1x16xf32> to vector<16xf32>
        %max3A_164 = arith.constant 0.000000e+00 : f32
        %max3A_165 = vector.broadcast %max3A_164 : f32 to vector<16xf32>
        %max3A_166 = arith.maximumf %get3A_163, %max3A_165 : vector<16xf32>
        %swap3A_167 = arith.index_cast %scan3A_136 : i32 to index
        %swap3A_168 = arith.constant 32 : index
        %swap3A_169 = tpu.vector_load %arg10[%swap3A_167, %swap3A_168] {strides = array<i32>} : memref<80x128xf32, #tpu.memory_space<vmem>>, vector<1x16xf32>,
        %swap3A_170 = vector.shape_cast %swap3A_169 : vector<1x16xf32> to vector<16xf32>
        %swap3A_171 = vector.shape_cast %max3A_166 : vector<16xf32> to vector<1x16xf32>
        tpu.vector_store %arg10[%swap3A_167, %swap3A_168], %swap3A_171 {strides = array<i32>} : memref<80x128xf32, #tpu.memory_space<vmem>>, vector<1x16xf32>,
        %get3A_172 = arith.index_cast %scan3A_136 : i32 to index
        %get3A_173 = arith.constant 48 : index
        %get3A_174 = tpu.vector_load %arg10[%get3A_172, %get3A_173] {strides = array<i32>} : memref<80x128xf32, #tpu.memory_space<vmem>>, vector<1x16xf32>,
        %get3A_175 = vector.shape_cast %get3A_174 : vector<1x16xf32> to vector<16xf32>
        %max3A_176 = arith.constant 0.000000e+00 : f32
        %max3A_177 = vector.broadcast %max3A_176 : f32 to vector<16xf32>
        %max3A_178 = arith.maximumf %get3A_175, %max3A_177 : vector<16xf32>
        %swap3A_179 = arith.index_cast %scan3A_136 : i32 to index
        %swap3A_180 = arith.constant 48 : index
        %swap3A_181 = tpu.vector_load %arg10[%swap3A_179, %swap3A_180] {strides = array<i32>} : memref<80x128xf32, #tpu.memory_space<vmem>>, vector<1x16xf32>,
        %swap3A_182 = vector.shape_cast %swap3A_181 : vector<1x16xf32> to vector<16xf32>
        %swap3A_183 = vector.shape_cast %max3A_178 : vector<16xf32> to vector<1x16xf32>
        tpu.vector_store %arg10[%swap3A_179, %swap3A_180], %swap3A_183 {strides = array<i32>} : memref<80x128xf32, #tpu.memory_space<vmem>>, vector<1x16xf32>,
        %get3A_184 = arith.index_cast %scan3A_136 : i32 to index
        %get3A_185 = arith.constant 64 : index
        %get3A_186 = tpu.vector_load %arg10[%get3A_184, %get3A_185] {strides = array<i32>} : memref<80x128xf32, #tpu.memory_space<vmem>>, vector<1x16xf32>,
        %get3A_187 = vector.shape_cast %get3A_186 : vector<1x16xf32> to vector<16xf32>
        %max3A_188 = arith.constant 0.000000e+00 : f32
        %max3A_189 = vector.broadcast %max3A_188 : f32 to vector<16xf32>
        %max3A_190 = arith.maximumf %get3A_187, %max3A_189 : vector<16xf32>
        %swap3A_191 = arith.index_cast %scan3A_136 : i32 to index
        %swap3A_192 = arith.constant 64 : index
        %swap3A_193 = tpu.vector_load %arg10[%swap3A_191, %swap3A_192] {strides = array<i32>} : memref<80x128xf32, #tpu.memory_space<vmem>>, vector<1x16xf32>,
        %swap3A_194 = vector.shape_cast %swap3A_193 : vector<1x16xf32> to vector<16xf32>
        %swap3A_195 = vector.shape_cast %max3A_190 : vector<16xf32> to vector<1x16xf32>
        tpu.vector_store %arg10[%swap3A_191, %swap3A_192], %swap3A_195 {strides = array<i32>} : memref<80x128xf32, #tpu.memory_space<vmem>>, vector<1x16xf32>,
        %get3A_196 = arith.index_cast %scan3A_136 : i32 to index
        %get3A_197 = arith.constant 80 : index
        %get3A_198 = tpu.vector_load %arg10[%get3A_196, %get3A_197] {strides = array<i32>} : memref<80x128xf32, #tpu.memory_space<vmem>>, vector<1x16xf32>,
        %get3A_199 = vector.shape_cast %get3A_198 : vector<1x16xf32> to vector<16xf32>
        %max3A_200 = arith.constant 0.000000e+00 : f32
        %max3A_201 = vector.broadcast %max3A_200 : f32 to vector<16xf32>
        %max3A_202 = arith.maximumf %get3A_199, %max3A_201 : vector<16xf32>
        %swap3A_203 = arith.index_cast %scan3A_136 : i32 to index
        %swap3A_204 = arith.constant 80 : index
        %swap3A_205 = tpu.vector_load %arg10[%swap3A_203, %swap3A_204] {strides = array<i32>} : memref<80x128xf32, #tpu.memory_space<vmem>>, vector<1x16xf32>,
        %swap3A_206 = vector.shape_cast %swap3A_205 : vector<1x16xf32> to vector<16xf32>
        %swap3A_207 = vector.shape_cast %max3A_202 : vector<16xf32> to vector<1x16xf32>
        tpu.vector_store %arg10[%swap3A_203, %swap3A_204], %swap3A_207 {strides = array<i32>} : memref<80x128xf32, #tpu.memory_space<vmem>>, vector<1x16xf32>,
        %get3A_208 = arith.index_cast %scan3A_136 : i32 to index
        %get3A_209 = arith.constant 96 : index
        %get3A_210 = tpu.vector_load %arg10[%get3A_208, %get3A_209] {strides = array<i32>} : memref<80x128xf32, #tpu.memory_space<vmem>>, vector<1x16xf32>,
        %get3A_211 = vector.shape_cast %get3A_210 : vector<1x16xf32> to vector<16xf32>
        %max3A_212 = arith.constant 0.000000e+00 : f32
        %max3A_213 = vector.broadcast %max3A_212 : f32 to vector<16xf32>
        %max3A_214 = arith.maximumf %get3A_211, %max3A_213 : vector<16xf32>
        %swap3A_215 = arith.index_cast %scan3A_136 : i32 to index
        %swap3A_216 = arith.constant 96 : index
        %swap3A_217 = tpu.vector_load %arg10[%swap3A_215, %swap3A_216] {strides = array<i32>} : memref<80x128xf32, #tpu.memory_space<vmem>>, vector<1x16xf32>,
        %swap3A_218 = vector.shape_cast %swap3A_217 : vector<1x16xf32> to vector<16xf32>
        %swap3A_219 = vector.shape_cast %max3A_214 : vector<16xf32> to vector<1x16xf32>
        tpu.vector_store %arg10[%swap3A_215, %swap3A_216], %swap3A_219 {strides = array<i32>} : memref<80x128xf32, #tpu.memory_space<vmem>>, vector<1x16xf32>,
        %get3A_220 = arith.index_cast %scan3A_136 : i32 to index
        %get3A_221 = arith.constant 112 : index
        %get3A_222 = tpu.vector_load %arg10[%get3A_220, %get3A_221] {strides = array<i32>} : memref<80x128xf32, #tpu.memory_space<vmem>>, vector<1x16xf32>,
        %get3A_223 = vector.shape_cast %get3A_222 : vector<1x16xf32> to vector<16xf32>
        %max3A_224 = arith.constant 0.000000e+00 : f32
        %max3A_225 = vector.broadcast %max3A_224 : f32 to vector<16xf32>
        %max3A_226 = arith.maximumf %get3A_223, %max3A_225 : vector<16xf32>
        %swap3A_227 = arith.index_cast %scan3A_136 : i32 to index
        %swap3A_228 = arith.constant 112 : index
        %swap3A_229 = tpu.vector_load %arg10[%swap3A_227, %swap3A_228] {strides = array<i32>} : memref<80x128xf32, #tpu.memory_space<vmem>>, vector<1x16xf32>,
        %swap3A_230 = vector.shape_cast %swap3A_229 : vector<1x16xf32> to vector<16xf32>
        %swap3A_231 = vector.shape_cast %max3A_226 : vector<16xf32> to vector<1x16xf32>
        tpu.vector_store %arg10[%swap3A_227, %swap3A_228], %swap3A_231 {strides = array<i32>} : memref<80x128xf32, #tpu.memory_space<vmem>>, vector<1x16xf32>,
      }
      %scan3A_135 = arith.constant 80 : i32
      "tpu.region"() ({
        %run_scoped3A = tpu.sem_alloc : memref<!tpu.dma_semaphore, #tpu.memory_space<semaphore_mem>>
        %dma_start3A = arith.constant 0 : i32
        %dma_start3A_136 = tpu.memref_slice %arg8[%scan3A_36, %dma_start3A] : memref<250x80xi32, #tpu.memory_space<vmem>> -> memref<1x80xi32, #tpu.memory_space<vmem>>
        %dma_start3A_137 = tpu.memref_squeeze %dma_start3A_136 : memref<1x80xi32, #tpu.memory_space<vmem>> -> memref<80xi32, #tpu.memory_space<vmem>>
        %dma_start3A_138 = arith.constant 0 : i32
        %dma_start3A_139 = arith.constant 0 : i32
        %dma_start3A_140 = tpu.memref_slice %arg11[%dma_start3A_138, %dma_start3A_139] : memref<5120x128xf32, #tpu.memory_space<vmem_shared>> -> memref<5120x128xf32, #tpu.memory_space<vmem_shared>>
        %dma_start3A_141 = arith.constant -1 : i32
        tpu.enqueue_indirect_dma source(%arg10 : memref<80x128xf32, #tpu.memory_space<vmem>>) target(%dma_start3A_140 : memref<5120x128xf32, #tpu.memory_space<vmem_shared>>) offsets(%dma_start3A_137 : memref<80xi32, #tpu.memory_space<vmem>>) offset_filter(%dma_start3A_141) semaphore(%run_scoped3A : memref<!tpu.dma_semaphore, #tpu.memory_space<semaphore_mem>>) {add = true}
        %dma_wait3A = arith.constant 0 : i32
        %dma_wait3A_142 = tpu.memref_slice %arg8[%scan3A_36, %dma_wait3A] : memref<250x80xi32, #tpu.memory_space<vmem>> -> memref<1x80xi32, #tpu.memory_space<vmem>>
        %dma_wait3A_143 = tpu.memref_squeeze %dma_wait3A_142 : memref<1x80xi32, #tpu.memory_space<vmem>> -> memref<80xi32, #tpu.memory_space<vmem>>
        %dma_wait3A_144 = arith.constant 0 : i32
        %dma_wait3A_145 = arith.constant 0 : i32
        %dma_wait3A_146 = tpu.memref_slice %arg11[%dma_wait3A_144, %dma_wait3A_145] : memref<5120x128xf32, #tpu.memory_space<vmem_shared>> -> memref<5120x128xf32, #tpu.memory_space<vmem_shared>>
        tpu.wait_indirect_dma semaphore(%run_scoped3A : memref<!tpu.dma_semaphore, #tpu.memory_space<semaphore_mem>>) src(%arg10 : memref<80x128xf32, #tpu.memory_space<vmem>>) dst(%dma_wait3A_146 : memref<5120x128xf32, #tpu.memory_space<vmem_shared>>)
        tpu.yield
      }) : () -> ()
    }
    %scan3A_27 = arith.constant 250 : i32
    %barrier3A_28 = arith.constant 0 : index
    tpu.barrier barrier_id(%barrier3A_28)
    %mul3A_29 = arith.constant 320 : i32
    %mul3A_30 = arith.muli %arg1, %mul3A_29 : i32
    %mul3A_31 = arith.constant 5120 : i32
    %mul3A_32 = arith.muli %arg0, %mul3A_31 : i32
    %mul3A_33 = arith.constant 320 : i32
    %mul3A_34 = arith.muli %arg1, %mul3A_33 : i32
    %add3A_35 = arith.addi %mul3A_32, %mul3A_34 : i32
    "tpu.region"() ({
      %run_scoped3A = tpu.sem_alloc : memref<!tpu.dma_semaphore, #tpu.memory_space<semaphore_mem>>
      %dma_start3A = arith.constant 0 : i32
      %dma_start3A_36 = tpu.memref_slice %arg6[%add3A_35, %dma_start3A] : memref<10240x128xf32, #tpu.memory_space<hbm>> -> memref<320x128xf32, #tpu.memory_space<hbm>>
      %dma_start3A_37 = arith.constant 0 : i32
      %dma_start3A_38 = tpu.memref_slice %arg11[%mul3A_30, %dma_start3A_37] : memref<5120x128xf32, #tpu.memory_space<vmem_shared>> -> memref<320x128xf32, #tpu.memory_space<vmem_shared>>
      tpu.enqueue_dma source(%dma_start3A_38 : memref<320x128xf32, #tpu.memory_space<vmem_shared>>) target(%dma_start3A_36 : memref<320x128xf32, #tpu.memory_space<hbm>>) target_semaphore(%run_scoped3A : memref<!tpu.dma_semaphore, #tpu.memory_space<semaphore_mem>>)
      %dma_wait3A = arith.constant 0 : i32
      %dma_wait3A_39 = tpu.memref_slice %arg6[%add3A_35, %dma_wait3A] : memref<10240x128xf32, #tpu.memory_space<hbm>> -> memref<320x128xf32, #tpu.memory_space<hbm>>
      %dma_wait3A_40 = arith.constant 0 : i32
      %dma_wait3A_41 = tpu.memref_slice %arg11[%mul3A_30, %dma_wait3A_40] : memref<5120x128xf32, #tpu.memory_space<vmem_shared>> -> memref<320x128xf32, #tpu.memory_space<vmem_shared>>
      tpu.wait_dma2 semaphore(%run_scoped3A : memref<!tpu.dma_semaphore, #tpu.memory_space<semaphore_mem>>) src(%dma_wait3A_41 : memref<320x128xf32, #tpu.memory_space<vmem_shared>>) dst(%dma_wait3A_39 : memref<320x128xf32, #tpu.memory_space<hbm>>)
      tpu.yield
    }) : () -> ()
    return
  }
}

#map = affine_map<(d0, d1) -> (0, 0)>
#map1 = affine_map<(d0, d1) -> (0, 0, 0)>
module attributes {stable_mosaic.version = 14 : i64} {
  func.func @_sc_body(%arg0: i32, %arg1: i32, %arg2: memref<10240x128xf32, #tpu.memory_space<hbm>>, %arg3: memref<320000x128xf32, #tpu.memory_space<hbm>>, %arg4: memref<32x250x80xi32, #tpu.memory_space<hbm>>, %arg5: memref<32x250x80xi32, #tpu.memory_space<hbm>>, %arg6: memref<10240x128xf32, #tpu.memory_space<hbm>>, %arg7: memref<250x80xi32, #tpu.memory_space<vmem>>, %arg8: memref<250x80xi32, #tpu.memory_space<vmem>>, %arg9: memref<80xi32, #tpu.memory_space<vmem>>, %arg10: memref<80x128xf32, #tpu.memory_space<vmem>>, %arg11: memref<5120x128xf32, #tpu.memory_space<vmem_shared>>, %arg12: memref<!tpu.dma_semaphore, #tpu.memory_space<semaphore_mem>>) attributes {dimension_semantics = [#tpu.dimension_semantics<core_parallel>, #tpu.dimension_semantics<subcore_parallel>], iteration_bounds = array<i64: 2, 16>, scalar_prefetch = 0 : i64, scratch_operands = 6 : i64, tpu.core_type = #tpu.core_type<sc_vector_subcore>, window_params = [{transform_indices = #map}, {transform_indices = #map}, {transform_indices = #map1}, {transform_indices = #map1}, {transform_indices = #map}]} {
    %mul3A = arith.constant 16 : i32
    %mul3A_0 = arith.muli %arg0, %mul3A : i32
    %add3A = arith.addi %mul3A_0, %arg1 : i32
    "tpu.region"() ({
      %run_scoped3A = tpu.sem_alloc : memref<!tpu.dma_semaphore, #tpu.memory_space<semaphore_mem>>
      %dma_start3A = arith.constant 0 : i32
      %dma_start3A_36 = arith.constant 0 : i32
      %dma_start3A_37 = tpu.memref_slice %arg4[%add3A, %dma_start3A, %dma_start3A_36] : memref<32x250x80xi32, #tpu.memory_space<hbm>> -> memref<1x250x80xi32, #tpu.memory_space<hbm>>
      %dma_start3A_38 = tpu.memref_squeeze %dma_start3A_37 : memref<1x250x80xi32, #tpu.memory_space<hbm>> -> memref<250x80xi32, #tpu.memory_space<hbm>>
      %dma_start3A_39 = arith.constant 0 : i32
      %dma_start3A_40 = arith.constant 0 : i32
      %dma_start3A_41 = tpu.memref_slice %arg4[%add3A, %dma_start3A_39, %dma_start3A_40] : memref<32x250x80xi32, #tpu.memory_space<hbm>> -> memref<1x250x80xi32, #tpu.memory_space<hbm>>
      %dma_start3A_42 = tpu.memref_squeeze %dma_start3A_41 : memref<1x250x80xi32, #tpu.memory_space<hbm>> -> memref<250x80xi32, #tpu.memory_space<hbm>>
      tpu.enqueue_dma source(%dma_start3A_42 : memref<250x80xi32, #tpu.memory_space<hbm>>) target(%arg7 : memref<250x80xi32, #tpu.memory_space<vmem>>) target_semaphore(%run_scoped3A : memref<!tpu.dma_semaphore, #tpu.memory_space<semaphore_mem>>)
      %dma_wait3A = arith.constant 0 : i32
      %dma_wait3A_43 = arith.constant 0 : i32
      %dma_wait3A_44 = tpu.memref_slice %arg4[%add3A, %dma_wait3A, %dma_wait3A_43] : memref<32x250x80xi32, #tpu.memory_space<hbm>> -> memref<1x250x80xi32, #tpu.memory_space<hbm>>
      %dma_wait3A_45 = tpu.memref_squeeze %dma_wait3A_44 : memref<1x250x80xi32, #tpu.memory_space<hbm>> -> memref<250x80xi32, #tpu.memory_space<hbm>>
      %dma_wait3A_46 = arith.constant 0 : i32
      %dma_wait3A_47 = arith.constant 0 : i32
      %dma_wait3A_48 = tpu.memref_slice %arg4[%add3A, %dma_wait3A_46, %dma_wait3A_47] : memref<32x250x80xi32, #tpu.memory_space<hbm>> -> memref<1x250x80xi32, #tpu.memory_space<hbm>>
      %dma_wait3A_49 = tpu.memref_squeeze %dma_wait3A_48 : memref<1x250x80xi32, #tpu.memory_space<hbm>> -> memref<250x80xi32, #tpu.memory_space<hbm>>
      tpu.wait_dma2 semaphore(%run_scoped3A : memref<!tpu.dma_semaphore, #tpu.memory_space<semaphore_mem>>) src(%dma_wait3A_49 : memref<250x80xi32, #tpu.memory_space<hbm>>) dst(%arg7 : memref<250x80xi32, #tpu.memory_space<vmem>>)
      tpu.yield
    }) : () -> ()
    "tpu.region"() ({
      %run_scoped3A = tpu.sem_alloc : memref<!tpu.dma_semaphore, #tpu.memory_space<semaphore_mem>>
      %dma_start3A = arith.constant 0 : i32
      %dma_start3A_36 = arith.constant 0 : i32
      %dma_start3A_37 = tpu.memref_slice %arg5[%add3A, %dma_start3A, %dma_start3A_36] : memref<32x250x80xi32, #tpu.memory_space<hbm>> -> memref<1x250x80xi32, #tpu.memory_space<hbm>>
      %dma_start3A_38 = tpu.memref_squeeze %dma_start3A_37 : memref<1x250x80xi32, #tpu.memory_space<hbm>> -> memref<250x80xi32, #tpu.memory_space<hbm>>
      %dma_start3A_39 = arith.constant 0 : i32
      %dma_start3A_40 = arith.constant 0 : i32
      %dma_start3A_41 = tpu.memref_slice %arg5[%add3A, %dma_start3A_39, %dma_start3A_40] : memref<32x250x80xi32, #tpu.memory_space<hbm>> -> memref<1x250x80xi32, #tpu.memory_space<hbm>>
      %dma_start3A_42 = tpu.memref_squeeze %dma_start3A_41 : memref<1x250x80xi32, #tpu.memory_space<hbm>> -> memref<250x80xi32, #tpu.memory_space<hbm>>
      tpu.enqueue_dma source(%dma_start3A_42 : memref<250x80xi32, #tpu.memory_space<hbm>>) target(%arg8 : memref<250x80xi32, #tpu.memory_space<vmem>>) target_semaphore(%run_scoped3A : memref<!tpu.dma_semaphore, #tpu.memory_space<semaphore_mem>>)
      %dma_wait3A = arith.constant 0 : i32
      %dma_wait3A_43 = arith.constant 0 : i32
      %dma_wait3A_44 = tpu.memref_slice %arg5[%add3A, %dma_wait3A, %dma_wait3A_43] : memref<32x250x80xi32, #tpu.memory_space<hbm>> -> memref<1x250x80xi32, #tpu.memory_space<hbm>>
      %dma_wait3A_45 = tpu.memref_squeeze %dma_wait3A_44 : memref<1x250x80xi32, #tpu.memory_space<hbm>> -> memref<250x80xi32, #tpu.memory_space<hbm>>
      %dma_wait3A_46 = arith.constant 0 : i32
      %dma_wait3A_47 = arith.constant 0 : i32
      %dma_wait3A_48 = tpu.memref_slice %arg5[%add3A, %dma_wait3A_46, %dma_wait3A_47] : memref<32x250x80xi32, #tpu.memory_space<hbm>> -> memref<1x250x80xi32, #tpu.memory_space<hbm>>
      %dma_wait3A_49 = tpu.memref_squeeze %dma_wait3A_48 : memref<1x250x80xi32, #tpu.memory_space<hbm>> -> memref<250x80xi32, #tpu.memory_space<hbm>>
      tpu.wait_dma2 semaphore(%run_scoped3A : memref<!tpu.dma_semaphore, #tpu.memory_space<semaphore_mem>>) src(%dma_wait3A_49 : memref<250x80xi32, #tpu.memory_space<hbm>>) dst(%arg8 : memref<250x80xi32, #tpu.memory_space<vmem>>)
      tpu.yield
    }) : () -> ()
    %scan3A = arith.constant 0 : i32
    %scan3A_1 = arith.constant 0 : i32
    %scan3A_2 = arith.constant 80 : i32
    %scan3A_3 = arith.addi %scan3A_1, %scan3A_2 : i32
    %scan3A_4 = arith.constant 1 : i32
    scf.for %scan3A_36 = %scan3A_1 to %scan3A_3 step %scan3A_4  : i32 {
      %broadcast_in_dim3A = arith.constant 0.000000e+00 : f32
      %broadcast_in_dim3A_37 = vector.broadcast %broadcast_in_dim3A : f32 to vector<16xf32>
      %swap3A = arith.index_cast %scan3A_36 : i32 to index
      %swap3A_38 = arith.constant 0 : index
      %swap3A_39 = tpu.vector_load %arg10[%swap3A, %swap3A_38] {strides = array<i32>} : memref<80x128xf32, #tpu.memory_space<vmem>>, vector<1x16xf32>,
      %swap3A_40 = vector.shape_cast %swap3A_39 : vector<1x16xf32> to vector<16xf32>
      %swap3A_41 = vector.shape_cast %broadcast_in_dim3A_37 : vector<16xf32> to vector<1x16xf32>
      tpu.vector_store %arg10[%swap3A, %swap3A_38], %swap3A_41 {strides = array<i32>} : memref<80x128xf32, #tpu.memory_space<vmem>>, vector<1x16xf32>,
      %broadcast_in_dim3A_42 = arith.constant 0.000000e+00 : f32
      %broadcast_in_dim3A_43 = vector.broadcast %broadcast_in_dim3A_42 : f32 to vector<16xf32>
      %swap3A_44 = arith.index_cast %scan3A_36 : i32 to index
      %swap3A_45 = arith.constant 16 : index
      %swap3A_46 = tpu.vector_load %arg10[%swap3A_44, %swap3A_45] {strides = array<i32>} : memref<80x128xf32, #tpu.memory_space<vmem>>, vector<1x16xf32>,
      %swap3A_47 = vector.shape_cast %swap3A_46 : vector<1x16xf32> to vector<16xf32>
      %swap3A_48 = vector.shape_cast %broadcast_in_dim3A_43 : vector<16xf32> to vector<1x16xf32>
      tpu.vector_store %arg10[%swap3A_44, %swap3A_45], %swap3A_48 {strides = array<i32>} : memref<80x128xf32, #tpu.memory_space<vmem>>, vector<1x16xf32>,
      %broadcast_in_dim3A_49 = arith.constant 0.000000e+00 : f32
      %broadcast_in_dim3A_50 = vector.broadcast %broadcast_in_dim3A_49 : f32 to vector<16xf32>
      %swap3A_51 = arith.index_cast %scan3A_36 : i32 to index
      %swap3A_52 = arith.constant 32 : index
      %swap3A_53 = tpu.vector_load %arg10[%swap3A_51, %swap3A_52] {strides = array<i32>} : memref<80x128xf32, #tpu.memory_space<vmem>>, vector<1x16xf32>,
      %swap3A_54 = vector.shape_cast %swap3A_53 : vector<1x16xf32> to vector<16xf32>
      %swap3A_55 = vector.shape_cast %broadcast_in_dim3A_50 : vector<16xf32> to vector<1x16xf32>
      tpu.vector_store %arg10[%swap3A_51, %swap3A_52], %swap3A_55 {strides = array<i32>} : memref<80x128xf32, #tpu.memory_space<vmem>>, vector<1x16xf32>,
      %broadcast_in_dim3A_56 = arith.constant 0.000000e+00 : f32
      %broadcast_in_dim3A_57 = vector.broadcast %broadcast_in_dim3A_56 : f32 to vector<16xf32>
      %swap3A_58 = arith.index_cast %scan3A_36 : i32 to index
      %swap3A_59 = arith.constant 48 : index
      %swap3A_60 = tpu.vector_load %arg10[%swap3A_58, %swap3A_59] {strides = array<i32>} : memref<80x128xf32, #tpu.memory_space<vmem>>, vector<1x16xf32>,
      %swap3A_61 = vector.shape_cast %swap3A_60 : vector<1x16xf32> to vector<16xf32>
      %swap3A_62 = vector.shape_cast %broadcast_in_dim3A_57 : vector<16xf32> to vector<1x16xf32>
      tpu.vector_store %arg10[%swap3A_58, %swap3A_59], %swap3A_62 {strides = array<i32>} : memref<80x128xf32, #tpu.memory_space<vmem>>, vector<1x16xf32>,
      %broadcast_in_dim3A_63 = arith.constant 0.000000e+00 : f32
      %broadcast_in_dim3A_64 = vector.broadcast %broadcast_in_dim3A_63 : f32 to vector<16xf32>
      %swap3A_65 = arith.index_cast %scan3A_36 : i32 to index
      %swap3A_66 = arith.constant 64 : index
      %swap3A_67 = tpu.vector_load %arg10[%swap3A_65, %swap3A_66] {strides = array<i32>} : memref<80x128xf32, #tpu.memory_space<vmem>>, vector<1x16xf32>,
      %swap3A_68 = vector.shape_cast %swap3A_67 : vector<1x16xf32> to vector<16xf32>
      %swap3A_69 = vector.shape_cast %broadcast_in_dim3A_64 : vector<16xf32> to vector<1x16xf32>
      tpu.vector_store %arg10[%swap3A_65, %swap3A_66], %swap3A_69 {strides = array<i32>} : memref<80x128xf32, #tpu.memory_space<vmem>>, vector<1x16xf32>,
      %broadcast_in_dim3A_70 = arith.constant 0.000000e+00 : f32
      %broadcast_in_dim3A_71 = vector.broadcast %broadcast_in_dim3A_70 : f32 to vector<16xf32>
      %swap3A_72 = arith.index_cast %scan3A_36 : i32 to index
      %swap3A_73 = arith.constant 80 : index
      %swap3A_74 = tpu.vector_load %arg10[%swap3A_72, %swap3A_73] {strides = array<i32>} : memref<80x128xf32, #tpu.memory_space<vmem>>, vector<1x16xf32>,
      %swap3A_75 = vector.shape_cast %swap3A_74 : vector<1x16xf32> to vector<16xf32>
      %swap3A_76 = vector.shape_cast %broadcast_in_dim3A_71 : vector<16xf32> to vector<1x16xf32>
      tpu.vector_store %arg10[%swap3A_72, %swap3A_73], %swap3A_76 {strides = array<i32>} : memref<80x128xf32, #tpu.memory_space<vmem>>, vector<1x16xf32>,
      %broadcast_in_dim3A_77 = arith.constant 0.000000e+00 : f32
      %broadcast_in_dim3A_78 = vector.broadcast %broadcast_in_dim3A_77 : f32 to vector<16xf32>
      %swap3A_79 = arith.index_cast %scan3A_36 : i32 to index
      %swap3A_80 = arith.constant 96 : index
      %swap3A_81 = tpu.vector_load %arg10[%swap3A_79, %swap3A_80] {strides = array<i32>} : memref<80x128xf32, #tpu.memory_space<vmem>>, vector<1x16xf32>,
      %swap3A_82 = vector.shape_cast %swap3A_81 : vector<1x16xf32> to vector<16xf32>
      %swap3A_83 = vector.shape_cast %broadcast_in_dim3A_78 : vector<16xf32> to vector<1x16xf32>
      tpu.vector_store %arg10[%swap3A_79, %swap3A_80], %swap3A_83 {strides = array<i32>} : memref<80x128xf32, #tpu.memory_space<vmem>>, vector<1x16xf32>,
      %broadcast_in_dim3A_84 = arith.constant 0.000000e+00 : f32
      %broadcast_in_dim3A_85 = vector.broadcast %broadcast_in_dim3A_84 : f32 to vector<16xf32>
      %swap3A_86 = arith.index_cast %scan3A_36 : i32 to index
      %swap3A_87 = arith.constant 112 : index
      %swap3A_88 = tpu.vector_load %arg10[%swap3A_86, %swap3A_87] {strides = array<i32>} : memref<80x128xf32, #tpu.memory_space<vmem>>, vector<1x16xf32>,
      %swap3A_89 = vector.shape_cast %swap3A_88 : vector<1x16xf32> to vector<16xf32>
      %swap3A_90 = vector.shape_cast %broadcast_in_dim3A_85 : vector<16xf32> to vector<1x16xf32>
      tpu.vector_store %arg10[%swap3A_86, %swap3A_87], %swap3A_90 {strides = array<i32>} : memref<80x128xf32, #tpu.memory_space<vmem>>, vector<1x16xf32>,
    }
    %scan3A_5 = arith.constant 80 : i32
    %mul3A_6 = arith.constant 320 : i32
    %mul3A_7 = arith.muli %arg1, %mul3A_6 : i32
    %add3A_8 = arith.constant 0 : i32
    %add3A_9 = arith.addi %mul3A_7, %add3A_8 : i32
    "tpu.region"() ({
      %run_scoped3A = tpu.sem_alloc : memref<!tpu.dma_semaphore, #tpu.memory_space<semaphore_mem>>
      %dma_start3A = arith.constant 0 : i32
      %dma_start3A_36 = tpu.memref_slice %arg11[%add3A_9, %dma_start3A] : memref<5120x128xf32, #tpu.memory_space<vmem_shared>> -> memref<80x128xf32, #tpu.memory_space<vmem_shared>>
      %dma_start3A_37 = arith.constant 0 : i32
      %dma_start3A_38 = tpu.memref_slice %arg11[%add3A_9, %dma_start3A_37] : memref<5120x128xf32, #tpu.memory_space<vmem_shared>> -> memref<80x128xf32, #tpu.memory_space<vmem_shared>>
      tpu.enqueue_dma source(%arg10 : memref<80x128xf32, #tpu.memory_space<vmem>>) target(%dma_start3A_38 : memref<80x128xf32, #tpu.memory_space<vmem_shared>>) target_semaphore(%run_scoped3A : memref<!tpu.dma_semaphore, #tpu.memory_space<semaphore_mem>>)
      %dma_wait3A = arith.constant 0 : i32
      %dma_wait3A_39 = tpu.memref_slice %arg11[%add3A_9, %dma_wait3A] : memref<5120x128xf32, #tpu.memory_space<vmem_shared>> -> memref<80x128xf32, #tpu.memory_space<vmem_shared>>
      %dma_wait3A_40 = arith.constant 0 : i32
      %dma_wait3A_41 = tpu.memref_slice %arg11[%add3A_9, %dma_wait3A_40] : memref<5120x128xf32, #tpu.memory_space<vmem_shared>> -> memref<80x128xf32, #tpu.memory_space<vmem_shared>>
      tpu.wait_dma2 semaphore(%run_scoped3A : memref<!tpu.dma_semaphore, #tpu.memory_space<semaphore_mem>>) src(%arg10 : memref<80x128xf32, #tpu.memory_space<vmem>>) dst(%dma_wait3A_41 : memref<80x128xf32, #tpu.memory_space<vmem_shared>>)
      tpu.yield
    }) : () -> ()
    %mul3A_10 = arith.constant 320 : i32
    %mul3A_11 = arith.muli %arg1, %mul3A_10 : i32
    %add3A_12 = arith.constant 80 : i32
    %add3A_13 = arith.addi %mul3A_11, %add3A_12 : i32
    "tpu.region"() ({
      %run_scoped3A = tpu.sem_alloc : memref<!tpu.dma_semaphore, #tpu.memory_space<semaphore_mem>>
      %dma_start3A = arith.constant 0 : i32
      %dma_start3A_36 = tpu.memref_slice %arg11[%add3A_13, %dma_start3A] : memref<5120x128xf32, #tpu.memory_space<vmem_shared>> -> memref<80x128xf32, #tpu.memory_space<vmem_shared>>
      %dma_start3A_37 = arith.constant 0 : i32
      %dma_start3A_38 = tpu.memref_slice %arg11[%add3A_13, %dma_start3A_37] : memref<5120x128xf32, #tpu.memory_space<vmem_shared>> -> memref<80x128xf32, #tpu.memory_space<vmem_shared>>
      tpu.enqueue_dma source(%arg10 : memref<80x128xf32, #tpu.memory_space<vmem>>) target(%dma_start3A_38 : memref<80x128xf32, #tpu.memory_space<vmem_shared>>) target_semaphore(%run_scoped3A : memref<!tpu.dma_semaphore, #tpu.memory_space<semaphore_mem>>)
      %dma_wait3A = arith.constant 0 : i32
      %dma_wait3A_39 = tpu.memref_slice %arg11[%add3A_13, %dma_wait3A] : memref<5120x128xf32, #tpu.memory_space<vmem_shared>> -> memref<80x128xf32, #tpu.memory_space<vmem_shared>>
      %dma_wait3A_40 = arith.constant 0 : i32
      %dma_wait3A_41 = tpu.memref_slice %arg11[%add3A_13, %dma_wait3A_40] : memref<5120x128xf32, #tpu.memory_space<vmem_shared>> -> memref<80x128xf32, #tpu.memory_space<vmem_shared>>
      tpu.wait_dma2 semaphore(%run_scoped3A : memref<!tpu.dma_semaphore, #tpu.memory_space<semaphore_mem>>) src(%arg10 : memref<80x128xf32, #tpu.memory_space<vmem>>) dst(%dma_wait3A_41 : memref<80x128xf32, #tpu.memory_space<vmem_shared>>)
      tpu.yield
    }) : () -> ()
    %mul3A_14 = arith.constant 320 : i32
    %mul3A_15 = arith.muli %arg1, %mul3A_14 : i32
    %add3A_16 = arith.constant 160 : i32
    %add3A_17 = arith.addi %mul3A_15, %add3A_16 : i32
    "tpu.region"() ({
      %run_scoped3A = tpu.sem_alloc : memref<!tpu.dma_semaphore, #tpu.memory_space<semaphore_mem>>
      %dma_start3A = arith.constant 0 : i32
      %dma_start3A_36 = tpu.memref_slice %arg11[%add3A_17, %dma_start3A] : memref<5120x128xf32, #tpu.memory_space<vmem_shared>> -> memref<80x128xf32, #tpu.memory_space<vmem_shared>>
      %dma_start3A_37 = arith.constant 0 : i32
      %dma_start3A_38 = tpu.memref_slice %arg11[%add3A_17, %dma_start3A_37] : memref<5120x128xf32, #tpu.memory_space<vmem_shared>> -> memref<80x128xf32, #tpu.memory_space<vmem_shared>>
      tpu.enqueue_dma source(%arg10 : memref<80x128xf32, #tpu.memory_space<vmem>>) target(%dma_start3A_38 : memref<80x128xf32, #tpu.memory_space<vmem_shared>>) target_semaphore(%run_scoped3A : memref<!tpu.dma_semaphore, #tpu.memory_space<semaphore_mem>>)
      %dma_wait3A = arith.constant 0 : i32
      %dma_wait3A_39 = tpu.memref_slice %arg11[%add3A_17, %dma_wait3A] : memref<5120x128xf32, #tpu.memory_space<vmem_shared>> -> memref<80x128xf32, #tpu.memory_space<vmem_shared>>
      %dma_wait3A_40 = arith.constant 0 : i32
      %dma_wait3A_41 = tpu.memref_slice %arg11[%add3A_17, %dma_wait3A_40] : memref<5120x128xf32, #tpu.memory_space<vmem_shared>> -> memref<80x128xf32, #tpu.memory_space<vmem_shared>>
      tpu.wait_dma2 semaphore(%run_scoped3A : memref<!tpu.dma_semaphore, #tpu.memory_space<semaphore_mem>>) src(%arg10 : memref<80x128xf32, #tpu.memory_space<vmem>>) dst(%dma_wait3A_41 : memref<80x128xf32, #tpu.memory_space<vmem_shared>>)
      tpu.yield
    }) : () -> ()
    %mul3A_18 = arith.constant 320 : i32
    %mul3A_19 = arith.muli %arg1, %mul3A_18 : i32
    %add3A_20 = arith.constant 240 : i32
    %add3A_21 = arith.addi %mul3A_19, %add3A_20 : i32
    "tpu.region"() ({
      %run_scoped3A = tpu.sem_alloc : memref<!tpu.dma_semaphore, #tpu.memory_space<semaphore_mem>>
      %dma_start3A = arith.constant 0 : i32
      %dma_start3A_36 = tpu.memref_slice %arg11[%add3A_21, %dma_start3A] : memref<5120x128xf32, #tpu.memory_space<vmem_shared>> -> memref<80x128xf32, #tpu.memory_space<vmem_shared>>
      %dma_start3A_37 = arith.constant 0 : i32
      %dma_start3A_38 = tpu.memref_slice %arg11[%add3A_21, %dma_start3A_37] : memref<5120x128xf32, #tpu.memory_space<vmem_shared>> -> memref<80x128xf32, #tpu.memory_space<vmem_shared>>
      tpu.enqueue_dma source(%arg10 : memref<80x128xf32, #tpu.memory_space<vmem>>) target(%dma_start3A_38 : memref<80x128xf32, #tpu.memory_space<vmem_shared>>) target_semaphore(%run_scoped3A : memref<!tpu.dma_semaphore, #tpu.memory_space<semaphore_mem>>)
      %dma_wait3A = arith.constant 0 : i32
      %dma_wait3A_39 = tpu.memref_slice %arg11[%add3A_21, %dma_wait3A] : memref<5120x128xf32, #tpu.memory_space<vmem_shared>> -> memref<80x128xf32, #tpu.memory_space<vmem_shared>>
      %dma_wait3A_40 = arith.constant 0 : i32
      %dma_wait3A_41 = tpu.memref_slice %arg11[%add3A_21, %dma_wait3A_40] : memref<5120x128xf32, #tpu.memory_space<vmem_shared>> -> memref<80x128xf32, #tpu.memory_space<vmem_shared>>
      tpu.wait_dma2 semaphore(%run_scoped3A : memref<!tpu.dma_semaphore, #tpu.memory_space<semaphore_mem>>) src(%arg10 : memref<80x128xf32, #tpu.memory_space<vmem>>) dst(%dma_wait3A_41 : memref<80x128xf32, #tpu.memory_space<vmem_shared>>)
      tpu.yield
    }) : () -> ()
    %barrier3A = arith.constant 0 : index
    tpu.barrier barrier_id(%barrier3A)
    %scan3A_22 = arith.constant 0 : i32
    %scan3A_23 = arith.constant 0 : i32
    %scan3A_24 = arith.constant 250 : i32
    %scan3A_25 = arith.addi %scan3A_23, %scan3A_24 : i32
    %scan3A_26 = arith.constant 1 : i32
    scf.for %scan3A_36 = %scan3A_23 to %scan3A_25 step %scan3A_26  : i32 {
      %mul3A_37 = arith.constant 20000 : i32
      %mul3A_38 = arith.muli %arg1, %mul3A_37 : i32
      %mul3A_39 = arith.constant 80 : i32
      %mul3A_40 = arith.muli %scan3A_36, %mul3A_39 : i32
      %add3A_41 = arith.addi %mul3A_38, %mul3A_40 : i32
      %get3A = arith.index_cast %scan3A_36 : i32 to index
      %get3A_42 = arith.constant 0 : index
      %get3A_43 = tpu.vector_load %arg8[%get3A, %get3A_42] {strides = array<i32>} : memref<250x80xi32, #tpu.memory_space<vmem>>, vector<1x16xi32>,
      %get3A_44 = vector.shape_cast %get3A_43 : vector<1x16xi32> to vector<16xi32>
      %iota3A = tpu.iota {dimensions = array<i32: 0>} : vector<16xi32>
      %add3A_45 = arith.constant 0 : i32
      %add3A_46 = arith.addi %add3A_41, %add3A_45 : i32
      %add3A_47 = vector.broadcast %add3A_46 : i32 to vector<16xi32>
      %add3A_48 = arith.addi %iota3A, %add3A_47 : vector<16xi32>
      %lt3A = arith.constant 0 : i32
      %lt3A_49 = vector.broadcast %lt3A : i32 to vector<16xi32>
      %lt3A_50 = arith.cmpi slt, %get3A_44, %lt3A_49 : vector<16xi32>
      %jit3A = arith.constant -1 : i32
      %broadcast_in_dim3A = vector.broadcast %jit3A : i32 to vector<16xi32>
      %select_n3A = arith.select %lt3A_50, %broadcast_in_dim3A, %add3A_48 : vector<16xi1>, vector<16xi32>
      %swap3A = arith.constant 0 : index
      %swap3A_51 = tpu.vector_load %arg9[%swap3A] {strides = array<i32>} : memref<80xi32, #tpu.memory_space<vmem>>, vector<16xi32>,
      %swap3A_52 = vector.shape_cast %swap3A_51 : vector<16xi32> to vector<16xi32>
      %swap3A_53 = vector.shape_cast %select_n3A : vector<16xi32> to vector<16xi32>
      tpu.vector_store %arg9[%swap3A], %swap3A_53 {strides = array<i32>} : memref<80xi32, #tpu.memory_space<vmem>>, vector<16xi32>,
      %get3A_54 = arith.index_cast %scan3A_36 : i32 to index
      %get3A_55 = arith.constant 16 : index
      %get3A_56 = tpu.vector_load %arg8[%get3A_54, %get3A_55] {strides = array<i32>} : memref<250x80xi32, #tpu.memory_space<vmem>>, vector<1x16xi32>,
      %get3A_57 = vector.shape_cast %get3A_56 : vector<1x16xi32> to vector<16xi32>
      %iota3A_58 = tpu.iota {dimensions = array<i32: 0>} : vector<16xi32>
      %add3A_59 = arith.constant 16 : i32
      %add3A_60 = arith.addi %add3A_41, %add3A_59 : i32
      %add3A_61 = vector.broadcast %add3A_60 : i32 to vector<16xi32>
      %add3A_62 = arith.addi %iota3A_58, %add3A_61 : vector<16xi32>
      %lt3A_63 = arith.constant 0 : i32
      %lt3A_64 = vector.broadcast %lt3A_63 : i32 to vector<16xi32>
      %lt3A_65 = arith.cmpi slt, %get3A_57, %lt3A_64 : vector<16xi32>
      %jit3A_66 = arith.constant -1 : i32
      %broadcast_in_dim3A_67 = vector.broadcast %jit3A_66 : i32 to vector<16xi32>
      %select_n3A_68 = arith.select %lt3A_65, %broadcast_in_dim3A_67, %add3A_62 : vector<16xi1>, vector<16xi32>
      %swap3A_69 = arith.constant 16 : index
      %swap3A_70 = tpu.vector_load %arg9[%swap3A_69] {strides = array<i32>} : memref<80xi32, #tpu.memory_space<vmem>>, vector<16xi32>,
      %swap3A_71 = vector.shape_cast %swap3A_70 : vector<16xi32> to vector<16xi32>
      %swap3A_72 = vector.shape_cast %select_n3A_68 : vector<16xi32> to vector<16xi32>
      tpu.vector_store %arg9[%swap3A_69], %swap3A_72 {strides = array<i32>} : memref<80xi32, #tpu.memory_space<vmem>>, vector<16xi32>,
      %get3A_73 = arith.index_cast %scan3A_36 : i32 to index
      %get3A_74 = arith.constant 32 : index
      %get3A_75 = tpu.vector_load %arg8[%get3A_73, %get3A_74] {strides = array<i32>} : memref<250x80xi32, #tpu.memory_space<vmem>>, vector<1x16xi32>,
      %get3A_76 = vector.shape_cast %get3A_75 : vector<1x16xi32> to vector<16xi32>
      %iota3A_77 = tpu.iota {dimensions = array<i32: 0>} : vector<16xi32>
      %add3A_78 = arith.constant 32 : i32
      %add3A_79 = arith.addi %add3A_41, %add3A_78 : i32
      %add3A_80 = vector.broadcast %add3A_79 : i32 to vector<16xi32>
      %add3A_81 = arith.addi %iota3A_77, %add3A_80 : vector<16xi32>
      %lt3A_82 = arith.constant 0 : i32
      %lt3A_83 = vector.broadcast %lt3A_82 : i32 to vector<16xi32>
      %lt3A_84 = arith.cmpi slt, %get3A_76, %lt3A_83 : vector<16xi32>
      %jit3A_85 = arith.constant -1 : i32
      %broadcast_in_dim3A_86 = vector.broadcast %jit3A_85 : i32 to vector<16xi32>
      %select_n3A_87 = arith.select %lt3A_84, %broadcast_in_dim3A_86, %add3A_81 : vector<16xi1>, vector<16xi32>
      %swap3A_88 = arith.constant 32 : index
      %swap3A_89 = tpu.vector_load %arg9[%swap3A_88] {strides = array<i32>} : memref<80xi32, #tpu.memory_space<vmem>>, vector<16xi32>,
      %swap3A_90 = vector.shape_cast %swap3A_89 : vector<16xi32> to vector<16xi32>
      %swap3A_91 = vector.shape_cast %select_n3A_87 : vector<16xi32> to vector<16xi32>
      tpu.vector_store %arg9[%swap3A_88], %swap3A_91 {strides = array<i32>} : memref<80xi32, #tpu.memory_space<vmem>>, vector<16xi32>,
      %get3A_92 = arith.index_cast %scan3A_36 : i32 to index
      %get3A_93 = arith.constant 48 : index
      %get3A_94 = tpu.vector_load %arg8[%get3A_92, %get3A_93] {strides = array<i32>} : memref<250x80xi32, #tpu.memory_space<vmem>>, vector<1x16xi32>,
      %get3A_95 = vector.shape_cast %get3A_94 : vector<1x16xi32> to vector<16xi32>
      %iota3A_96 = tpu.iota {dimensions = array<i32: 0>} : vector<16xi32>
      %add3A_97 = arith.constant 48 : i32
      %add3A_98 = arith.addi %add3A_41, %add3A_97 : i32
      %add3A_99 = vector.broadcast %add3A_98 : i32 to vector<16xi32>
      %add3A_100 = arith.addi %iota3A_96, %add3A_99 : vector<16xi32>
      %lt3A_101 = arith.constant 0 : i32
      %lt3A_102 = vector.broadcast %lt3A_101 : i32 to vector<16xi32>
      %lt3A_103 = arith.cmpi slt, %get3A_95, %lt3A_102 : vector<16xi32>
      %jit3A_104 = arith.constant -1 : i32
      %broadcast_in_dim3A_105 = vector.broadcast %jit3A_104 : i32 to vector<16xi32>
      %select_n3A_106 = arith.select %lt3A_103, %broadcast_in_dim3A_105, %add3A_100 : vector<16xi1>, vector<16xi32>
      %swap3A_107 = arith.constant 48 : index
      %swap3A_108 = tpu.vector_load %arg9[%swap3A_107] {strides = array<i32>} : memref<80xi32, #tpu.memory_space<vmem>>, vector<16xi32>,
      %swap3A_109 = vector.shape_cast %swap3A_108 : vector<16xi32> to vector<16xi32>
      %swap3A_110 = vector.shape_cast %select_n3A_106 : vector<16xi32> to vector<16xi32>
      tpu.vector_store %arg9[%swap3A_107], %swap3A_110 {strides = array<i32>} : memref<80xi32, #tpu.memory_space<vmem>>, vector<16xi32>,
      %get3A_111 = arith.index_cast %scan3A_36 : i32 to index
      %get3A_112 = arith.constant 64 : index
      %get3A_113 = tpu.vector_load %arg8[%get3A_111, %get3A_112] {strides = array<i32>} : memref<250x80xi32, #tpu.memory_space<vmem>>, vector<1x16xi32>,
      %get3A_114 = vector.shape_cast %get3A_113 : vector<1x16xi32> to vector<16xi32>
      %iota3A_115 = tpu.iota {dimensions = array<i32: 0>} : vector<16xi32>
      %add3A_116 = arith.constant 64 : i32
      %add3A_117 = arith.addi %add3A_41, %add3A_116 : i32
      %add3A_118 = vector.broadcast %add3A_117 : i32 to vector<16xi32>
      %add3A_119 = arith.addi %iota3A_115, %add3A_118 : vector<16xi32>
      %lt3A_120 = arith.constant 0 : i32
      %lt3A_121 = vector.broadcast %lt3A_120 : i32 to vector<16xi32>
      %lt3A_122 = arith.cmpi slt, %get3A_114, %lt3A_121 : vector<16xi32>
      %jit3A_123 = arith.constant -1 : i32
      %broadcast_in_dim3A_124 = vector.broadcast %jit3A_123 : i32 to vector<16xi32>
      %select_n3A_125 = arith.select %lt3A_122, %broadcast_in_dim3A_124, %add3A_119 : vector<16xi1>, vector<16xi32>
      %swap3A_126 = arith.constant 64 : index
      %swap3A_127 = tpu.vector_load %arg9[%swap3A_126] {strides = array<i32>} : memref<80xi32, #tpu.memory_space<vmem>>, vector<16xi32>,
      %swap3A_128 = vector.shape_cast %swap3A_127 : vector<16xi32> to vector<16xi32>
      %swap3A_129 = vector.shape_cast %select_n3A_125 : vector<16xi32> to vector<16xi32>
      tpu.vector_store %arg9[%swap3A_126], %swap3A_129 {strides = array<i32>} : memref<80xi32, #tpu.memory_space<vmem>>, vector<16xi32>,
      "tpu.region"() ({
        %run_scoped3A = tpu.sem_alloc : memref<!tpu.dma_semaphore, #tpu.memory_space<semaphore_mem>>
        %dma_start3A = arith.constant 0 : i32
        %dma_start3A_136 = arith.constant 0 : i32
        %dma_start3A_137 = tpu.memref_slice %arg3[%dma_start3A, %dma_start3A_136] : memref<320000x128xf32, #tpu.memory_space<hbm>> -> memref<320000x128xf32, #tpu.memory_space<hbm>>
        %dma_start3A_138 = arith.constant -1 : i32
        tpu.enqueue_indirect_dma source(%dma_start3A_137 : memref<320000x128xf32, #tpu.memory_space<hbm>>) target(%arg10 : memref<80x128xf32, #tpu.memory_space<vmem>>) offsets(%arg9 : memref<80xi32, #tpu.memory_space<vmem>>) offset_filter(%dma_start3A_138) semaphore(%run_scoped3A : memref<!tpu.dma_semaphore, #tpu.memory_space<semaphore_mem>>)
        %dma_wait3A = arith.constant 0 : i32
        %dma_wait3A_139 = arith.constant 0 : i32
        %dma_wait3A_140 = tpu.memref_slice %arg3[%dma_wait3A, %dma_wait3A_139] : memref<320000x128xf32, #tpu.memory_space<hbm>> -> memref<320000x128xf32, #tpu.memory_space<hbm>>
        tpu.wait_indirect_dma semaphore(%run_scoped3A : memref<!tpu.dma_semaphore, #tpu.memory_space<semaphore_mem>>) src(%dma_wait3A_140 : memref<320000x128xf32, #tpu.memory_space<hbm>>) dst(%arg10 : memref<80x128xf32, #tpu.memory_space<vmem>>)
        tpu.yield
      }) : () -> ()
      "tpu.region"() ({
        %run_scoped3A = tpu.sem_alloc : memref<!tpu.dma_semaphore, #tpu.memory_space<semaphore_mem>>
        %dma_start3A = arith.constant 0 : i32
        %dma_start3A_136 = tpu.memref_slice %arg7[%scan3A_36, %dma_start3A] : memref<250x80xi32, #tpu.memory_space<vmem>> -> memref<1x80xi32, #tpu.memory_space<vmem>>
        %dma_start3A_137 = tpu.memref_squeeze %dma_start3A_136 : memref<1x80xi32, #tpu.memory_space<vmem>> -> memref<80xi32, #tpu.memory_space<vmem>>
        %dma_start3A_138 = arith.constant 0 : i32
        %dma_start3A_139 = arith.constant 0 : i32
        %dma_start3A_140 = tpu.memref_slice %arg2[%dma_start3A_138, %dma_start3A_139] : memref<10240x128xf32, #tpu.memory_space<hbm>> -> memref<10240x128xf32, #tpu.memory_space<hbm>>
        %dma_start3A_141 = arith.constant -1 : i32
        tpu.enqueue_indirect_dma source(%dma_start3A_140 : memref<10240x128xf32, #tpu.memory_space<hbm>>) target(%arg10 : memref<80x128xf32, #tpu.memory_space<vmem>>) offsets(%dma_start3A_137 : memref<80xi32, #tpu.memory_space<vmem>>) offset_filter(%dma_start3A_141) semaphore(%run_scoped3A : memref<!tpu.dma_semaphore, #tpu.memory_space<semaphore_mem>>) {add = true}
        %dma_wait3A = arith.constant 0 : i32
        %dma_wait3A_142 = tpu.memref_slice %arg7[%scan3A_36, %dma_wait3A] : memref<250x80xi32, #tpu.memory_space<vmem>> -> memref<1x80xi32, #tpu.memory_space<vmem>>
        %dma_wait3A_143 = tpu.memref_squeeze %dma_wait3A_142 : memref<1x80xi32, #tpu.memory_space<vmem>> -> memref<80xi32, #tpu.memory_space<vmem>>
        %dma_wait3A_144 = arith.constant 0 : i32
        %dma_wait3A_145 = arith.constant 0 : i32
        %dma_wait3A_146 = tpu.memref_slice %arg2[%dma_wait3A_144, %dma_wait3A_145] : memref<10240x128xf32, #tpu.memory_space<hbm>> -> memref<10240x128xf32, #tpu.memory_space<hbm>>
        tpu.wait_indirect_dma semaphore(%run_scoped3A : memref<!tpu.dma_semaphore, #tpu.memory_space<semaphore_mem>>) src(%dma_wait3A_146 : memref<10240x128xf32, #tpu.memory_space<hbm>>) dst(%arg10 : memref<80x128xf32, #tpu.memory_space<vmem>>)
        tpu.yield
      }) : () -> ()
      %scan3A_130 = arith.constant 0 : i32
      %scan3A_131 = arith.constant 0 : i32
      %scan3A_132 = arith.constant 80 : i32
      %scan3A_133 = arith.addi %scan3A_131, %scan3A_132 : i32
      %scan3A_134 = arith.constant 1 : i32
      scf.for %scan3A_136 = %scan3A_131 to %scan3A_133 step %scan3A_134  : i32 {
        %get3A_137 = arith.index_cast %scan3A_136 : i32 to index
        %get3A_138 = arith.constant 0 : index
        %get3A_139 = tpu.vector_load %arg10[%get3A_137, %get3A_138] {strides = array<i32>} : memref<80x128xf32, #tpu.memory_space<vmem>>, vector<1x16xf32>,
        %get3A_140 = vector.shape_cast %get3A_139 : vector<1x16xf32> to vector<16xf32>
        %max3A = arith.constant 0.000000e+00 : f32
        %max3A_141 = vector.broadcast %max3A : f32 to vector<16xf32>
        %max3A_142 = arith.maximumf %get3A_140, %max3A_141 : vector<16xf32>
        %swap3A_143 = arith.index_cast %scan3A_136 : i32 to index
        %swap3A_144 = arith.constant 0 : index
        %swap3A_145 = tpu.vector_load %arg10[%swap3A_143, %swap3A_144] {strides = array<i32>} : memref<80x128xf32, #tpu.memory_space<vmem>>, vector<1x16xf32>,
        %swap3A_146 = vector.shape_cast %swap3A_145 : vector<1x16xf32> to vector<16xf32>
        %swap3A_147 = vector.shape_cast %max3A_142 : vector<16xf32> to vector<1x16xf32>
        tpu.vector_store %arg10[%swap3A_143, %swap3A_144], %swap3A_147 {strides = array<i32>} : memref<80x128xf32, #tpu.memory_space<vmem>>, vector<1x16xf32>,
        %get3A_148 = arith.index_cast %scan3A_136 : i32 to index
        %get3A_149 = arith.constant 16 : index
        %get3A_150 = tpu.vector_load %arg10[%get3A_148, %get3A_149] {strides = array<i32>} : memref<80x128xf32, #tpu.memory_space<vmem>>, vector<1x16xf32>,
        %get3A_151 = vector.shape_cast %get3A_150 : vector<1x16xf32> to vector<16xf32>
        %max3A_152 = arith.constant 0.000000e+00 : f32
        %max3A_153 = vector.broadcast %max3A_152 : f32 to vector<16xf32>
        %max3A_154 = arith.maximumf %get3A_151, %max3A_153 : vector<16xf32>
        %swap3A_155 = arith.index_cast %scan3A_136 : i32 to index
        %swap3A_156 = arith.constant 16 : index
        %swap3A_157 = tpu.vector_load %arg10[%swap3A_155, %swap3A_156] {strides = array<i32>} : memref<80x128xf32, #tpu.memory_space<vmem>>, vector<1x16xf32>,
        %swap3A_158 = vector.shape_cast %swap3A_157 : vector<1x16xf32> to vector<16xf32>
        %swap3A_159 = vector.shape_cast %max3A_154 : vector<16xf32> to vector<1x16xf32>
        tpu.vector_store %arg10[%swap3A_155, %swap3A_156], %swap3A_159 {strides = array<i32>} : memref<80x128xf32, #tpu.memory_space<vmem>>, vector<1x16xf32>,
        %get3A_160 = arith.index_cast %scan3A_136 : i32 to index
        %get3A_161 = arith.constant 32 : index
        %get3A_162 = tpu.vector_load %arg10[%get3A_160, %get3A_161] {strides = array<i32>} : memref<80x128xf32, #tpu.memory_space<vmem>>, vector<1x16xf32>,
        %get3A_163 = vector.shape_cast %get3A_162 : vector<1x16xf32> to vector<16xf32>
        %max3A_164 = arith.constant 0.000000e+00 : f32
        %max3A_165 = vector.broadcast %max3A_164 : f32 to vector<16xf32>
        %max3A_166 = arith.maximumf %get3A_163, %max3A_165 : vector<16xf32>
        %swap3A_167 = arith.index_cast %scan3A_136 : i32 to index
        %swap3A_168 = arith.constant 32 : index
        %swap3A_169 = tpu.vector_load %arg10[%swap3A_167, %swap3A_168] {strides = array<i32>} : memref<80x128xf32, #tpu.memory_space<vmem>>, vector<1x16xf32>,
        %swap3A_170 = vector.shape_cast %swap3A_169 : vector<1x16xf32> to vector<16xf32>
        %swap3A_171 = vector.shape_cast %max3A_166 : vector<16xf32> to vector<1x16xf32>
        tpu.vector_store %arg10[%swap3A_167, %swap3A_168], %swap3A_171 {strides = array<i32>} : memref<80x128xf32, #tpu.memory_space<vmem>>, vector<1x16xf32>,
        %get3A_172 = arith.index_cast %scan3A_136 : i32 to index
        %get3A_173 = arith.constant 48 : index
        %get3A_174 = tpu.vector_load %arg10[%get3A_172, %get3A_173] {strides = array<i32>} : memref<80x128xf32, #tpu.memory_space<vmem>>, vector<1x16xf32>,
        %get3A_175 = vector.shape_cast %get3A_174 : vector<1x16xf32> to vector<16xf32>
        %max3A_176 = arith.constant 0.000000e+00 : f32
        %max3A_177 = vector.broadcast %max3A_176 : f32 to vector<16xf32>
        %max3A_178 = arith.maximumf %get3A_175, %max3A_177 : vector<16xf32>
        %swap3A_179 = arith.index_cast %scan3A_136 : i32 to index
        %swap3A_180 = arith.constant 48 : index
        %swap3A_181 = tpu.vector_load %arg10[%swap3A_179, %swap3A_180] {strides = array<i32>} : memref<80x128xf32, #tpu.memory_space<vmem>>, vector<1x16xf32>,
        %swap3A_182 = vector.shape_cast %swap3A_181 : vector<1x16xf32> to vector<16xf32>
        %swap3A_183 = vector.shape_cast %max3A_178 : vector<16xf32> to vector<1x16xf32>
        tpu.vector_store %arg10[%swap3A_179, %swap3A_180], %swap3A_183 {strides = array<i32>} : memref<80x128xf32, #tpu.memory_space<vmem>>, vector<1x16xf32>,
        %get3A_184 = arith.index_cast %scan3A_136 : i32 to index
        %get3A_185 = arith.constant 64 : index
        %get3A_186 = tpu.vector_load %arg10[%get3A_184, %get3A_185] {strides = array<i32>} : memref<80x128xf32, #tpu.memory_space<vmem>>, vector<1x16xf32>,
        %get3A_187 = vector.shape_cast %get3A_186 : vector<1x16xf32> to vector<16xf32>
        %max3A_188 = arith.constant 0.000000e+00 : f32
        %max3A_189 = vector.broadcast %max3A_188 : f32 to vector<16xf32>
        %max3A_190 = arith.maximumf %get3A_187, %max3A_189 : vector<16xf32>
        %swap3A_191 = arith.index_cast %scan3A_136 : i32 to index
        %swap3A_192 = arith.constant 64 : index
        %swap3A_193 = tpu.vector_load %arg10[%swap3A_191, %swap3A_192] {strides = array<i32>} : memref<80x128xf32, #tpu.memory_space<vmem>>, vector<1x16xf32>,
        %swap3A_194 = vector.shape_cast %swap3A_193 : vector<1x16xf32> to vector<16xf32>
        %swap3A_195 = vector.shape_cast %max3A_190 : vector<16xf32> to vector<1x16xf32>
        tpu.vector_store %arg10[%swap3A_191, %swap3A_192], %swap3A_195 {strides = array<i32>} : memref<80x128xf32, #tpu.memory_space<vmem>>, vector<1x16xf32>,
        %get3A_196 = arith.index_cast %scan3A_136 : i32 to index
        %get3A_197 = arith.constant 80 : index
        %get3A_198 = tpu.vector_load %arg10[%get3A_196, %get3A_197] {strides = array<i32>} : memref<80x128xf32, #tpu.memory_space<vmem>>, vector<1x16xf32>,
        %get3A_199 = vector.shape_cast %get3A_198 : vector<1x16xf32> to vector<16xf32>
        %max3A_200 = arith.constant 0.000000e+00 : f32
        %max3A_201 = vector.broadcast %max3A_200 : f32 to vector<16xf32>
        %max3A_202 = arith.maximumf %get3A_199, %max3A_201 : vector<16xf32>
        %swap3A_203 = arith.index_cast %scan3A_136 : i32 to index
        %swap3A_204 = arith.constant 80 : index
        %swap3A_205 = tpu.vector_load %arg10[%swap3A_203, %swap3A_204] {strides = array<i32>} : memref<80x128xf32, #tpu.memory_space<vmem>>, vector<1x16xf32>,
        %swap3A_206 = vector.shape_cast %swap3A_205 : vector<1x16xf32> to vector<16xf32>
        %swap3A_207 = vector.shape_cast %max3A_202 : vector<16xf32> to vector<1x16xf32>
        tpu.vector_store %arg10[%swap3A_203, %swap3A_204], %swap3A_207 {strides = array<i32>} : memref<80x128xf32, #tpu.memory_space<vmem>>, vector<1x16xf32>,
        %get3A_208 = arith.index_cast %scan3A_136 : i32 to index
        %get3A_209 = arith.constant 96 : index
        %get3A_210 = tpu.vector_load %arg10[%get3A_208, %get3A_209] {strides = array<i32>} : memref<80x128xf32, #tpu.memory_space<vmem>>, vector<1x16xf32>,
        %get3A_211 = vector.shape_cast %get3A_210 : vector<1x16xf32> to vector<16xf32>
        %max3A_212 = arith.constant 0.000000e+00 : f32
        %max3A_213 = vector.broadcast %max3A_212 : f32 to vector<16xf32>
        %max3A_214 = arith.maximumf %get3A_211, %max3A_213 : vector<16xf32>
        %swap3A_215 = arith.index_cast %scan3A_136 : i32 to index
        %swap3A_216 = arith.constant 96 : index
        %swap3A_217 = tpu.vector_load %arg10[%swap3A_215, %swap3A_216] {strides = array<i32>} : memref<80x128xf32, #tpu.memory_space<vmem>>, vector<1x16xf32>,
        %swap3A_218 = vector.shape_cast %swap3A_217 : vector<1x16xf32> to vector<16xf32>
        %swap3A_219 = vector.shape_cast %max3A_214 : vector<16xf32> to vector<1x16xf32>
        tpu.vector_store %arg10[%swap3A_215, %swap3A_216], %swap3A_219 {strides = array<i32>} : memref<80x128xf32, #tpu.memory_space<vmem>>, vector<1x16xf32>,
        %get3A_220 = arith.index_cast %scan3A_136 : i32 to index
        %get3A_221 = arith.constant 112 : index
        %get3A_222 = tpu.vector_load %arg10[%get3A_220, %get3A_221] {strides = array<i32>} : memref<80x128xf32, #tpu.memory_space<vmem>>, vector<1x16xf32>,
        %get3A_223 = vector.shape_cast %get3A_222 : vector<1x16xf32> to vector<16xf32>
        %max3A_224 = arith.constant 0.000000e+00 : f32
        %max3A_225 = vector.broadcast %max3A_224 : f32 to vector<16xf32>
        %max3A_226 = arith.maximumf %get3A_223, %max3A_225 : vector<16xf32>
        %swap3A_227 = arith.index_cast %scan3A_136 : i32 to index
        %swap3A_228 = arith.constant 112 : index
        %swap3A_229 = tpu.vector_load %arg10[%swap3A_227, %swap3A_228] {strides = array<i32>} : memref<80x128xf32, #tpu.memory_space<vmem>>, vector<1x16xf32>,
        %swap3A_230 = vector.shape_cast %swap3A_229 : vector<1x16xf32> to vector<16xf32>
        %swap3A_231 = vector.shape_cast %max3A_226 : vector<16xf32> to vector<1x16xf32>
        tpu.vector_store %arg10[%swap3A_227, %swap3A_228], %swap3A_231 {strides = array<i32>} : memref<80x128xf32, #tpu.memory_space<vmem>>, vector<1x16xf32>,
      }
      %scan3A_135 = arith.constant 80 : i32
      "tpu.region"() ({
        %run_scoped3A = tpu.sem_alloc : memref<!tpu.dma_semaphore, #tpu.memory_space<semaphore_mem>>
        %dma_start3A = arith.constant 0 : i32
        %dma_start3A_136 = tpu.memref_slice %arg8[%scan3A_36, %dma_start3A] : memref<250x80xi32, #tpu.memory_space<vmem>> -> memref<1x80xi32, #tpu.memory_space<vmem>>
        %dma_start3A_137 = tpu.memref_squeeze %dma_start3A_136 : memref<1x80xi32, #tpu.memory_space<vmem>> -> memref<80xi32, #tpu.memory_space<vmem>>
        %dma_start3A_138 = arith.constant 0 : i32
        %dma_start3A_139 = arith.constant 0 : i32
        %dma_start3A_140 = tpu.memref_slice %arg11[%dma_start3A_138, %dma_start3A_139] : memref<5120x128xf32, #tpu.memory_space<vmem_shared>> -> memref<5120x128xf32, #tpu.memory_space<vmem_shared>>
        %dma_start3A_141 = arith.constant -1 : i32
        tpu.enqueue_indirect_dma source(%arg10 : memref<80x128xf32, #tpu.memory_space<vmem>>) target(%dma_start3A_140 : memref<5120x128xf32, #tpu.memory_space<vmem_shared>>) offsets(%dma_start3A_137 : memref<80xi32, #tpu.memory_space<vmem>>) offset_filter(%dma_start3A_141) semaphore(%run_scoped3A : memref<!tpu.dma_semaphore, #tpu.memory_space<semaphore_mem>>) {add = true}
        %dma_wait3A = arith.constant 0 : i32
        %dma_wait3A_142 = tpu.memref_slice %arg8[%scan3A_36, %dma_wait3A] : memref<250x80xi32, #tpu.memory_space<vmem>> -> memref<1x80xi32, #tpu.memory_space<vmem>>
        %dma_wait3A_143 = tpu.memref_squeeze %dma_wait3A_142 : memref<1x80xi32, #tpu.memory_space<vmem>> -> memref<80xi32, #tpu.memory_space<vmem>>
        %dma_wait3A_144 = arith.constant 0 : i32
        %dma_wait3A_145 = arith.constant 0 : i32
        %dma_wait3A_146 = tpu.memref_slice %arg11[%dma_wait3A_144, %dma_wait3A_145] : memref<5120x128xf32, #tpu.memory_space<vmem_shared>> -> memref<5120x128xf32, #tpu.memory_space<vmem_shared>>
        tpu.wait_indirect_dma semaphore(%run_scoped3A : memref<!tpu.dma_semaphore, #tpu.memory_space<semaphore_mem>>) src(%arg10 : memref<80x128xf32, #tpu.memory_space<vmem>>) dst(%dma_wait3A_146 : memref<5120x128xf32, #tpu.memory_space<vmem_shared>>)
        tpu.yield
      }) : () -> ()
    }
    %scan3A_27 = arith.constant 250 : i32
    %barrier3A_28 = arith.constant 0 : index
    tpu.barrier barrier_id(%barrier3A_28)
    %mul3A_29 = arith.constant 320 : i32
    %mul3A_30 = arith.muli %arg1, %mul3A_29 : i32
    %mul3A_31 = arith.constant 5120 : i32
    %mul3A_32 = arith.muli %arg0, %mul3A_31 : i32
    %mul3A_33 = arith.constant 320 : i32
    %mul3A_34 = arith.muli %arg1, %mul3A_33 : i32
    %add3A_35 = arith.addi %mul3A_32, %mul3A_34 : i32
    "tpu.region"() ({
      %run_scoped3A = tpu.sem_alloc : memref<!tpu.dma_semaphore, #tpu.memory_space<semaphore_mem>>
      %dma_start3A = arith.constant 0 : i32
      %dma_start3A_36 = tpu.memref_slice %arg6[%add3A_35, %dma_start3A] : memref<10240x128xf32, #tpu.memory_space<hbm>> -> memref<320x128xf32, #tpu.memory_space<hbm>>
      %dma_start3A_37 = arith.constant 0 : i32
      %dma_start3A_38 = tpu.memref_slice %arg11[%mul3A_30, %dma_start3A_37] : memref<5120x128xf32, #tpu.memory_space<vmem_shared>> -> memref<320x128xf32, #tpu.memory_space<vmem_shared>>
      tpu.enqueue_dma source(%dma_start3A_38 : memref<320x128xf32, #tpu.memory_space<vmem_shared>>) target(%dma_start3A_36 : memref<320x128xf32, #tpu.memory_space<hbm>>) target_semaphore(%run_scoped3A : memref<!tpu.dma_semaphore, #tpu.memory_space<semaphore_mem>>)
      %dma_wait3A = arith.constant 0 : i32
      %dma_wait3A_39 = tpu.memref_slice %arg6[%add3A_35, %dma_wait3A] : memref<10240x128xf32, #tpu.memory_space<hbm>> -> memref<320x128xf32, #tpu.memory_space<hbm>>
      %dma_wait3A_40 = arith.constant 0 : i32
      %dma_wait3A_41 = tpu.memref_slice %arg11[%mul3A_30, %dma_wait3A_40] : memref<5120x128xf32, #tpu.memory_space<vmem_shared>> -> memref<320x128xf32, #tpu.memory_space<vmem_shared>>
      tpu.wait_dma2 semaphore(%run_scoped3A : memref<!tpu.dma_semaphore, #tpu.memory_space<semaphore_mem>>) src(%dma_wait3A_41 : memref<320x128xf32, #tpu.memory_space<vmem_shared>>) dst(%dma_wait3A_39 : memref<320x128xf32, #tpu.memory_space<hbm>>)
      tpu.yield
    }) : () -> ()
    return
  }
}

module attributes {stable_mosaic.version = 14 : i64} {
  func.func @_edge_body(%arg0: i32, %arg1: memref<4000x16xf32, #tpu.memory_space<vmem>>, %arg2: memref<16x128xf32, #tpu.memory_space<vmem>>, %arg3: memref<4000x128xf32, #tpu.memory_space<vmem>>) attributes {dimension_semantics = [#tpu.dimension_semantics<arbitrary>], iteration_bounds = array<i64: 80>, scalar_prefetch = 0 : i64, scratch_operands = 0 : i64, tpu.core_type = #tpu.core_type<tc>, window_params = [{transform_indices = @transform_0, window_bounds = array<i64: 4000, 16>}, {pipeline_mode = #tpu.pipeline_mode<synchronous>, transform_indices = @transform_1, window_bounds = array<i64: 16, 128>}, {transform_indices = @transform_2, window_bounds = array<i64: 4000, 128>}]} {
    %get3A = arith.constant 0 : index
    %get3A_0 = arith.constant 0 : index
    %get3A_1 = vector.load %arg1[%get3A, %get3A_0] : memref<4000x16xf32, #tpu.memory_space<vmem>>, vector<4000x16xf32>
    %get3A_2 = arith.constant 0 : index
    %get3A_3 = arith.constant 0 : index
    %get3A_4 = vector.load %arg2[%get3A_2, %get3A_3] : memref<16x128xf32, #tpu.memory_space<vmem>>, vector<16x128xf32>
    %dot_general3A = arith.constant dense<0.000000e+00> : vector<4000x128xf32>
    %dot_general3A_5 = tpu.matmul %get3A_1, %get3A_4, %dot_general3A {dimension_numbers = #tpu.dot_dimension_numbers<[1], [0], [0], [1], [0, 0, 1, 1], [], []>, transpose_lhs_hint = false} : vector<4000x16xf32>, vector<16x128xf32>, vector<4000x128xf32> -> vector<4000x128xf32>
    %swap3A = arith.constant 0 : index
    %swap3A_6 = arith.constant 0 : index
    %swap3A_7 = vector.load %arg3[%swap3A, %swap3A_6] : memref<4000x128xf32, #tpu.memory_space<vmem>>, vector<4000x128xf32>
    tpu.vector_store %arg3[%swap3A, %swap3A_6], %dot_general3A_5 {strides = array<i32>} : memref<4000x128xf32, #tpu.memory_space<vmem>>, vector<4000x128xf32>,
    return
  }
  func.func @transform_0(%arg0: i32) -> (i32, i32) {
    %c0_i32 = arith.constant 0 : i32
    %c0_i32_0 = arith.constant 0 : i32
    return %arg0, %c0_i32 : i32, i32
  }
  func.func @transform_1(%arg0: i32) -> (i32, i32) {
    %c0_i32 = arith.constant 0 : i32
    %c0_i32_0 = arith.constant 0 : i32
    %c0_i32_1 = arith.constant 0 : i32
    return %c0_i32, %c0_i32_0 : i32, i32
  }
  func.func @transform_2(%arg0: i32) -> (i32, i32) {
    %c0_i32 = arith.constant 0 : i32
    %c0_i32_0 = arith.constant 0 : i32
    return %arg0, %c0_i32 : i32, i32
  }
}

module attributes {stable_mosaic.version = 14 : i64} {
  func.func @_embed_body(%arg0: i32, %arg1: memref<1024x128xf32, #tpu.memory_space<vmem>>, %arg2: memref<128x128xf32, #tpu.memory_space<vmem>>, %arg3: memref<1x128xf32, #tpu.memory_space<vmem>>, %arg4: memref<1024x128xf32, #tpu.memory_space<vmem>>) attributes {dimension_semantics = [#tpu.dimension_semantics<arbitrary>], iteration_bounds = array<i64: 10>, scalar_prefetch = 0 : i64, scratch_operands = 0 : i64, tpu.core_type = #tpu.core_type<tc>, window_params = [{transform_indices = @transform_0, window_bounds = array<i64: 1024, 128>}, {pipeline_mode = #tpu.pipeline_mode<synchronous>, transform_indices = @transform_1, window_bounds = array<i64: 128, 128>}, {pipeline_mode = #tpu.pipeline_mode<synchronous>, transform_indices = @transform_2, window_bounds = array<i64: 1, 128>}, {transform_indices = @transform_3, window_bounds = array<i64: 1024, 128>}]} {
    %get3A = arith.constant 0 : index
    %get3A_0 = arith.constant 0 : index
    %get3A_1 = vector.load %arg1[%get3A, %get3A_0] : memref<1024x128xf32, #tpu.memory_space<vmem>>, vector<1024x128xf32>
    %get3A_2 = arith.constant 0 : index
    %get3A_3 = arith.constant 0 : index
    %get3A_4 = vector.load %arg2[%get3A_2, %get3A_3] : memref<128x128xf32, #tpu.memory_space<vmem>>, vector<128x128xf32>
    %dot_general3A = arith.constant dense<0.000000e+00> : vector<1024x128xf32>
    %dot_general3A_5 = tpu.matmul %get3A_1, %get3A_4, %dot_general3A {dimension_numbers = #tpu.dot_dimension_numbers<[1], [0], [0], [1], [0, 0, 1, 1], [], []>, transpose_lhs_hint = false} : vector<1024x128xf32>, vector<128x128xf32>, vector<1024x128xf32> -> vector<1024x128xf32>
    %get3A_6 = arith.constant 0 : index
    %get3A_7 = arith.constant 0 : index
    %get3A_8 = vector.load %arg3[%get3A_6, %get3A_7] : memref<1x128xf32, #tpu.memory_space<vmem>>, vector<1x128xf32>
    %add3A = vector.broadcast %get3A_8 : vector<1x128xf32> to vector<1024x128xf32>
    %add3A_9 = arith.addf %dot_general3A_5, %add3A : vector<1024x128xf32>
    %swap3A = arith.constant 0 : index
    %swap3A_10 = arith.constant 0 : index
    %swap3A_11 = vector.load %arg4[%swap3A, %swap3A_10] : memref<1024x128xf32, #tpu.memory_space<vmem>>, vector<1024x128xf32>
    tpu.vector_store %arg4[%swap3A, %swap3A_10], %add3A_9 {strides = array<i32>} : memref<1024x128xf32, #tpu.memory_space<vmem>>, vector<1024x128xf32>,
    return
  }
  func.func @transform_0(%arg0: i32) -> (i32, i32) {
    %c0_i32 = arith.constant 0 : i32
    %c0_i32_0 = arith.constant 0 : i32
    return %arg0, %c0_i32 : i32, i32
  }
  func.func @transform_1(%arg0: i32) -> (i32, i32) {
    %c0_i32 = arith.constant 0 : i32
    %c0_i32_0 = arith.constant 0 : i32
    %c0_i32_1 = arith.constant 0 : i32
    return %c0_i32, %c0_i32_0 : i32, i32
  }
  func.func @transform_2(%arg0: i32) -> (i32, i32) {
    %c0_i32 = arith.constant 0 : i32
    %c0_i32_0 = arith.constant 0 : i32
    %c0_i32_1 = arith.constant 0 : i32
    return %c0_i32, %c0_i32_0 : i32, i32
  }
  func.func @transform_3(%arg0: i32) -> (i32, i32) {
    %c0_i32 = arith.constant 0 : i32
    %c0_i32_0 = arith.constant 0 : i32
    return %arg0, %c0_i32 : i32, i32
  }
}

module attributes {stable_mosaic.version = 14 : i64} {
  func.func @_update_body(%arg0: i32, %arg1: memref<1024x128xf32, #tpu.memory_space<vmem>>, %arg2: memref<128x128xf32, #tpu.memory_space<vmem>>, %arg3: memref<1x128xf32, #tpu.memory_space<vmem>>, %arg4: memref<1024x128xf32, #tpu.memory_space<vmem>>, %arg5: memref<1024x128xf32, #tpu.memory_space<vmem>>) attributes {dimension_semantics = [#tpu.dimension_semantics<arbitrary>], iteration_bounds = array<i64: 10>, scalar_prefetch = 0 : i64, scratch_operands = 0 : i64, tpu.core_type = #tpu.core_type<tc>, window_params = [{transform_indices = @transform_0, window_bounds = array<i64: 1024, 128>}, {pipeline_mode = #tpu.pipeline_mode<synchronous>, transform_indices = @transform_1, window_bounds = array<i64: 128, 128>}, {pipeline_mode = #tpu.pipeline_mode<synchronous>, transform_indices = @transform_2, window_bounds = array<i64: 1, 128>}, {transform_indices = @transform_3, window_bounds = array<i64: 1024, 128>}, {transform_indices = @transform_4, window_bounds = array<i64: 1024, 128>}]} {
    %get3A = arith.constant 0 : index
    %get3A_0 = arith.constant 0 : index
    %get3A_1 = vector.load %arg1[%get3A, %get3A_0] : memref<1024x128xf32, #tpu.memory_space<vmem>>, vector<1024x128xf32>
    %get3A_2 = arith.constant 0 : index
    %get3A_3 = arith.constant 0 : index
    %get3A_4 = vector.load %arg2[%get3A_2, %get3A_3] : memref<128x128xf32, #tpu.memory_space<vmem>>, vector<128x128xf32>
    %dot_general3A = arith.constant dense<0.000000e+00> : vector<1024x128xf32>
    %dot_general3A_5 = tpu.matmul %get3A_1, %get3A_4, %dot_general3A {dimension_numbers = #tpu.dot_dimension_numbers<[1], [0], [0], [1], [0, 0, 1, 1], [], []>, transpose_lhs_hint = false} : vector<1024x128xf32>, vector<128x128xf32>, vector<1024x128xf32> -> vector<1024x128xf32>
    %get3A_6 = arith.constant 0 : index
    %get3A_7 = arith.constant 0 : index
    %get3A_8 = vector.load %arg3[%get3A_6, %get3A_7] : memref<1x128xf32, #tpu.memory_space<vmem>>, vector<1x128xf32>
    %add3A = vector.broadcast %get3A_8 : vector<1x128xf32> to vector<1024x128xf32>
    %add3A_9 = arith.addf %dot_general3A_5, %add3A : vector<1024x128xf32>
    %max3A = arith.constant 0.000000e+00 : f32
    %max3A_10 = vector.broadcast %max3A : f32 to vector<1024x128xf32>
    %max3A_11 = arith.maximumf %add3A_9, %max3A_10 : vector<1024x128xf32>
    %get3A_12 = arith.constant 0 : index
    %get3A_13 = arith.constant 0 : index
    %get3A_14 = vector.load %arg4[%get3A_12, %get3A_13] : memref<1024x128xf32, #tpu.memory_space<vmem>>, vector<1024x128xf32>
    %add3A_15 = arith.addf %max3A_11, %get3A_14 : vector<1024x128xf32>
    %swap3A = arith.constant 0 : index
    %swap3A_16 = arith.constant 0 : index
    %swap3A_17 = vector.load %arg5[%swap3A, %swap3A_16] : memref<1024x128xf32, #tpu.memory_space<vmem>>, vector<1024x128xf32>
    tpu.vector_store %arg5[%swap3A, %swap3A_16], %add3A_15 {strides = array<i32>} : memref<1024x128xf32, #tpu.memory_space<vmem>>, vector<1024x128xf32>,
    return
  }
  func.func @transform_0(%arg0: i32) -> (i32, i32) {
    %c0_i32 = arith.constant 0 : i32
    %c0_i32_0 = arith.constant 0 : i32
    return %arg0, %c0_i32 : i32, i32
  }
  func.func @transform_1(%arg0: i32) -> (i32, i32) {
    %c0_i32 = arith.constant 0 : i32
    %c0_i32_0 = arith.constant 0 : i32
    %c0_i32_1 = arith.constant 0 : i32
    return %c0_i32, %c0_i32_0 : i32, i32
  }
  func.func @transform_2(%arg0: i32) -> (i32, i32) {
    %c0_i32 = arith.constant 0 : i32
    %c0_i32_0 = arith.constant 0 : i32
    %c0_i32_1 = arith.constant 0 : i32
    return %c0_i32, %c0_i32_0 : i32, i32
  }
  func.func @transform_3(%arg0: i32) -> (i32, i32) {
    %c0_i32 = arith.constant 0 : i32
    %c0_i32_0 = arith.constant 0 : i32
    return %arg0, %c0_i32 : i32, i32
  }
  func.func @transform_4(%arg0: i32) -> (i32, i32) {
    %c0_i32 = arith.constant 0 : i32
    %c0_i32_0 = arith.constant 0 : i32
    return %arg0, %c0_i32 : i32, i32
  }
}

module attributes {stable_mosaic.version = 14 : i64} {
  func.func @_pool_head_body(%arg0: memref<10240x128xf32, #tpu.memory_space<vmem>>, %arg1: memref<10240x1xi32, #tpu.memory_space<vmem>>, %arg2: memref<128x12xf32, #tpu.memory_space<vmem>>, %arg3: memref<1x12xf32, #tpu.memory_space<vmem>>, %arg4: memref<64x12xf32, #tpu.memory_space<vmem>>) attributes {dimension_semantics = [], scalar_prefetch = 0 : i64, scratch_operands = 0 : i64, tpu.core_type = #tpu.core_type<tc>} {
    %get3A = arith.constant 0 : index
    %get3A_0 = arith.constant 0 : index
    %get3A_1 = vector.load %arg1[%get3A, %get3A_0] : memref<10240x1xi32, #tpu.memory_space<vmem>>, vector<10240x1xi32>
    %iota3A = tpu.iota {dimensions = array<i32: 1>} : vector<10240x64xi32>
    %eq3A = vector.broadcast %get3A_1 : vector<10240x1xi32> to vector<10240x64xi32>
    %eq3A_2 = arith.cmpi eq, %eq3A, %iota3A : vector<10240x64xi32>
    %convert_element_type3A = arith.extui %eq3A_2 : vector<10240x64xi1> to vector<10240x64xi32>
    %convert_element_type3A_3 = arith.sitofp %convert_element_type3A : vector<10240x64xi32> to vector<10240x64xf32>
    %get3A_4 = arith.constant 0 : index
    %get3A_5 = arith.constant 0 : index
    %get3A_6 = vector.load %arg0[%get3A_4, %get3A_5] : memref<10240x128xf32, #tpu.memory_space<vmem>>, vector<10240x128xf32>
    %dot_general3A = arith.constant dense<0.000000e+00> : vector<64x128xf32>
    %dot_general3A_7 = tpu.matmul %convert_element_type3A_3, %get3A_6, %dot_general3A {dimension_numbers = #tpu.dot_dimension_numbers<[0], [0], [1], [1], [0, 1, 1, 1], [], []>, transpose_lhs_hint = false} : vector<10240x64xf32>, vector<10240x128xf32>, vector<64x128xf32> -> vector<64x128xf32>
    %get3A_8 = arith.constant 0 : index
    %get3A_9 = arith.constant 0 : index
    %get3A_10 = vector.load %arg2[%get3A_8, %get3A_9] : memref<128x12xf32, #tpu.memory_space<vmem>>, vector<128x12xf32>
    %dot_general3A_11 = arith.constant dense<0.000000e+00> : vector<64x12xf32>
    %dot_general3A_12 = tpu.matmul %dot_general3A_7, %get3A_10, %dot_general3A_11 {dimension_numbers = #tpu.dot_dimension_numbers<[1], [0], [0], [1], [0, 0, 1, 1], [], []>, transpose_lhs_hint = false} : vector<64x128xf32>, vector<128x12xf32>, vector<64x12xf32> -> vector<64x12xf32>
    %get3A_13 = arith.constant 0 : index
    %get3A_14 = arith.constant 0 : index
    %get3A_15 = vector.load %arg3[%get3A_13, %get3A_14] : memref<1x12xf32, #tpu.memory_space<vmem>>, vector<1x12xf32>
    %add3A = vector.broadcast %get3A_15 : vector<1x12xf32> to vector<64x12xf32>
    %add3A_16 = arith.addf %dot_general3A_12, %add3A : vector<64x12xf32>
    %swap3A = arith.constant 0 : index
    %swap3A_17 = arith.constant 0 : index
    %swap3A_18 = vector.load %arg4[%swap3A, %swap3A_17] : memref<64x12xf32, #tpu.memory_space<vmem>>, vector<64x12xf32>
    tpu.vector_store %arg4[%swap3A, %swap3A_17], %add3A_16 {strides = array<i32>} : memref<64x12xf32, #tpu.memory_space<vmem>>, vector<64x12xf32>,
    return
  }
}

</mosaic_0001>

<sc_bundles>
// kernel: kernel.11.cloned.1.call-start
scs
__scs_entry_jumppad:
0x0: {  	(pc) =	sbr.rel $0x88, $3  }
0x1: {  	(tag) =	ssettag $0x0;
	lr =	simm.s32 $0x1  }
0x2: {  	[smem:$0x3F96] =	sst lr;
	_ =	strace $0xD0000000  }
0x3: {  	_ = 	snop  }
0x4: {  	_ = 	snop  }
0x5: {  	_ = 	snop  }
0x6: {  	_ = 	snop  }
0x7: {  	_ = 	snop  }
__scs_overlays_trampoline_lowered:
0x8: {  	[smem:$0x3FA5] =	sst s0  }
0x9: {  	[smem:$0x3FA6] =	sst s1  }
0xa: {  	[smem:$0x3FA7] =	sst s2  }
0xb: {  	[smem:$0x3FA8] =	sst s3  }
0xc: {  	[smem:$0x3FA9] =	sst s4  }
0xd: {  	[smem:$0x3FAA] =	sst s5  }
0xe: {  	[smem:$0x3FAB] =	sst s6  }
0xf: {  	[smem:$0x3FAC] =	sst s7  }
0x10: {  	[smem:$0x3FAD] =	sst s8  }
0x11: {  	[smem:$0x3FAE] =	sst s9;
	s0 =	simm.s32 @!p0 $0x0  }
0x12: {  	s1 =	sld [smem:$0x3F94];
	s0 =	simm.s32 @p0 $0x1  }
0x13: {  	[smem:$0x3FAF] =	sst s0;
	s0 =	simm.s32 @!p1 $0x0  }
0x14: {  	s2 =	sld [smem:$0x3F93];
	s0 =	simm.s32 @p1 $0x1  }
0x15: {  	[smem:$0x3FB0] =	sst s0;
	s0 =	simm.s32 @!p2 $0x0  }
0x16: {  	s3 =	sld [smem:$0x3FDB];
	s0 =	simm.s32 @p2 $0x1  }
0x17: {  	s4 =	simm.s32 $0x1BF5;
	[smem:$0x3FB2] =	sst s0  }
0x18: {  	s0 =	sld [smem:$0x3F95];
	_ =	swait.ge [sflag:s4], $0x0  }
0x19: {  	s7 =	sld [smem:$0x3F96]  }
0x1a: {  	s8 =	sadd.s32 $0xFFFFE003, lr  }
0x1b: {  	s9 =	sadd.s32 $0xFFFFFEF7, lr;
	s5 =	simm.s32 $0xFFFFFFFF;
	p2 =	slt.u32 s8, $0xFFFFF086  }
0x1c: {  	p1 =	slt.u32 s9, $0xF7A;
	s5 =	simm.s32 @!p2 $0x0  }
0x1d: {  	s5 =	simm.s32 @p1 $0x1;
	p0 =	seq.s32 s7, s2  }
0x1e: {  	s7 =	smul.u32 @!p0 $0xF7A, s2;
	p2 =	seq.s32 @!p0 s5, $0x0  }
0x1f: {  	s9 =	smul.u32 $0xF7A, s1;
	s8 =	simm.s32 @!p0 $0x1BF5;
	p2 =	por !p2, p0  }
0x20: {  	[sflag:s8] =	ssyncset.s32 @!p0 $0xFFFFF086;
	s6 =	sadd.s32 @!p0 s3, s7;
	s7 =	simm.s32 @!p0 $0x108  }
0x21: {  	s3 =	sadd.s32 s3, s9;
	s6 =	sadd.s32 @!p0 $0x88, s6;
	s7 =	simm.s32 @p2 $0x1082  }
0x22: {  	[simem:s7], [sflag:s8] =	dma.local @!p0 [hbm:s6], $0xF7A  }
0x23: {  	s9 =	sor.u32 $0xD0000000, s2;
	s6 =	simm.s32 $0x108;
	_ =	swait.ge @!p0 [sflag:s8], $0x0  }
0x24: {  	s3 =	sadd.s32 $0x88, s3;
	s6 =	simm.s32 @!p1 $0x1082;
	[sflag:s4] =	ssyncset.s32 $0xFFFFF086  }
0x25: {  	[simem:s6], [sflag:s4] =	dma.local [hbm:s3], $0xF7A  }
0x26: {  	[smem:$0x3F96] =	sst s1;
	(tag) =	ssettag s2;
	_ =	strace s9  }
0x27: {  	s1 =	sld [smem:$0x3FA6]  }
0x28: {  	s2 =	sld [smem:$0x3FA7]  }
0x29: {  	s4 =	sld [smem:$0x3FA9]  }
0x2a: {  	p0 =	seq.s32 s5, $0x0;
	s5 =	sld [smem:$0x3FAA]  }
0x2b: {  	s6 =	sld [smem:$0x3FAB]  }
0x2c: {  	s7 =	sld [smem:$0x3FAC]  }
0x2d: {  	s3 =	simm.s32 $0x108;
	s8 =	sld [smem:$0x3FAD]  }
0x2e: {  	s3 =	simm.s32 @!p0 $0x1082;
	s9 =	sld [smem:$0x3FAE]  }
0x2f: {  	lr =	sadd.s32 s0, s3;
	s0 =	sld [smem:$0x3FA5]  }
0x30: {  	s3 =	sld [smem:$0x3FA8]  }
0x31: {  	[smem:$0x3FB1] =	sst s10  }
0x32: {  	s10 =	sld [smem:$0x3FAF];
	_ =	sdelay $0x3  }
0x33: {  	p0 =	seq.s32 s10, $0x1;
	s10 =	sld [smem:$0x3FB1];
	_ =	sdelay $0x3  }
0x34: {  	[smem:$0x3FB1] =	sst s10  }
0x35: {  	s10 =	sld [smem:$0x3FB0];
	_ =	sdelay $0x3  }
0x36: {  	p1 =	seq.s32 s10, $0x1;
	s10 =	sld [smem:$0x3FB1];
	_ =	sdelay $0x3  }
0x37: {  	[smem:$0x3FB1] =	sst s10  }
0x38: {  	s10 =	sld [smem:$0x3FB2]  }
0x39: {  	_ = 	snop;
	(pc) =	sbr.ind lr, $3  }
0x3a: {  	_ = 	snop  }
0x3b: {  	_ = 	snop  }
0x3c: {  	p2 =	seq.s32 s10, $0x1;
	s10 =	sld [smem:$0x3FB1]  }
0x3d: {  	_ =	shalt  }
0x3e: {  	_ =	shalt  }
0x3f: {  	_ =	shalt  }
0x40: {  	_ =	shalt  }
0x41: {  	_ =	shalt  }
0x42: {  	_ =	shalt  }
0x43: {  	_ =	shalt  }
0x44: {  	_ =	shalt  }
0x45: {  	_ =	shalt  }
0x46: {  	_ =	shalt  }
0x47: {  	_ =	shalt  }
0x48: {  	_ =	shalt  }
0x49: {  	_ =	shalt  }
0x4a: {  	_ =	shalt  }
0x4b: {  	_ =	shalt  }
0x4c: {  	_ =	shalt  }
0x4d: {  	_ =	shalt  }
0x4e: {  	_ =	shalt  }
0x4f: {  	_ =	shalt  }
0x50: {  	_ =	shalt  }
0x51: {  	_ =	shalt  }
0x52: {  	_ =	shalt  }
0x53: {  	_ =	shalt  }
0x54: {  	_ =	shalt  }
0x55: {  	_ =	shalt  }
0x56: {  	_ =	shalt  }
0x57: {  	_ =	shalt  }
0x58: {  	_ =	shalt  }
0x59: {  	_ =	shalt  }
0x5a: {  	_ =	shalt  }
0x5b: {  	_ =	shalt  }
0x5c: {  	_ =	shalt  }
0x5d: {  	_ =	shalt  }
0x5e: {  	_ =	shalt  }
0x5f: {  	_ =	shalt  }
0x60: {  	_ =	shalt  }
0x61: {  	_ =	shalt  }
0x62: {  	_ =	shalt  }
0x63: {  	_ =	shalt  }
0x64: {  	_ =	shalt  }
0x65: {  	_ =	shalt  }
0x66: {  	_ =	shalt  }
0x67: {  	_ =	shalt  }
0x68: {  	_ =	shalt  }
0x69: {  	_ =	shalt  }
0x6a: {  	_ =	shalt  }
0x6b: {  	_ =	shalt  }
0x6c: {  	_ =	shalt  }
0x6d: {  	_ =	shalt  }
0x6e: {  	_ =	shalt  }
0x6f: {  	_ =	shalt  }
0x70: {  	_ =	shalt  }
0x71: {  	_ =	shalt  }
0x72: {  	_ =	shalt  }
0x73: {  	_ =	shalt  }
0x74: {  	_ =	shalt  }
0x75: {  	_ =	shalt  }
0x76: {  	_ =	shalt  }
0x77: {  	_ =	shalt  }
0x78: {  	_ =	shalt  }
0x79: {  	_ =	shalt  }
0x7a: {  	_ =	shalt  }
0x7b: {  	_ =	shalt  }
0x7c: {  	_ =	shalt  }
0x7d: {  	_ =	shalt  }
0x7e: {  	_ =	shalt  }
0x7f: {  	_ =	shalt  }
0x80: {  	_ =	shalt  }
0x81: {  	_ =	shalt  }
0x82: {  	_ =	shalt  }
0x83: {  	_ =	shalt  }
0x84: {  	_ =	shalt  }
0x85: {  	_ =	shalt  }
0x86: {  	_ =	shalt  }
0x87: {  	_ =	shalt  }
.Lfunc_end0:
.L_simem_size_0:
called_computation_lowered:
.L_overlay_start_0:
0x88: {  	s2 =	sld [smem:$0x3FD9]  }
0x89: {  	s3 =	sld [smem:$0x3FFE];
	_ =	sdelay $0x1  }
0x8a: {  	s1 =	srdreg.scid  }
0x8b: {  	s0 =	sand.u32 $0x1, s1  }
0x8c: {  	s16 =	sshll.u32 s0, $0xA;
	s2 =	sadd.s32 s3, s2  }
0x8d: {  	s2 =	sadd.s32 s2, s16  }
0x8e: {  	[smem:$0x3FBD] =	sst s2  }
0x8f: {  	_ = 	snop  }
0x90: {  	(tm) =	ssettm $0x1  }
0x91: {  	s17 =	sld [smem:$0x3FFB];
	_ =	sdelay $0x3  }
0x92: {  	_ =	strace s17  }
0x93: {  	s2 =	sld [smem:$0x3FFC];
	_ =	sdelay $0x3  }
0x94: {  	_ =	strace s2  }
0x95: {  	s2 =	sld [smem:$0x3FFD];
	_ =	sdelay $0x3  }
0x96: {  	_ =	strace s2  }
0x97: {  	_ =	strace $0x8FFFFFFF  }
0x98: {  	s18 =	sld [smem:$0x3FDB];
	_ =	sdelay $0x1  }
0x99: {  	s19 =	simm.s32 $_scs_section_size  }
0x9a: {  	s4 =	simm.s32 $_size__tile_overlayer_lowered;
	s5 =	simm.s32 $_tile_overlayer_lowered  }
0x9b: {  	s22 =	simm.s32 $0x1BFF;
	s21 =	sshll.u32 s5, $0x1;
	s2 =	sadd.s32 s19, s18  }
0x9c: {  	s6 =	simm.s32 $0x0;
	s20 =	sshll.u32 s4, $0x1;
	s4 =	sadd.s32 s21, s2  }
0x9d: {  	[timem:s6], [sflag:s22] =	dma.local [hbm:s4], s20  }
0x9e: {  	_ =	swait.ge [sflag:s22], s20  }
0x9f: {  	s3 =	ssub.s32 $0x0, s20;
	[sflag:s22] =	ssyncset.done $0x0  }
0xa0: {  	[sflag:s22] =	ssyncadd.s32 s3;
	_ =	sdelay $0x1  }
0xa1: {  	s23 =	simm.s32 $0x1B8B  }
0xa2: {  	_ =	swait.ge [sflag:s23], $0x1  }
0xa3: {  	[sflag:s23] =	ssyncset.done $0x0  }
0xa4: {  	s25 =	simm.s32 $0x1B8E;
	s24 =	sld [smem:$0x3FFE];
	[sflag:s23] =	ssyncadd.s32 $0xFFFFFFFF  }
0xa5: {  	s26 =	simm.s32 $execute0_lowered;
	[smem:$0x3FD2] =	sst s25  }
0xa6: {  	s4 =	sshll.u32 s26, $0x1;
	_ =	strace $0x80000046;
	[dreg:$0x1] =	wrdreg $0xFFFFFFFF  }
0xa7: {  	s28 =	simm.s32 $_size_execute0_lowered;
	s2 =	sadd.s32 s2, s4;
	[dreg:$0x0] =	wrdreg $0x0  }
0xa8: {  	s4 =	sshll.u32 s28, $0x1;
	[dreg:$0x2] =	wrdreg s2  }
0xa9: {  	[dreg:$0x3] =	wrdreg s4  }
0xaa: {  	[dreg:$0x4] =	wrdreg $0xC0  }
0xab: {  	_ =	task [dreg:s6], $0x5FFFF  }
0xac: {  	[dreg:$0x1] =	wrdreg $0xFFFFFFFF  }
0xad: {  	[dreg:$0x0] =	wrdreg $0x60  }
0xae: {  	[dreg:$0x2] =	wrdreg s24  }
0xaf: {  	[dreg:$0x3] =	wrdreg $0x128800  }
0xb0: {  	[dreg:$0x4] =	wrdreg $0x9  }
0xb1: {  	_ =	task.clear_ibuf [dreg:s6], $0x5FFFF;
	_ =	strace $0x90000046  }
0xb2: {  	s29 =	simm.s32 $0x9;
	_ =	strace $0x80000048  }
0xb3: {  	_ =	swait.ge [sflag:s29], $0x1  }
0xb4: {  	[sflag:s29] =	ssyncadd.s32 $0xFFFFFFFF  }
0xb5: {  	_ =	strace $0x90000048  }
0xb6: {  	_ =	sfence  }
0xb7: {  	s30 =	sld [smem:$0x0];
	_ =	sdelay $0x2  }
0xb8: {  	s31 =	sshll.u32 s1, $0xD;
	s1 =	sshrl.u32 s1, $0x2  }
0xb9: {  	s3 =	sand.u32 $0x4000, s31;
	s1 =	sadd.s32 s1, s30  }
0xba: {  	s0 =	sor.u32 s3, s0;
	s1 =	sshll.u32 s1, $0x11  }
0xbb: {  	s0 =	sor.u32 s1, s0  }
0xbc: {  	s0 =	sadd.s32 $0x8F2B, s0  }
0xbd: {  	[sflag:s0] =	ssyncadd.remote.s32 $0x1  }
0xbe: {  	_ =	sfence.sel $0xFFFF  }
0xbf: {  	[dreg:$0x0] =	wrdreg $0xFFFFFFFF;
	(pc) =	sbr.abs _section_cstart, $3  }
0xc0: {  	[dreg:$0x1] =	wrdreg $0xFFFFFFFF  }
0xc1: {  	_ =	task.clear_ibuf [dreg:s6], $0x2FFFF;
	_ =	strace $0x9FFFFFFF  }
0xc2: {  	(tm) =	ssettm $0x7FFFFFFF  }
0xc3: {  	_ =	shalt  }
tec
execute0_lowered:
.L_overlay_start_1:
0x0: {  	(tag) =	ssettag $0x1  }
0x1: {  	s6 =	rddreg [dreg:$0x0]  }
0x2: {  	s1 =	rddreg [dreg:$0x1]  }
0x3: {  	s0 =	rddreg [dreg:$0x2]  }
0x4: {  	s2 =	simm.s32 $0x0;
	s7 =	srdreg.scid;
	s3 =	stileid.u32  }
0x5: {  	s15 =	simm.s32 $0x1;
	s16 =	simm.s32 $0x8000;
	s17 =	simm.s32 $0x10080  }
0x6: {  	s18 =	simm.s32 $0x50;
	s19 =	simm.s32 $0x10000;
	s22 =	simm.s32 $0x0  }
0x7: {  	[smem:$0x7FF] =	sst s2;
	s4 =	sadd.s32 $0x4E00, s6;
	s8 =	smul.u32 $0x1400, s3  }
0x8: {  	s5 =	sadd.s32 $0x526E00, s6;
	s7 =	sand.u32 $0x1, s7;
	s29 =	smul.u32 $0x28000, s3  }
0x9: {  	s10 =	sshll.u32 s3, $0xC;
	s12 =	smul.u32 $0x4E20, s3;
	s20 =	sshll.u32 s3, $0x6  }
0xa: {  	_ =	strace $0x80000047;
	s9 =	sshll.u32 s7, $0x10;
	s11 =	smul.u32 $0x14000, s7  }
0xb: {  	s7 =	ssub.s32 $0x2, s7;
	s20 =	sor.u32 $0x1C01, s20;
	s9 =	sor.u32 s10, s9  }
0xc: {  	s30 =	sshrl.u32 s7, $0x1;
	s31 =	sshrl.u32 s29, $0x2;
	s8 =	sadd.s32 s8, s11  }
0xd: {  	s9 =	sadd.s32 s9, s6;
	s14 =	ssub.s32 s7, s30;
	s13 =	sadd.s32 s8, s6  }
0xe: {  	s6 =	sadd.s32 $0x4E6E00, s9;
	s7 =	sadd.s32 $0x506E00, s9;
	s8 =	sadd.s32 s31, s1  }
0xf: {  	s14 =	smax.u32 s14, $0x1;
	s9 =	sadd.s32 $0x2800, s8;
	s10 =	sadd.s32 $0x5000, s8  }
0x10: {  	v0 =	vimm.f32 $0.0e+00;
	v1 =	vlaneseq.u32;
	s11 =	sadd.s32 $0x7800, s8;
	s13 =	sadd.s32 $0x2CE00, s13;
	s21 =	sshrl.u32 s8, $0x3  }
.LBB2_1:
0x11: {  	[tilespmem:s2], [sflag:$0x1] =	stream.linear.gather [hbm4b:s6+s2], $0x7D00, $0x38;
	[tilespmem:$0x1C880] =	vst v63  }
0x12: {  	_ =	swait.ge [sflag:s15], $0x7D00  }
0x13: {  	[sflag:s15] =	ssyncset.done $0x0  }
0x14: {  	[sflag:s15] =	ssyncadd.s32 $0xFFFF8300  }
0x15: {  	[tilespmem:s16], [sflag:$0x1] =	stream.linear.gather [hbm4b:s7+s2], $0x7D00, $0x38;
	[tilespmem:$0x1C880] =	vst v63  }
0x16: {  	_ =	swait.ge [sflag:s15], $0x7D00  }
0x17: {  	[sflag:s15] =	ssyncset.done $0x0  }
0x18: {  	s23 =	simm.s32 $0x0;
	s24 =	simm.s32 $0x200;
	[sflag:s15] =	ssyncadd.s32 $0xFFFF8300  }
.LBB2_2:
0x19: {  	p0 =	sne.s32 s24, $0x9E00;
	[tilespmem:s23+$0x100F0] =	vst v0  }
0x1a: {  	[tilespmem:s23+$0x10080] =	vst v0  }
0x1b: {  	[tilespmem:s23+$0x10090] =	vst v0  }
.Ltmp0:
0x1c: {  	[tilespmem:s23+$0x100A0] =	vst v0;
	(pc) =	sbr.rel @p0 .LBB2_2-.Ltmp0, $4  }
0x1d: {  	[tilespmem:s23+$0x100B0] =	vst v0  }
0x1e: {  	[tilespmem:s23+$0x100C0] =	vst v0  }
0x1f: {  	[tilespmem:s23+$0x100D0] =	vst v0  }
0x20: {  	[tilespmem:s23+$0x100E0] =	vst v0;
	s23 =	sshra.s32 s24, $0x2;
	s24 =	sadd.s32 $0x200, s24  }
0x21: {  	[tilespmem:s23+$0x100F0] =	vst v0  }
0x22: {  	[tilespmem:s23+$0x10080] =	vst v0  }
0x23: {  	[tilespmem:s23+$0x10090] =	vst v0  }
0x24: {  	[tilespmem:s23+$0x100A0] =	vst v0  }
0x25: {  	[tilespmem:s23+$0x100B0] =	vst v0  }
0x26: {  	[tilespmem:s23+$0x100C0] =	vst v0  }
0x27: {  	[tilespmem:s23+$0x100D0] =	vst v0  }
0x28: {  	[tilespmem:s23+$0x100E0] =	vst v0  }
0x29: {  	[spmem:s8] =	stream.linear.scatter [tilespmem:s17], [sflag:$0x1], $0x2800, $0x38;
	[tilespmem:$0x1C880] =	vst v63  }
0x2a: {  	_ =	swait.ge [sflag:s15], $0x2800  }
0x2b: {  	[sflag:s15] =	ssyncset.done $0x0  }
0x2c: {  	[sflag:s15] =	ssyncadd.s32 $0xFFFFD800  }
0x2d: {  	[spmem:s9] =	stream.linear.scatter [tilespmem:s17], [sflag:$0x1], $0x2800, $0x38;
	[tilespmem:$0x1C880] =	vst v63  }
0x2e: {  	_ =	swait.ge [sflag:s15], $0x2800  }
0x2f: {  	[sflag:s15] =	ssyncset.done $0x0  }
0x30: {  	[sflag:s15] =	ssyncadd.s32 $0xFFFFD800  }
0x31: {  	[spmem:s10] =	stream.linear.scatter [tilespmem:s17], [sflag:$0x1], $0x2800, $0x38;
	[tilespmem:$0x1C880] =	vst v63  }
0x32: {  	_ =	swait.ge [sflag:s15], $0x2800  }
0x33: {  	[sflag:s15] =	ssyncset.done $0x0  }
0x34: {  	[sflag:s15] =	ssyncadd.s32 $0xFFFFD800  }
0x35: {  	[spmem:s11] =	stream.linear.scatter [tilespmem:s17], [sflag:$0x1], $0x2800, $0x38;
	[tilespmem:$0x1C880] =	vst v63  }
0x36: {  	_ =	swait.ge [sflag:s15], $0x2800  }
0x37: {  	[sflag:s15] =	ssyncset.done $0x0  }
0x38: {  	[sflag:s15] =	ssyncadd.s32 $0xFFFFD800  }
0x39: {  	s23 =	simm.s32 $0x0;
	[bflag:$0x0] =	sbarrier.arrive $0xFFFF  }
.LBB2_4:
0x3a: {  	s25 =	sshll.u32 s23, $0x7  }
0x3b: {  	s24 =	smul.u32 $0x50, s23;
	v2 =	vld [tilespmem:s25+$0x8000];
	_ =	sdelay $0x1  }
0x3c: {  	s24 =	sadd.s32 s12, s24  }
0x3d: {  	v3 =	vmov s24  }
0x3e: {  	v3 =	vbroadcast v3, $0x0  }
0x3f: {  	v2 =	vshra.s32 v2, $0x1F  }
0x40: {  	v2 =	vor.u32 v2, v3  }
0x41: {  	v2 =	vor.u32 v1, v2  }
0x42: {  	[tilespmem:$0x10000] =	vst v2  }
0x43: {  	v2 =	vld [tilespmem:s25+$0x8010];
	_ =	sdelay $0x1  }
0x44: {  	s26 =	sadd.s32 $0x10, s24  }
0x45: {  	v3 =	vmov s26  }
0x46: {  	v3 =	vbroadcast v3, $0x0  }
0x47: {  	v2 =	vshra.s32 v2, $0x1F  }
0x48: {  	v2 =	vor.u32 v2, v3  }
0x49: {  	v2 =	vor.u32 v1, v2  }
0x4a: {  	[tilespmem:$0x10010] =	vst v2  }
0x4b: {  	v2 =	vld [tilespmem:s25+$0x8020];
	_ =	sdelay $0x1  }
0x4c: {  	s30 =	sadd.s32 $0x20, s24  }
0x4d: {  	v3 =	vmov s30  }
0x4e: {  	v3 =	vbroadcast v3, $0x0  }
0x4f: {  	v2 =	vshra.s32 v2, $0x1F  }
0x50: {  	v2 =	vor.u32 v2, v3  }
0x51: {  	v2 =	vor.u32 v1, v2  }
0x52: {  	[tilespmem:$0x10020] =	vst v2  }
0x53: {  	v2 =	vld [tilespmem:s25+$0x8030];
	_ =	sdelay $0x1  }
0x54: {  	s31 =	sadd.s32 $0x30, s24  }
0x55: {  	v3 =	vmov s31  }
0x56: {  	v3 =	vbroadcast v3, $0x0  }
0x57: {  	v2 =	vshra.s32 v2, $0x1F  }
0x58: {  	v2 =	vor.u32 v2, v3  }
0x59: {  	v2 =	vor.u32 v1, v2  }
0x5a: {  	[tilespmem:$0x10030] =	vst v2  }
0x5b: {  	v2 =	vld [tilespmem:s25+$0x8040];
	_ =	sdelay $0x1  }
0x5c: {  	s24 =	sadd.s32 $0x40, s24  }
0x5d: {  	v3 =	vmov s24  }
0x5e: {  	v3 =	vbroadcast v3, $0x0  }
0x5f: {  	v2 =	vshra.s32 v2, $0x1F  }
0x60: {  	v2 =	vor.u32 v2, v3  }
0x61: {  	v2 =	vor.u32 v1, v2  }
0x62: {  	[tilespmem:$0x10040] =	vst v2;
	(ifvalue) =	ssetifvalue $0xFFFFFFFF  }
0x63: {  	(ifvalue) =	ssetifvalue $0xFFFFFFFF  }
0x64: {  	[tilespmem:s17], [sflag:$0x1] =	stream.indirect.gather [hbm4b:s5+s18], $0x80, s19, s18, $0x40b8;
	[tilespmem:$0x1C880] =	vst v63  }
0x65: {  	_ =	swait.ge [sflag:s15], $0x2800  }
0x66: {  	[sflag:s15] =	ssyncset.done $0x0  }
0x67: {  	[sflag:s15] =	ssyncadd.s32 $0xFFFFD800;
	(ifvalue) =	ssetifvalue $0xFFFFFFFF  }
0x68: {  	[tilespmem:s17], [sflag:$0x1] =	stream.indirect.gather.add.f32 [hbm:s4], $0x80, s25, s18, $0x40b8;
	[tilespmem:$0x1C880] =	vst v63  }
0x69: {  	_ =	swait.ge [sflag:s15], $0x2800  }
0x6a: {  	[sflag:s15] =	ssyncset.done $0x0  }
0x6b: {  	s24 =	simm.s32 $0x0;
	[sflag:s15] =	ssyncadd.s32 $0xFFFFD800  }
0x6c: {  	v4 =	vld [tilespmem:s24+$0x10080]  }
0x6d: {  	v6 =	vld [tilespmem:s24+$0x10090]  }
0x6e: {  	v5 =	vld [tilespmem:s24+$0x100A0]  }
0x6f: {  	v3 =	vld [tilespmem:s24+$0x100B0]  }
0x70: {  	v2 =	vld [tilespmem:s24+$0x100C0]  }
0x71: {  	v7 =	vmax.f32 v4, $0.0e+00;
	v4 =	vld [tilespmem:s24+$0x100D0]  }
0x72: {  	s26 =	simm.s32 $0x200;
	s25 =	sadd.s32 $0x8000, s25;
	[tilespmem:s24+$0x10080] =	vst v7;
	v7 =	vmax.f32 v6, $0.0e+00;
	v6 =	vld [tilespmem:s24+$0x100E0]  }
.LBB2_5:
0x73: {  	s28 =	sshra.s32 s26, $0x2;
	p0 =	sne.s32 s26, $0x9E00;
	[tilespmem:s24+$0x10090] =	vst v7;
	v5 =	vmax.f32 v5, $0.0e+00;
	v7 =	vld [tilespmem:s24+$0x100F0]  }
0x74: {  	v8 =	vld [tilespmem:s28+$0x10080];
	[tilespmem:s24+$0x100A0] =	vst v5;
	v3 =	vmax.f32 v3, $0.0e+00  }
0x75: {  	v9 =	vld [tilespmem:s28+$0x10090];
	[tilespmem:s24+$0x100B0] =	vst v3;
	v2 =	vmax.f32 v2, $0.0e+00  }
.Ltmp1:
0x76: {  	v5 =	vld [tilespmem:s28+$0x100A0];
	[tilespmem:s24+$0x100C0] =	vst v2;
	v2 =	vmax.f32 v4, $0.0e+00;
	(pc) =	sbr.rel @p0 .LBB2_5-.Ltmp1, $4  }
0x77: {  	v3 =	vld [tilespmem:s28+$0x100B0];
	[tilespmem:s24+$0x100D0] =	vst v2;
	v4 =	vmax.f32 v6, $0.0e+00  }
0x78: {  	v2 =	vld [tilespmem:s28+$0x100C0];
	[tilespmem:s24+$0x100E0] =	vst v4;
	v6 =	vmax.f32 v7, $0.0e+00  }
0x79: {  	v7 =	vmax.f32 v8, $0.0e+00;
	v4 =	vld [tilespmem:s28+$0x100D0];
	[tilespmem:s24+$0x100F0] =	vst v6;
	s24 =	smov.u32 s28  }
0x7a: {  	s26 =	sadd.s32 $0x200, s26;
	[tilespmem:s24+$0x10080] =	vst v7;
	v7 =	vmax.f32 v9, $0.0e+00;
	v6 =	vld [tilespmem:s24+$0x100E0]  }
0x7b: {  	[tilespmem:s24+$0x10090] =	vst v7;
	v5 =	vmax.f32 v5, $0.0e+00;
	v63 =	vld [tilespmem:s24+$0x100F0]  }
0x7c: {  	[tilespmem:s24+$0x100A0] =	vst v5;
	v3 =	vmax.f32 v3, $0.0e+00  }
0x7d: {  	[tilespmem:s24+$0x100B0] =	vst v3;
	v2 =	vmax.f32 v2, $0.0e+00  }
0x7e: {  	[tilespmem:s24+$0x100C0] =	vst v2;
	v2 =	vmax.f32 v4, $0.0e+00  }
0x7f: {  	s23 =	sadd.s32 $0x1, s23;
	[tilespmem:s24+$0x100D0] =	vst v2;
	v2 =	vmax.f32 v6, $0.0e+00  }
0x80: {  	p0 =	sne.s32 s23, $0xFA;
	[tilespmem:s24+$0x100E0] =	vst v2;
	v2 =	vmax.f32 v63, $0.0e+00  }
.Ltmp2:
0x81: {  	[tilespmem:s24+$0x100F0] =	vst v2;
	(ifvalue) =	ssetifvalue $0xFFFFFFFF;
	(pc) =	sbr.rel @p0 .LBB2_4-.Ltmp2, $4  }
0x82: {  	[spmem:s1] =	stream.indirect.scatter.add.f32 [tilespmem:s17], [sflag:$0x1], $0x80, s25, s18, $0x40b8;
	[tilespmem:$0x1C880] =	vst v63  }
0x83: {  	_ =	swait.ge [sflag:s15], $0x2800  }
0x84: {  	[sflag:s15] =	ssyncset.done $0x0  }
0x85: {  	[sflag:s15] =	ssyncadd.s32 $0xFFFFD800  }
0x86: {  	s22 =	sadd.s32 $0x1, s22  }
0x87: {  	p0 =	sne.s32 s22, s14  }
.Ltmp3:
0x88: {  	[bflag:$0x0] =	sbarrier.arrive $0xFFFF;
	(pc) =	sbr.rel @p0 .LBB2_1-.Ltmp3, $4  }
0x89: {  	[hbm:s13], [sflag:s20] =	dma.local [spmem:s21], $0x1400  }
0x8a: {  	_ =	swait.ge [sflag:s15], $0x1400  }
0x8b: {  	[sflag:s15] =	ssyncset.done $0x0  }
0x8c: {  	[sflag:s15] =	ssyncadd.s32 $0xFFFFEC00  }
0x8d: {  	_ =	sfence.sel $0x180000  }
0x8e: {  	[bflag:$0x0] =	sbarrier.arrive $0xFFFF  }
0x8f: {  	p0 =	sne.s32 s3, $0x0;
	_ =	strace $0x90000047  }
0x90: {  	s0 =	sadd.s32 @!p0 $0x100000, s0;
	[bflag:$0x2] =	sbarrier.arrive $0xFFFF  }
0x91: {  	[sflag:s0] =	ssyncadd.tile.s32 @!p0 $0x1;
	_ =	shalt  }
.Lfunc_end2:
_tile_overlayer_lowered:
.L_overlay_start_2:
0x92: {  	(tag) =	ssettag $0x2  }
0x93: {  	s0 =	rddreg [dreg:$0x0];
	s2 =	stileid.u32  }
0x94: {  	s1 =	rddreg [dreg:$0x1];
	p0 =	sne.s32 s2, $0x0  }
0x95: {  	s3 =	rddreg [dreg:$0x2];
	[bflag:$0x3] =	sbarrier.arrive $0xFFFF;
	s2 =	simm.s32 @!p0 $0x1C01  }
0x96: {  	[timem:s3], [sflag:s2] =	dma.local @!p0 [hbm:s0], s1  }
0x97: {  	s0 =	simm.s32 @!p0 $0x1  }
0x98: {  	_ =	swait.ge @!p0 [sflag:s0], s1  }
0x99: {  	s1 =	ssub.s32 @!p0 $0x0, s1;
	[sflag:s0] =	ssyncset.done @!p0 $0x0  }
0x9a: {  	[sflag:s0] =	ssyncadd.s32 @!p0 s1  }
0x9b: {  	[bflag:$0x3] =	sbarrier.arrive $0xFFFF  }
0x9c: {  	_ =	shalt  }

// kernel: kernel.14.cloned.1.call-start
scs
__scs_entry_jumppad:
0x0: {  	(pc) =	sbr.rel $0x88, $3  }
0x1: {  	(tag) =	ssettag $0x0;
	lr =	simm.s32 $0x1  }
0x2: {  	[smem:$0x3F96] =	sst lr;
	_ =	strace $0xD0000000  }
0x3: {  	_ = 	snop  }
0x4: {  	_ = 	snop  }
0x5: {  	_ = 	snop  }
0x6: {  	_ = 	snop  }
0x7: {  	_ = 	snop  }
__scs_overlays_trampoline_lowered:
0x8: {  	[smem:$0x3FA5] =	sst s0  }
0x9: {  	[smem:$0x3FA6] =	sst s1  }
0xa: {  	[smem:$0x3FA7] =	sst s2  }
0xb: {  	[smem:$0x3FA8] =	sst s3  }
0xc: {  	[smem:$0x3FA9] =	sst s4  }
0xd: {  	[smem:$0x3FAA] =	sst s5  }
0xe: {  	[smem:$0x3FAB] =	sst s6  }
0xf: {  	[smem:$0x3FAC] =	sst s7  }
0x10: {  	[smem:$0x3FAD] =	sst s8  }
0x11: {  	[smem:$0x3FAE] =	sst s9;
	s0 =	simm.s32 @!p0 $0x0  }
0x12: {  	s1 =	sld [smem:$0x3F94];
	s0 =	simm.s32 @p0 $0x1  }
0x13: {  	[smem:$0x3FAF] =	sst s0;
	s0 =	simm.s32 @!p1 $0x0  }
0x14: {  	s2 =	sld [smem:$0x3F93];
	s0 =	simm.s32 @p1 $0x1  }
0x15: {  	[smem:$0x3FB0] =	sst s0;
	s0 =	simm.s32 @!p2 $0x0  }
0x16: {  	s3 =	sld [smem:$0x3FDB];
	s0 =	simm.s32 @p2 $0x1  }
0x17: {  	s4 =	simm.s32 $0x1BF5;
	[smem:$0x3FB2] =	sst s0  }
0x18: {  	s0 =	sld [smem:$0x3F95];
	_ =	swait.ge [sflag:s4], $0x0  }
0x19: {  	s7 =	sld [smem:$0x3F96]  }
0x1a: {  	s8 =	sadd.s32 $0xFFFFE003, lr  }
0x1b: {  	s9 =	sadd.s32 $0xFFFFFEF7, lr;
	s5 =	simm.s32 $0xFFFFFFFF;
	p2 =	slt.u32 s8, $0xFFFFF086  }
0x1c: {  	p1 =	slt.u32 s9, $0xF7A;
	s5 =	simm.s32 @!p2 $0x0  }
0x1d: {  	s5 =	simm.s32 @p1 $0x1;
	p0 =	seq.s32 s7, s2  }
0x1e: {  	s7 =	smul.u32 @!p0 $0xF7A, s2;
	p2 =	seq.s32 @!p0 s5, $0x0  }
0x1f: {  	s9 =	smul.u32 $0xF7A, s1;
	s8 =	simm.s32 @!p0 $0x1BF5;
	p2 =	por !p2, p0  }
0x20: {  	[sflag:s8] =	ssyncset.s32 @!p0 $0xFFFFF086;
	s6 =	sadd.s32 @!p0 s3, s7;
	s7 =	simm.s32 @!p0 $0x108  }
0x21: {  	s3 =	sadd.s32 s3, s9;
	s6 =	sadd.s32 @!p0 $0x88, s6;
	s7 =	simm.s32 @p2 $0x1082  }
0x22: {  	[simem:s7], [sflag:s8] =	dma.local @!p0 [hbm:s6], $0xF7A  }
0x23: {  	s9 =	sor.u32 $0xD0000000, s2;
	s6 =	simm.s32 $0x108;
	_ =	swait.ge @!p0 [sflag:s8], $0x0  }
0x24: {  	s3 =	sadd.s32 $0x88, s3;
	s6 =	simm.s32 @!p1 $0x1082;
	[sflag:s4] =	ssyncset.s32 $0xFFFFF086  }
0x25: {  	[simem:s6], [sflag:s4] =	dma.local [hbm:s3], $0xF7A  }
0x26: {  	[smem:$0x3F96] =	sst s1;
	(tag) =	ssettag s2;
	_ =	strace s9  }
0x27: {  	s1 =	sld [smem:$0x3FA6]  }
0x28: {  	s2 =	sld [smem:$0x3FA7]  }
0x29: {  	s4 =	sld [smem:$0x3FA9]  }
0x2a: {  	p0 =	seq.s32 s5, $0x0;
	s5 =	sld [smem:$0x3FAA]  }
0x2b: {  	s6 =	sld [smem:$0x3FAB]  }
0x2c: {  	s7 =	sld [smem:$0x3FAC]  }
0x2d: {  	s3 =	simm.s32 $0x108;
	s8 =	sld [smem:$0x3FAD]  }
0x2e: {  	s3 =	simm.s32 @!p0 $0x1082;
	s9 =	sld [smem:$0x3FAE]  }
0x2f: {  	lr =	sadd.s32 s0, s3;
	s0 =	sld [smem:$0x3FA5]  }
0x30: {  	s3 =	sld [smem:$0x3FA8]  }
0x31: {  	[smem:$0x3FB1] =	sst s10  }
0x32: {  	s10 =	sld [smem:$0x3FAF];
	_ =	sdelay $0x3  }
0x33: {  	p0 =	seq.s32 s10, $0x1;
	s10 =	sld [smem:$0x3FB1];
	_ =	sdelay $0x3  }
0x34: {  	[smem:$0x3FB1] =	sst s10  }
0x35: {  	s10 =	sld [smem:$0x3FB0];
	_ =	sdelay $0x3  }
0x36: {  	p1 =	seq.s32 s10, $0x1;
	s10 =	sld [smem:$0x3FB1];
	_ =	sdelay $0x3  }
0x37: {  	[smem:$0x3FB1] =	sst s10  }
0x38: {  	s10 =	sld [smem:$0x3FB2]  }
0x39: {  	_ = 	snop;
	(pc) =	sbr.ind lr, $3  }
0x3a: {  	_ = 	snop  }
0x3b: {  	_ = 	snop  }
0x3c: {  	p2 =	seq.s32 s10, $0x1;
	s10 =	sld [smem:$0x3FB1]  }
0x3d: {  	_ =	shalt  }
0x3e: {  	_ =	shalt  }
0x3f: {  	_ =	shalt  }
0x40: {  	_ =	shalt  }
0x41: {  	_ =	shalt  }
0x42: {  	_ =	shalt  }
0x43: {  	_ =	shalt  }
0x44: {  	_ =	shalt  }
0x45: {  	_ =	shalt  }
0x46: {  	_ =	shalt  }
0x47: {  	_ =	shalt  }
0x48: {  	_ =	shalt  }
0x49: {  	_ =	shalt  }
0x4a: {  	_ =	shalt  }
0x4b: {  	_ =	shalt  }
0x4c: {  	_ =	shalt  }
0x4d: {  	_ =	shalt  }
0x4e: {  	_ =	shalt  }
0x4f: {  	_ =	shalt  }
0x50: {  	_ =	shalt  }
0x51: {  	_ =	shalt  }
0x52: {  	_ =	shalt  }
0x53: {  	_ =	shalt  }
0x54: {  	_ =	shalt  }
0x55: {  	_ =	shalt  }
0x56: {  	_ =	shalt  }
0x57: {  	_ =	shalt  }
0x58: {  	_ =	shalt  }
0x59: {  	_ =	shalt  }
0x5a: {  	_ =	shalt  }
0x5b: {  	_ =	shalt  }
0x5c: {  	_ =	shalt  }
0x5d: {  	_ =	shalt  }
0x5e: {  	_ =	shalt  }
0x5f: {  	_ =	shalt  }
0x60: {  	_ =	shalt  }
0x61: {  	_ =	shalt  }
0x62: {  	_ =	shalt  }
0x63: {  	_ =	shalt  }
0x64: {  	_ =	shalt  }
0x65: {  	_ =	shalt  }
0x66: {  	_ =	shalt  }
0x67: {  	_ =	shalt  }
0x68: {  	_ =	shalt  }
0x69: {  	_ =	shalt  }
0x6a: {  	_ =	shalt  }
0x6b: {  	_ =	shalt  }
0x6c: {  	_ =	shalt  }
0x6d: {  	_ =	shalt  }
0x6e: {  	_ =	shalt  }
0x6f: {  	_ =	shalt  }
0x70: {  	_ =	shalt  }
0x71: {  	_ =	shalt  }
0x72: {  	_ =	shalt  }
0x73: {  	_ =	shalt  }
0x74: {  	_ =	shalt  }
0x75: {  	_ =	shalt  }
0x76: {  	_ =	shalt  }
0x77: {  	_ =	shalt  }
0x78: {  	_ =	shalt  }
0x79: {  	_ =	shalt  }
0x7a: {  	_ =	shalt  }
0x7b: {  	_ =	shalt  }
0x7c: {  	_ =	shalt  }
0x7d: {  	_ =	shalt  }
0x7e: {  	_ =	shalt  }
0x7f: {  	_ =	shalt  }
0x80: {  	_ =	shalt  }
0x81: {  	_ =	shalt  }
0x82: {  	_ =	shalt  }
0x83: {  	_ =	shalt  }
0x84: {  	_ =	shalt  }
0x85: {  	_ =	shalt  }
0x86: {  	_ =	shalt  }
0x87: {  	_ =	shalt  }
.Lfunc_end0:
.L_simem_size_0:
called_computation.1_lowered:
.L_overlay_start_0:
0x88: {  	s2 =	sld [smem:$0x3FD9]  }
0x89: {  	s3 =	sld [smem:$0x3FFE];
	_ =	sdelay $0x1  }
0x8a: {  	s1 =	srdreg.scid  }
0x8b: {  	s0 =	sand.u32 $0x1, s1  }
0x8c: {  	s16 =	sshll.u32 s0, $0xA;
	s2 =	sadd.s32 s3, s2  }
0x8d: {  	s2 =	sadd.s32 s2, s16  }
0x8e: {  	[smem:$0x3FBD] =	sst s2  }
0x8f: {  	_ = 	snop  }
0x90: {  	(tm) =	ssettm $0x1  }
0x91: {  	s17 =	sld [smem:$0x3FFB];
	_ =	sdelay $0x3  }
0x92: {  	_ =	strace s17  }
0x93: {  	s2 =	sld [smem:$0x3FFC];
	_ =	sdelay $0x3  }
0x94: {  	_ =	strace s2  }
0x95: {  	s2 =	sld [smem:$0x3FFD];
	_ =	sdelay $0x3  }
0x96: {  	_ =	strace s2  }
0x97: {  	_ =	strace $0x8FFFFFFF  }
0x98: {  	s18 =	sld [smem:$0x3FDB];
	_ =	sdelay $0x1  }
0x99: {  	s19 =	simm.s32 $_scs_section_size  }
0x9a: {  	s4 =	simm.s32 $_size__tile_overlayer_lowered;
	s5 =	simm.s32 $_tile_overlayer_lowered  }
0x9b: {  	s22 =	simm.s32 $0x1BFF;
	s21 =	sshll.u32 s5, $0x1;
	s2 =	sadd.s32 s19, s18  }
0x9c: {  	s6 =	simm.s32 $0x0;
	s20 =	sshll.u32 s4, $0x1;
	s4 =	sadd.s32 s21, s2  }
0x9d: {  	[timem:s6], [sflag:s22] =	dma.local [hbm:s4], s20  }
0x9e: {  	_ =	swait.ge [sflag:s22], s20  }
0x9f: {  	s3 =	ssub.s32 $0x0, s20;
	[sflag:s22] =	ssyncset.done $0x0  }
0xa0: {  	[sflag:s22] =	ssyncadd.s32 s3;
	_ =	sdelay $0x1  }
0xa1: {  	s23 =	simm.s32 $0x1B8B  }
0xa2: {  	_ =	swait.ge [sflag:s23], $0x1  }
0xa3: {  	[sflag:s23] =	ssyncset.done $0x0  }
0xa4: {  	s25 =	simm.s32 $0x1B8E;
	s24 =	sld [smem:$0x3FFE];
	[sflag:s23] =	ssyncadd.s32 $0xFFFFFFFF  }
0xa5: {  	s26 =	simm.s32 $execute0_lowered;
	[smem:$0x3FD2] =	sst s25  }
0xa6: {  	s4 =	sshll.u32 s26, $0x1;
	_ =	strace $0x80000049;
	[dreg:$0x1] =	wrdreg $0xFFFFFFFF  }
0xa7: {  	s28 =	simm.s32 $_size_execute0_lowered;
	s2 =	sadd.s32 s2, s4;
	[dreg:$0x0] =	wrdreg $0x0  }
0xa8: {  	s4 =	sshll.u32 s28, $0x1;
	[dreg:$0x2] =	wrdreg s2  }
0xa9: {  	[dreg:$0x3] =	wrdreg s4  }
0xaa: {  	[dreg:$0x4] =	wrdreg $0xC0  }
0xab: {  	_ =	task [dreg:s6], $0x5FFFF  }
0xac: {  	[dreg:$0x1] =	wrdreg $0xFFFFFFFF  }
0xad: {  	[dreg:$0x0] =	wrdreg $0x60  }
0xae: {  	[dreg:$0x2] =	wrdreg s24  }
0xaf: {  	[dreg:$0x3] =	wrdreg $0x128800  }
0xb0: {  	[dreg:$0x4] =	wrdreg $0x9  }
0xb1: {  	_ =	task.clear_ibuf [dreg:s6], $0x5FFFF;
	_ =	strace $0x90000049  }
0xb2: {  	s29 =	simm.s32 $0x9;
	_ =	strace $0x8000004B  }
0xb3: {  	_ =	swait.ge [sflag:s29], $0x1  }
0xb4: {  	[sflag:s29] =	ssyncadd.s32 $0xFFFFFFFF  }
0xb5: {  	_ =	strace $0x9000004B  }
0xb6: {  	_ =	sfence  }
0xb7: {  	s30 =	sld [smem:$0x0];
	_ =	sdelay $0x2  }
0xb8: {  	s31 =	sshll.u32 s1, $0xD;
	s1 =	sshrl.u32 s1, $0x2  }
0xb9: {  	s3 =	sand.u32 $0x4000, s31;
	s1 =	sadd.s32 s1, s30  }
0xba: {  	s0 =	sor.u32 s3, s0;
	s1 =	sshll.u32 s1, $0x11  }
0xbb: {  	s0 =	sor.u32 s1, s0  }
0xbc: {  	s0 =	sadd.s32 $0x8F2B, s0  }
0xbd: {  	[sflag:s0] =	ssyncadd.remote.s32 $0x1  }
0xbe: {  	_ =	sfence.sel $0xFFFF  }
0xbf: {  	[dreg:$0x0] =	wrdreg $0xFFFFFFFF;
	(pc) =	sbr.abs _section_cstart, $3  }
0xc0: {  	[dreg:$0x1] =	wrdreg $0xFFFFFFFF  }
0xc1: {  	_ =	task.clear_ibuf [dreg:s6], $0x2FFFF;
	_ =	strace $0x9FFFFFFF  }
0xc2: {  	(tm) =	ssettm $0x7FFFFFFF  }
0xc3: {  	_ =	shalt  }
tec
execute0_lowered:
.L_overlay_start_1:
0x0: {  	(tag) =	ssettag $0x1  }
0x1: {  	s6 =	rddreg [dreg:$0x0]  }
0x2: {  	s1 =	rddreg [dreg:$0x1]  }
0x3: {  	s0 =	rddreg [dreg:$0x2]  }
0x4: {  	s2 =	simm.s32 $0x0;
	s7 =	srdreg.scid;
	s3 =	stileid.u32  }
0x5: {  	s15 =	simm.s32 $0x1;
	s16 =	simm.s32 $0x8000;
	s17 =	simm.s32 $0x10080  }
0x6: {  	s18 =	simm.s32 $0x50;
	s19 =	simm.s32 $0x10000;
	s22 =	simm.s32 $0x0  }
0x7: {  	[smem:$0x7FF] =	sst s2;
	s4 =	sadd.s32 $0x4E00, s6;
	s8 =	smul.u32 $0x1400, s3  }
0x8: {  	s5 =	sadd.s32 $0x526E00, s6;
	s7 =	sand.u32 $0x1, s7;
	s29 =	smul.u32 $0x28000, s3  }
0x9: {  	s10 =	sshll.u32 s3, $0xC;
	s12 =	smul.u32 $0x4E20, s3;
	s20 =	sshll.u32 s3, $0x6  }
0xa: {  	_ =	strace $0x8000004A;
	s9 =	sshll.u32 s7, $0x10;
	s11 =	smul.u32 $0x14000, s7  }
0xb: {  	s7 =	ssub.s32 $0x2, s7;
	s20 =	sor.u32 $0x1C01, s20;
	s9 =	sor.u32 s10, s9  }
0xc: {  	s30 =	sshrl.u32 s7, $0x1;
	s31 =	sshrl.u32 s29, $0x2;
	s8 =	sadd.s32 s8, s11  }
0xd: {  	s9 =	sadd.s32 s9, s6;
	s14 =	ssub.s32 s7, s30;
	s13 =	sadd.s32 s8, s6  }
0xe: {  	s6 =	sadd.s32 $0x4E6E00, s9;
	s7 =	sadd.s32 $0x506E00, s9;
	s8 =	sadd.s32 s31, s1  }
0xf: {  	s14 =	smax.u32 s14, $0x1;
	s9 =	sadd.s32 $0x2800, s8;
	s10 =	sadd.s32 $0x5000, s8  }
0x10: {  	v0 =	vimm.f32 $0.0e+00;
	v1 =	vlaneseq.u32;
	s11 =	sadd.s32 $0x7800, s8;
	s13 =	sadd.s32 $0x2CE00, s13;
	s21 =	sshrl.u32 s8, $0x3  }
.LBB2_1:
0x11: {  	[tilespmem:s2], [sflag:$0x1] =	stream.linear.gather [hbm4b:s6+s2], $0x7D00, $0x38;
	[tilespmem:$0x1C880] =	vst v63  }
0x12: {  	_ =	swait.ge [sflag:s15], $0x7D00  }
0x13: {  	[sflag:s15] =	ssyncset.done $0x0  }
0x14: {  	[sflag:s15] =	ssyncadd.s32 $0xFFFF8300  }
0x15: {  	[tilespmem:s16], [sflag:$0x1] =	stream.linear.gather [hbm4b:s7+s2], $0x7D00, $0x38;
	[tilespmem:$0x1C880] =	vst v63  }
0x16: {  	_ =	swait.ge [sflag:s15], $0x7D00  }
0x17: {  	[sflag:s15] =	ssyncset.done $0x0  }
0x18: {  	s23 =	simm.s32 $0x0;
	s24 =	simm.s32 $0x200;
	[sflag:s15] =	ssyncadd.s32 $0xFFFF8300  }
.LBB2_2:
0x19: {  	p0 =	sne.s32 s24, $0x9E00;
	[tilespmem:s23+$0x100F0] =	vst v0  }
0x1a: {  	[tilespmem:s23+$0x10080] =	vst v0  }
0x1b: {  	[tilespmem:s23+$0x10090] =	vst v0  }
.Ltmp0:
0x1c: {  	[tilespmem:s23+$0x100A0] =	vst v0;
	(pc) =	sbr.rel @p0 .LBB2_2-.Ltmp0, $4  }
0x1d: {  	[tilespmem:s23+$0x100B0] =	vst v0  }
0x1e: {  	[tilespmem:s23+$0x100C0] =	vst v0  }
0x1f: {  	[tilespmem:s23+$0x100D0] =	vst v0  }
0x20: {  	[tilespmem:s23+$0x100E0] =	vst v0;
	s23 =	sshra.s32 s24, $0x2;
	s24 =	sadd.s32 $0x200, s24  }
0x21: {  	[tilespmem:s23+$0x100F0] =	vst v0  }
0x22: {  	[tilespmem:s23+$0x10080] =	vst v0  }
0x23: {  	[tilespmem:s23+$0x10090] =	vst v0  }
0x24: {  	[tilespmem:s23+$0x100A0] =	vst v0  }
0x25: {  	[tilespmem:s23+$0x100B0] =	vst v0  }
0x26: {  	[tilespmem:s23+$0x100C0] =	vst v0  }
0x27: {  	[tilespmem:s23+$0x100D0] =	vst v0  }
0x28: {  	[tilespmem:s23+$0x100E0] =	vst v0  }
0x29: {  	[spmem:s8] =	stream.linear.scatter [tilespmem:s17], [sflag:$0x1], $0x2800, $0x38;
	[tilespmem:$0x1C880] =	vst v63  }
0x2a: {  	_ =	swait.ge [sflag:s15], $0x2800  }
0x2b: {  	[sflag:s15] =	ssyncset.done $0x0  }
0x2c: {  	[sflag:s15] =	ssyncadd.s32 $0xFFFFD800  }
0x2d: {  	[spmem:s9] =	stream.linear.scatter [tilespmem:s17], [sflag:$0x1], $0x2800, $0x38;
	[tilespmem:$0x1C880] =	vst v63  }
0x2e: {  	_ =	swait.ge [sflag:s15], $0x2800  }
0x2f: {  	[sflag:s15] =	ssyncset.done $0x0  }
0x30: {  	[sflag:s15] =	ssyncadd.s32 $0xFFFFD800  }
0x31: {  	[spmem:s10] =	stream.linear.scatter [tilespmem:s17], [sflag:$0x1], $0x2800, $0x38;
	[tilespmem:$0x1C880] =	vst v63  }
0x32: {  	_ =	swait.ge [sflag:s15], $0x2800  }
0x33: {  	[sflag:s15] =	ssyncset.done $0x0  }
0x34: {  	[sflag:s15] =	ssyncadd.s32 $0xFFFFD800  }
0x35: {  	[spmem:s11] =	stream.linear.scatter [tilespmem:s17], [sflag:$0x1], $0x2800, $0x38;
	[tilespmem:$0x1C880] =	vst v63  }
0x36: {  	_ =	swait.ge [sflag:s15], $0x2800  }
0x37: {  	[sflag:s15] =	ssyncset.done $0x0  }
0x38: {  	[sflag:s15] =	ssyncadd.s32 $0xFFFFD800  }
0x39: {  	s23 =	simm.s32 $0x0;
	[bflag:$0x0] =	sbarrier.arrive $0xFFFF  }
.LBB2_4:
0x3a: {  	s25 =	sshll.u32 s23, $0x7  }
0x3b: {  	s24 =	smul.u32 $0x50, s23;
	v2 =	vld [tilespmem:s25+$0x8000];
	_ =	sdelay $0x1  }
0x3c: {  	s24 =	sadd.s32 s12, s24  }
0x3d: {  	v3 =	vmov s24  }
0x3e: {  	v3 =	vbroadcast v3, $0x0  }
0x3f: {  	v2 =	vshra.s32 v2, $0x1F  }
0x40: {  	v2 =	vor.u32 v2, v3  }
0x41: {  	v2 =	vor.u32 v1, v2  }
0x42: {  	[tilespmem:$0x10000] =	vst v2  }
0x43: {  	v2 =	vld [tilespmem:s25+$0x8010];
	_ =	sdelay $0x1  }
0x44: {  	s26 =	sadd.s32 $0x10, s24  }
0x45: {  	v3 =	vmov s26  }
0x46: {  	v3 =	vbroadcast v3, $0x0  }
0x47: {  	v2 =	vshra.s32 v2, $0x1F  }
0x48: {  	v2 =	vor.u32 v2, v3  }
0x49: {  	v2 =	vor.u32 v1, v2  }
0x4a: {  	[tilespmem:$0x10010] =	vst v2  }
0x4b: {  	v2 =	vld [tilespmem:s25+$0x8020];
	_ =	sdelay $0x1  }
0x4c: {  	s30 =	sadd.s32 $0x20, s24  }
0x4d: {  	v3 =	vmov s30  }
0x4e: {  	v3 =	vbroadcast v3, $0x0  }
0x4f: {  	v2 =	vshra.s32 v2, $0x1F  }
0x50: {  	v2 =	vor.u32 v2, v3  }
0x51: {  	v2 =	vor.u32 v1, v2  }
0x52: {  	[tilespmem:$0x10020] =	vst v2  }
0x53: {  	v2 =	vld [tilespmem:s25+$0x8030];
	_ =	sdelay $0x1  }
0x54: {  	s31 =	sadd.s32 $0x30, s24  }
0x55: {  	v3 =	vmov s31  }
0x56: {  	v3 =	vbroadcast v3, $0x0  }
0x57: {  	v2 =	vshra.s32 v2, $0x1F  }
0x58: {  	v2 =	vor.u32 v2, v3  }
0x59: {  	v2 =	vor.u32 v1, v2  }
0x5a: {  	[tilespmem:$0x10030] =	vst v2  }
0x5b: {  	v2 =	vld [tilespmem:s25+$0x8040];
	_ =	sdelay $0x1  }
0x5c: {  	s24 =	sadd.s32 $0x40, s24  }
0x5d: {  	v3 =	vmov s24  }
0x5e: {  	v3 =	vbroadcast v3, $0x0  }
0x5f: {  	v2 =	vshra.s32 v2, $0x1F  }
0x60: {  	v2 =	vor.u32 v2, v3  }
0x61: {  	v2 =	vor.u32 v1, v2  }
0x62: {  	[tilespmem:$0x10040] =	vst v2;
	(ifvalue) =	ssetifvalue $0xFFFFFFFF  }
0x63: {  	(ifvalue) =	ssetifvalue $0xFFFFFFFF  }
0x64: {  	[tilespmem:s17], [sflag:$0x1] =	stream.indirect.gather [hbm4b:s5+s18], $0x80, s19, s18, $0x40b8;
	[tilespmem:$0x1C880] =	vst v63  }
0x65: {  	_ =	swait.ge [sflag:s15], $0x2800  }
0x66: {  	[sflag:s15] =	ssyncset.done $0x0  }
0x67: {  	[sflag:s15] =	ssyncadd.s32 $0xFFFFD800;
	(ifvalue) =	ssetifvalue $0xFFFFFFFF  }
0x68: {  	[tilespmem:s17], [sflag:$0x1] =	stream.indirect.gather.add.f32 [hbm:s4], $0x80, s25, s18, $0x40b8;
	[tilespmem:$0x1C880] =	vst v63  }
0x69: {  	_ =	swait.ge [sflag:s15], $0x2800  }
0x6a: {  	[sflag:s15] =	ssyncset.done $0x0  }
0x6b: {  	s24 =	simm.s32 $0x0;
	[sflag:s15] =	ssyncadd.s32 $0xFFFFD800  }
0x6c: {  	v4 =	vld [tilespmem:s24+$0x10080]  }
0x6d: {  	v6 =	vld [tilespmem:s24+$0x10090]  }
0x6e: {  	v5 =	vld [tilespmem:s24+$0x100A0]  }
0x6f: {  	v3 =	vld [tilespmem:s24+$0x100B0]  }
0x70: {  	v2 =	vld [tilespmem:s24+$0x100C0]  }
0x71: {  	v7 =	vmax.f32 v4, $0.0e+00;
	v4 =	vld [tilespmem:s24+$0x100D0]  }
0x72: {  	s26 =	simm.s32 $0x200;
	s25 =	sadd.s32 $0x8000, s25;
	[tilespmem:s24+$0x10080] =	vst v7;
	v7 =	vmax.f32 v6, $0.0e+00;
	v6 =	vld [tilespmem:s24+$0x100E0]  }
.LBB2_5:
0x73: {  	s28 =	sshra.s32 s26, $0x2;
	p0 =	sne.s32 s26, $0x9E00;
	[tilespmem:s24+$0x10090] =	vst v7;
	v5 =	vmax.f32 v5, $0.0e+00;
	v7 =	vld [tilespmem:s24+$0x100F0]  }
0x74: {  	v8 =	vld [tilespmem:s28+$0x10080];
	[tilespmem:s24+$0x100A0] =	vst v5;
	v3 =	vmax.f32 v3, $0.0e+00  }
0x75: {  	v9 =	vld [tilespmem:s28+$0x10090];
	[tilespmem:s24+$0x100B0] =	vst v3;
	v2 =	vmax.f32 v2, $0.0e+00  }
.Ltmp1:
0x76: {  	v5 =	vld [tilespmem:s28+$0x100A0];
	[tilespmem:s24+$0x100C0] =	vst v2;
	v2 =	vmax.f32 v4, $0.0e+00;
	(pc) =	sbr.rel @p0 .LBB2_5-.Ltmp1, $4  }
0x77: {  	v3 =	vld [tilespmem:s28+$0x100B0];
	[tilespmem:s24+$0x100D0] =	vst v2;
	v4 =	vmax.f32 v6, $0.0e+00  }
0x78: {  	v2 =	vld [tilespmem:s28+$0x100C0];
	[tilespmem:s24+$0x100E0] =	vst v4;
	v6 =	vmax.f32 v7, $0.0e+00  }
0x79: {  	v7 =	vmax.f32 v8, $0.0e+00;
	v4 =	vld [tilespmem:s28+$0x100D0];
	[tilespmem:s24+$0x100F0] =	vst v6;
	s24 =	smov.u32 s28  }
0x7a: {  	s26 =	sadd.s32 $0x200, s26;
	[tilespmem:s24+$0x10080] =	vst v7;
	v7 =	vmax.f32 v9, $0.0e+00;
	v6 =	vld [tilespmem:s24+$0x100E0]  }
0x7b: {  	[tilespmem:s24+$0x10090] =	vst v7;
	v5 =	vmax.f32 v5, $0.0e+00;
	v63 =	vld [tilespmem:s24+$0x100F0]  }
0x7c: {  	[tilespmem:s24+$0x100A0] =	vst v5;
	v3 =	vmax.f32 v3, $0.0e+00  }
0x7d: {  	[tilespmem:s24+$0x100B0] =	vst v3;
	v2 =	vmax.f32 v2, $0.0e+00  }
0x7e: {  	[tilespmem:s24+$0x100C0] =	vst v2;
	v2 =	vmax.f32 v4, $0.0e+00  }
0x7f: {  	s23 =	sadd.s32 $0x1, s23;
	[tilespmem:s24+$0x100D0] =	vst v2;
	v2 =	vmax.f32 v6, $0.0e+00  }
0x80: {  	p0 =	sne.s32 s23, $0xFA;
	[tilespmem:s24+$0x100E0] =	vst v2;
	v2 =	vmax.f32 v63, $0.0e+00  }
.Ltmp2:
0x81: {  	[tilespmem:s24+$0x100F0] =	vst v2;
	(ifvalue) =	ssetifvalue $0xFFFFFFFF;
	(pc) =	sbr.rel @p0 .LBB2_4-.Ltmp2, $4  }
0x82: {  	[spmem:s1] =	stream.indirect.scatter.add.f32 [tilespmem:s17], [sflag:$0x1], $0x80, s25, s18, $0x40b8;
	[tilespmem:$0x1C880] =	vst v63  }
0x83: {  	_ =	swait.ge [sflag:s15], $0x2800  }
0x84: {  	[sflag:s15] =	ssyncset.done $0x0  }
0x85: {  	[sflag:s15] =	ssyncadd.s32 $0xFFFFD800  }
0x86: {  	s22 =	sadd.s32 $0x1, s22  }
0x87: {  	p0 =	sne.s32 s22, s14  }
.Ltmp3:
0x88: {  	[bflag:$0x0] =	sbarrier.arrive $0xFFFF;
	(pc) =	sbr.rel @p0 .LBB2_1-.Ltmp3, $4  }
0x89: {  	[hbm:s13], [sflag:s20] =	dma.local [spmem:s21], $0x1400  }
0x8a: {  	_ =	swait.ge [sflag:s15], $0x1400  }
0x8b: {  	[sflag:s15] =	ssyncset.done $0x0  }
0x8c: {  	[sflag:s15] =	ssyncadd.s32 $0xFFFFEC00  }
0x8d: {  	_ =	sfence.sel $0x180000  }
0x8e: {  	[bflag:$0x0] =	sbarrier.arrive $0xFFFF  }
0x8f: {  	p0 =	sne.s32 s3, $0x0;
	_ =	strace $0x9000004A  }
0x90: {  	s0 =	sadd.s32 @!p0 $0x100000, s0;
	[bflag:$0x2] =	sbarrier.arrive $0xFFFF  }
0x91: {  	[sflag:s0] =	ssyncadd.tile.s32 @!p0 $0x1;
	_ =	shalt  }
.Lfunc_end2:
_tile_overlayer_lowered:
.L_overlay_start_2:
0x92: {  	(tag) =	ssettag $0x2  }
0x93: {  	s0 =	rddreg [dreg:$0x0];
	s2 =	stileid.u32  }
0x94: {  	s1 =	rddreg [dreg:$0x1];
	p0 =	sne.s32 s2, $0x0  }
0x95: {  	s3 =	rddreg [dreg:$0x2];
	[bflag:$0x3] =	sbarrier.arrive $0xFFFF;
	s2 =	simm.s32 @!p0 $0x1C01  }
0x96: {  	[timem:s3], [sflag:s2] =	dma.local @!p0 [hbm:s0], s1  }
0x97: {  	s0 =	simm.s32 @!p0 $0x1  }
0x98: {  	_ =	swait.ge @!p0 [sflag:s0], s1  }
0x99: {  	s1 =	ssub.s32 @!p0 $0x0, s1;
	[sflag:s0] =	ssyncset.done @!p0 $0x0  }
0x9a: {  	[sflag:s0] =	ssyncadd.s32 @!p0 s1  }
0x9b: {  	[bflag:$0x3] =	sbarrier.arrive $0xFFFF  }
0x9c: {  	_ =	shalt  }

// kernel: kernel.17.cloned.1.call-start
scs
__scs_entry_jumppad:
0x0: {  	(pc) =	sbr.rel $0x88, $3  }
0x1: {  	(tag) =	ssettag $0x0;
	lr =	simm.s32 $0x1  }
0x2: {  	[smem:$0x3F96] =	sst lr;
	_ =	strace $0xD0000000  }
0x3: {  	_ = 	snop  }
0x4: {  	_ = 	snop  }
0x5: {  	_ = 	snop  }
0x6: {  	_ = 	snop  }
0x7: {  	_ = 	snop  }
__scs_overlays_trampoline_lowered:
0x8: {  	[smem:$0x3FA5] =	sst s0  }
0x9: {  	[smem:$0x3FA6] =	sst s1  }
0xa: {  	[smem:$0x3FA7] =	sst s2  }
0xb: {  	[smem:$0x3FA8] =	sst s3  }
0xc: {  	[smem:$0x3FA9] =	sst s4  }
0xd: {  	[smem:$0x3FAA] =	sst s5  }
0xe: {  	[smem:$0x3FAB] =	sst s6  }
0xf: {  	[smem:$0x3FAC] =	sst s7  }
0x10: {  	[smem:$0x3FAD] =	sst s8  }
0x11: {  	[smem:$0x3FAE] =	sst s9;
	s0 =	simm.s32 @!p0 $0x0  }
0x12: {  	s1 =	sld [smem:$0x3F94];
	s0 =	simm.s32 @p0 $0x1  }
0x13: {  	[smem:$0x3FAF] =	sst s0;
	s0 =	simm.s32 @!p1 $0x0  }
0x14: {  	s2 =	sld [smem:$0x3F93];
	s0 =	simm.s32 @p1 $0x1  }
0x15: {  	[smem:$0x3FB0] =	sst s0;
	s0 =	simm.s32 @!p2 $0x0  }
0x16: {  	s3 =	sld [smem:$0x3FDB];
	s0 =	simm.s32 @p2 $0x1  }
0x17: {  	s4 =	simm.s32 $0x1BF5;
	[smem:$0x3FB2] =	sst s0  }
0x18: {  	s0 =	sld [smem:$0x3F95];
	_ =	swait.ge [sflag:s4], $0x0  }
0x19: {  	s7 =	sld [smem:$0x3F96]  }
0x1a: {  	s8 =	sadd.s32 $0xFFFFE003, lr  }
0x1b: {  	s9 =	sadd.s32 $0xFFFFFEF7, lr;
	s5 =	simm.s32 $0xFFFFFFFF;
	p2 =	slt.u32 s8, $0xFFFFF086  }
0x1c: {  	p1 =	slt.u32 s9, $0xF7A;
	s5 =	simm.s32 @!p2 $0x0  }
0x1d: {  	s5 =	simm.s32 @p1 $0x1;
	p0 =	seq.s32 s7, s2  }
0x1e: {  	s7 =	smul.u32 @!p0 $0xF7A, s2;
	p2 =	seq.s32 @!p0 s5, $0x0  }
0x1f: {  	s9 =	smul.u32 $0xF7A, s1;
	s8 =	simm.s32 @!p0 $0x1BF5;
	p2 =	por !p2, p0  }
0x20: {  	[sflag:s8] =	ssyncset.s32 @!p0 $0xFFFFF086;
	s6 =	sadd.s32 @!p0 s3, s7;
	s7 =	simm.s32 @!p0 $0x108  }
0x21: {  	s3 =	sadd.s32 s3, s9;
	s6 =	sadd.s32 @!p0 $0x88, s6;
	s7 =	simm.s32 @p2 $0x1082  }
0x22: {  	[simem:s7], [sflag:s8] =	dma.local @!p0 [hbm:s6], $0xF7A  }
0x23: {  	s9 =	sor.u32 $0xD0000000, s2;
	s6 =	simm.s32 $0x108;
	_ =	swait.ge @!p0 [sflag:s8], $0x0  }
0x24: {  	s3 =	sadd.s32 $0x88, s3;
	s6 =	simm.s32 @!p1 $0x1082;
	[sflag:s4] =	ssyncset.s32 $0xFFFFF086  }
0x25: {  	[simem:s6], [sflag:s4] =	dma.local [hbm:s3], $0xF7A  }
0x26: {  	[smem:$0x3F96] =	sst s1;
	(tag) =	ssettag s2;
	_ =	strace s9  }
0x27: {  	s1 =	sld [smem:$0x3FA6]  }
0x28: {  	s2 =	sld [smem:$0x3FA7]  }
0x29: {  	s4 =	sld [smem:$0x3FA9]  }
0x2a: {  	p0 =	seq.s32 s5, $0x0;
	s5 =	sld [smem:$0x3FAA]  }
0x2b: {  	s6 =	sld [smem:$0x3FAB]  }
0x2c: {  	s7 =	sld [smem:$0x3FAC]  }
0x2d: {  	s3 =	simm.s32 $0x108;
	s8 =	sld [smem:$0x3FAD]  }
0x2e: {  	s3 =	simm.s32 @!p0 $0x1082;
	s9 =	sld [smem:$0x3FAE]  }
0x2f: {  	lr =	sadd.s32 s0, s3;
	s0 =	sld [smem:$0x3FA5]  }
0x30: {  	s3 =	sld [smem:$0x3FA8]  }
0x31: {  	[smem:$0x3FB1] =	sst s10  }
0x32: {  	s10 =	sld [smem:$0x3FAF];
	_ =	sdelay $0x3  }
0x33: {  	p0 =	seq.s32 s10, $0x1;
	s10 =	sld [smem:$0x3FB1];
	_ =	sdelay $0x3  }
0x34: {  	[smem:$0x3FB1] =	sst s10  }
0x35: {  	s10 =	sld [smem:$0x3FB0];
	_ =	sdelay $0x3  }
0x36: {  	p1 =	seq.s32 s10, $0x1;
	s10 =	sld [smem:$0x3FB1];
	_ =	sdelay $0x3  }
0x37: {  	[smem:$0x3FB1] =	sst s10  }
0x38: {  	s10 =	sld [smem:$0x3FB2]  }
0x39: {  	_ = 	snop;
	(pc) =	sbr.ind lr, $3  }
0x3a: {  	_ = 	snop  }
0x3b: {  	_ = 	snop  }
0x3c: {  	p2 =	seq.s32 s10, $0x1;
	s10 =	sld [smem:$0x3FB1]  }
0x3d: {  	_ =	shalt  }
0x3e: {  	_ =	shalt  }
0x3f: {  	_ =	shalt  }
0x40: {  	_ =	shalt  }
0x41: {  	_ =	shalt  }
0x42: {  	_ =	shalt  }
0x43: {  	_ =	shalt  }
0x44: {  	_ =	shalt  }
0x45: {  	_ =	shalt  }
0x46: {  	_ =	shalt  }
0x47: {  	_ =	shalt  }
0x48: {  	_ =	shalt  }
0x49: {  	_ =	shalt  }
0x4a: {  	_ =	shalt  }
0x4b: {  	_ =	shalt  }
0x4c: {  	_ =	shalt  }
0x4d: {  	_ =	shalt  }
0x4e: {  	_ =	shalt  }
0x4f: {  	_ =	shalt  }
0x50: {  	_ =	shalt  }
0x51: {  	_ =	shalt  }
0x52: {  	_ =	shalt  }
0x53: {  	_ =	shalt  }
0x54: {  	_ =	shalt  }
0x55: {  	_ =	shalt  }
0x56: {  	_ =	shalt  }
0x57: {  	_ =	shalt  }
0x58: {  	_ =	shalt  }
0x59: {  	_ =	shalt  }
0x5a: {  	_ =	shalt  }
0x5b: {  	_ =	shalt  }
0x5c: {  	_ =	shalt  }
0x5d: {  	_ =	shalt  }
0x5e: {  	_ =	shalt  }
0x5f: {  	_ =	shalt  }
0x60: {  	_ =	shalt  }
0x61: {  	_ =	shalt  }
0x62: {  	_ =	shalt  }
0x63: {  	_ =	shalt  }
0x64: {  	_ =	shalt  }
0x65: {  	_ =	shalt  }
0x66: {  	_ =	shalt  }
0x67: {  	_ =	shalt  }
0x68: {  	_ =	shalt  }
0x69: {  	_ =	shalt  }
0x6a: {  	_ =	shalt  }
0x6b: {  	_ =	shalt  }
0x6c: {  	_ =	shalt  }
0x6d: {  	_ =	shalt  }
0x6e: {  	_ =	shalt  }
0x6f: {  	_ =	shalt  }
0x70: {  	_ =	shalt  }
0x71: {  	_ =	shalt  }
0x72: {  	_ =	shalt  }
0x73: {  	_ =	shalt  }
0x74: {  	_ =	shalt  }
0x75: {  	_ =	shalt  }
0x76: {  	_ =	shalt  }
0x77: {  	_ =	shalt  }
0x78: {  	_ =	shalt  }
0x79: {  	_ =	shalt  }
0x7a: {  	_ =	shalt  }
0x7b: {  	_ =	shalt  }
0x7c: {  	_ =	shalt  }
0x7d: {  	_ =	shalt  }
0x7e: {  	_ =	shalt  }
0x7f: {  	_ =	shalt  }
0x80: {  	_ =	shalt  }
0x81: {  	_ =	shalt  }
0x82: {  	_ =	shalt  }
0x83: {  	_ =	shalt  }
0x84: {  	_ =	shalt  }
0x85: {  	_ =	shalt  }
0x86: {  	_ =	shalt  }
0x87: {  	_ =	shalt  }
.Lfunc_end0:
.L_simem_size_0:
called_computation.2_lowered:
.L_overlay_start_0:
0x88: {  	s2 =	sld [smem:$0x3FD9]  }
0x89: {  	s3 =	sld [smem:$0x3FFE];
	_ =	sdelay $0x1  }
0x8a: {  	s1 =	srdreg.scid  }
0x8b: {  	s0 =	sand.u32 $0x1, s1  }
0x8c: {  	s16 =	sshll.u32 s0, $0xA;
	s2 =	sadd.s32 s3, s2  }
0x8d: {  	s2 =	sadd.s32 s2, s16  }
0x8e: {  	[smem:$0x3FBD] =	sst s2  }
0x8f: {  	_ = 	snop  }
0x90: {  	(tm) =	ssettm $0x1  }
0x91: {  	s17 =	sld [smem:$0x3FFB];
	_ =	sdelay $0x3  }
0x92: {  	_ =	strace s17  }
0x93: {  	s2 =	sld [smem:$0x3FFC];
	_ =	sdelay $0x3  }
0x94: {  	_ =	strace s2  }
0x95: {  	s2 =	sld [smem:$0x3FFD];
	_ =	sdelay $0x3  }
0x96: {  	_ =	strace s2  }
0x97: {  	_ =	strace $0x8FFFFFFF  }
0x98: {  	s18 =	sld [smem:$0x3FDB];
	_ =	sdelay $0x1  }
0x99: {  	s19 =	simm.s32 $_scs_section_size  }
0x9a: {  	s4 =	simm.s32 $_size__tile_overlayer_lowered;
	s5 =	simm.s32 $_tile_overlayer_lowered  }
0x9b: {  	s22 =	simm.s32 $0x1BFF;
	s21 =	sshll.u32 s5, $0x1;
	s2 =	sadd.s32 s19, s18  }
0x9c: {  	s6 =	simm.s32 $0x0;
	s20 =	sshll.u32 s4, $0x1;
	s4 =	sadd.s32 s21, s2  }
0x9d: {  	[timem:s6], [sflag:s22] =	dma.local [hbm:s4], s20  }
0x9e: {  	_ =	swait.ge [sflag:s22], s20  }
0x9f: {  	s3 =	ssub.s32 $0x0, s20;
	[sflag:s22] =	ssyncset.done $0x0  }
0xa0: {  	[sflag:s22] =	ssyncadd.s32 s3;
	_ =	sdelay $0x1  }
0xa1: {  	s23 =	simm.s32 $0x1B8B  }
0xa2: {  	_ =	swait.ge [sflag:s23], $0x1  }
0xa3: {  	[sflag:s23] =	ssyncset.done $0x0  }
0xa4: {  	s25 =	simm.s32 $0x1B8E;
	s24 =	sld [smem:$0x3FFE];
	[sflag:s23] =	ssyncadd.s32 $0xFFFFFFFF  }
0xa5: {  	s26 =	simm.s32 $execute0_lowered;
	[smem:$0x3FD2] =	sst s25  }
0xa6: {  	s4 =	sshll.u32 s26, $0x1;
	_ =	strace $0x8000004C;
	[dreg:$0x1] =	wrdreg $0xFFFFFFFF  }
0xa7: {  	s28 =	simm.s32 $_size_execute0_lowered;
	s2 =	sadd.s32 s2, s4;
	[dreg:$0x0] =	wrdreg $0x0  }
0xa8: {  	s4 =	sshll.u32 s28, $0x1;
	[dreg:$0x2] =	wrdreg s2  }
0xa9: {  	[dreg:$0x3] =	wrdreg s4  }
0xaa: {  	[dreg:$0x4] =	wrdreg $0xC0  }
0xab: {  	_ =	task [dreg:s6], $0x5FFFF  }
0xac: {  	[dreg:$0x1] =	wrdreg $0xFFFFFFFF  }
0xad: {  	[dreg:$0x0] =	wrdreg $0x60  }
0xae: {  	[dreg:$0x2] =	wrdreg s24  }
0xaf: {  	[dreg:$0x3] =	wrdreg $0x128800  }
0xb0: {  	[dreg:$0x4] =	wrdreg $0x9  }
0xb1: {  	_ =	task.clear_ibuf [dreg:s6], $0x5FFFF;
	_ =	strace $0x9000004C  }
0xb2: {  	s29 =	simm.s32 $0x9;
	_ =	strace $0x8000004E  }
0xb3: {  	_ =	swait.ge [sflag:s29], $0x1  }
0xb4: {  	[sflag:s29] =	ssyncadd.s32 $0xFFFFFFFF  }
0xb5: {  	_ =	strace $0x9000004E  }
0xb6: {  	_ =	sfence  }
0xb7: {  	s30 =	sld [smem:$0x0];
	_ =	sdelay $0x2  }
0xb8: {  	s31 =	sshll.u32 s1, $0xD;
	s1 =	sshrl.u32 s1, $0x2  }
0xb9: {  	s3 =	sand.u32 $0x4000, s31;
	s1 =	sadd.s32 s1, s30  }
0xba: {  	s0 =	sor.u32 s3, s0;
	s1 =	sshll.u32 s1, $0x11  }
0xbb: {  	s0 =	sor.u32 s1, s0  }
0xbc: {  	s0 =	sadd.s32 $0x8F2B, s0  }
0xbd: {  	[sflag:s0] =	ssyncadd.remote.s32 $0x1  }
0xbe: {  	_ =	sfence.sel $0xFFFF  }
0xbf: {  	[dreg:$0x0] =	wrdreg $0xFFFFFFFF;
	(pc) =	sbr.abs _section_cstart, $3  }
0xc0: {  	[dreg:$0x1] =	wrdreg $0xFFFFFFFF  }
0xc1: {  	_ =	task.clear_ibuf [dreg:s6], $0x2FFFF;
	_ =	strace $0x9FFFFFFF  }
0xc2: {  	(tm) =	ssettm $0x7FFFFFFF  }
0xc3: {  	_ =	shalt  }
tec
execute0_lowered:
.L_overlay_start_1:
0x0: {  	(tag) =	ssettag $0x1  }
0x1: {  	s6 =	rddreg [dreg:$0x0]  }
0x2: {  	s1 =	rddreg [dreg:$0x1]  }
0x3: {  	s0 =	rddreg [dreg:$0x2]  }
0x4: {  	s2 =	simm.s32 $0x0;
	s7 =	srdreg.scid;
	s3 =	stileid.u32  }
0x5: {  	s15 =	simm.s32 $0x1;
	s16 =	simm.s32 $0x8000;
	s17 =	simm.s32 $0x10080  }
0x6: {  	s18 =	simm.s32 $0x50;
	s19 =	simm.s32 $0x10000;
	s22 =	simm.s32 $0x0  }
0x7: {  	[smem:$0x7FF] =	sst s2;
	s4 =	sadd.s32 $0x4E00, s6;
	s8 =	smul.u32 $0x1400, s3  }
0x8: {  	s5 =	sadd.s32 $0x526E00, s6;
	s7 =	sand.u32 $0x1, s7;
	s29 =	smul.u32 $0x28000, s3  }
0x9: {  	s10 =	sshll.u32 s3, $0xC;
	s12 =	smul.u32 $0x4E20, s3;
	s20 =	sshll.u32 s3, $0x6  }
0xa: {  	_ =	strace $0x8000004D;
	s9 =	sshll.u32 s7, $0x10;
	s11 =	smul.u32 $0x14000, s7  }
0xb: {  	s7 =	ssub.s32 $0x2, s7;
	s20 =	sor.u32 $0x1C01, s20;
	s9 =	sor.u32 s10, s9  }
0xc: {  	s30 =	sshrl.u32 s7, $0x1;
	s31 =	sshrl.u32 s29, $0x2;
	s8 =	sadd.s32 s8, s11  }
0xd: {  	s9 =	sadd.s32 s9, s6;
	s14 =	ssub.s32 s7, s30;
	s13 =	sadd.s32 s8, s6  }
0xe: {  	s6 =	sadd.s32 $0x4E6E00, s9;
	s7 =	sadd.s32 $0x506E00, s9;
	s8 =	sadd.s32 s31, s1  }
0xf: {  	s14 =	smax.u32 s14, $0x1;
	s9 =	sadd.s32 $0x2800, s8;
	s10 =	sadd.s32 $0x5000, s8  }
0x10: {  	v0 =	vimm.f32 $0.0e+00;
	v1 =	vlaneseq.u32;
	s11 =	sadd.s32 $0x7800, s8;
	s13 =	sadd.s32 $0x2CE00, s13;
	s21 =	sshrl.u32 s8, $0x3  }
.LBB2_1:
0x11: {  	[tilespmem:s2], [sflag:$0x1] =	stream.linear.gather [hbm4b:s6+s2], $0x7D00, $0x38;
	[tilespmem:$0x1C880] =	vst v63  }
0x12: {  	_ =	swait.ge [sflag:s15], $0x7D00  }
0x13: {  	[sflag:s15] =	ssyncset.done $0x0  }
0x14: {  	[sflag:s15] =	ssyncadd.s32 $0xFFFF8300  }
0x15: {  	[tilespmem:s16], [sflag:$0x1] =	stream.linear.gather [hbm4b:s7+s2], $0x7D00, $0x38;
	[tilespmem:$0x1C880] =	vst v63  }
0x16: {  	_ =	swait.ge [sflag:s15], $0x7D00  }
0x17: {  	[sflag:s15] =	ssyncset.done $0x0  }
0x18: {  	s23 =	simm.s32 $0x0;
	s24 =	simm.s32 $0x200;
	[sflag:s15] =	ssyncadd.s32 $0xFFFF8300  }
.LBB2_2:
0x19: {  	p0 =	sne.s32 s24, $0x9E00;
	[tilespmem:s23+$0x100F0] =	vst v0  }
0x1a: {  	[tilespmem:s23+$0x10080] =	vst v0  }
0x1b: {  	[tilespmem:s23+$0x10090] =	vst v0  }
.Ltmp0:
0x1c: {  	[tilespmem:s23+$0x100A0] =	vst v0;
	(pc) =	sbr.rel @p0 .LBB2_2-.Ltmp0, $4  }
0x1d: {  	[tilespmem:s23+$0x100B0] =	vst v0  }
0x1e: {  	[tilespmem:s23+$0x100C0] =	vst v0  }
0x1f: {  	[tilespmem:s23+$0x100D0] =	vst v0  }
0x20: {  	[tilespmem:s23+$0x100E0] =	vst v0;
	s23 =	sshra.s32 s24, $0x2;
	s24 =	sadd.s32 $0x200, s24  }
0x21: {  	[tilespmem:s23+$0x100F0] =	vst v0  }
0x22: {  	[tilespmem:s23+$0x10080] =	vst v0  }
0x23: {  	[tilespmem:s23+$0x10090] =	vst v0  }
0x24: {  	[tilespmem:s23+$0x100A0] =	vst v0  }
0x25: {  	[tilespmem:s23+$0x100B0] =	vst v0  }
0x26: {  	[tilespmem:s23+$0x100C0] =	vst v0  }
0x27: {  	[tilespmem:s23+$0x100D0] =	vst v0  }
0x28: {  	[tilespmem:s23+$0x100E0] =	vst v0  }
0x29: {  	[spmem:s8] =	stream.linear.scatter [tilespmem:s17], [sflag:$0x1], $0x2800, $0x38;
	[tilespmem:$0x1C880] =	vst v63  }
0x2a: {  	_ =	swait.ge [sflag:s15], $0x2800  }
0x2b: {  	[sflag:s15] =	ssyncset.done $0x0  }
0x2c: {  	[sflag:s15] =	ssyncadd.s32 $0xFFFFD800  }
0x2d: {  	[spmem:s9] =	stream.linear.scatter [tilespmem:s17], [sflag:$0x1], $0x2800, $0x38;
	[tilespmem:$0x1C880] =	vst v63  }
0x2e: {  	_ =	swait.ge [sflag:s15], $0x2800  }
0x2f: {  	[sflag:s15] =	ssyncset.done $0x0  }
0x30: {  	[sflag:s15] =	ssyncadd.s32 $0xFFFFD800  }
0x31: {  	[spmem:s10] =	stream.linear.scatter [tilespmem:s17], [sflag:$0x1], $0x2800, $0x38;
	[tilespmem:$0x1C880] =	vst v63  }
0x32: {  	_ =	swait.ge [sflag:s15], $0x2800  }
0x33: {  	[sflag:s15] =	ssyncset.done $0x0  }
0x34: {  	[sflag:s15] =	ssyncadd.s32 $0xFFFFD800  }
0x35: {  	[spmem:s11] =	stream.linear.scatter [tilespmem:s17], [sflag:$0x1], $0x2800, $0x38;
	[tilespmem:$0x1C880] =	vst v63  }
0x36: {  	_ =	swait.ge [sflag:s15], $0x2800  }
0x37: {  	[sflag:s15] =	ssyncset.done $0x0  }
0x38: {  	[sflag:s15] =	ssyncadd.s32 $0xFFFFD800  }
0x39: {  	s23 =	simm.s32 $0x0;
	[bflag:$0x0] =	sbarrier.arrive $0xFFFF  }
.LBB2_4:
0x3a: {  	s25 =	sshll.u32 s23, $0x7  }
0x3b: {  	s24 =	smul.u32 $0x50, s23;
	v2 =	vld [tilespmem:s25+$0x8000];
	_ =	sdelay $0x1  }
0x3c: {  	s24 =	sadd.s32 s12, s24  }
0x3d: {  	v3 =	vmov s24  }
0x3e: {  	v3 =	vbroadcast v3, $0x0  }
0x3f: {  	v2 =	vshra.s32 v2, $0x1F  }
0x40: {  	v2 =	vor.u32 v2, v3  }
0x41: {  	v2 =	vor.u32 v1, v2  }
0x42: {  	[tilespmem:$0x10000] =	vst v2  }
0x43: {  	v2 =	vld [tilespmem:s25+$0x8010];
	_ =	sdelay $0x1  }
0x44: {  	s26 =	sadd.s32 $0x10, s24  }
0x45: {  	v3 =	vmov s26  }
0x46: {  	v3 =	vbroadcast v3, $0x0  }
0x47: {  	v2 =	vshra.s32 v2, $0x1F  }
0x48: {  	v2 =	vor.u32 v2, v3  }
0x49: {  	v2 =	vor.u32 v1, v2  }
0x4a: {  	[tilespmem:$0x10010] =	vst v2  }
0x4b: {  	v2 =	vld [tilespmem:s25+$0x8020];
	_ =	sdelay $0x1  }
0x4c: {  	s30 =	sadd.s32 $0x20, s24  }
0x4d: {  	v3 =	vmov s30  }
0x4e: {  	v3 =	vbroadcast v3, $0x0  }
0x4f: {  	v2 =	vshra.s32 v2, $0x1F  }
0x50: {  	v2 =	vor.u32 v2, v3  }
0x51: {  	v2 =	vor.u32 v1, v2  }
0x52: {  	[tilespmem:$0x10020] =	vst v2  }
0x53: {  	v2 =	vld [tilespmem:s25+$0x8030];
	_ =	sdelay $0x1  }
0x54: {  	s31 =	sadd.s32 $0x30, s24  }
0x55: {  	v3 =	vmov s31  }
0x56: {  	v3 =	vbroadcast v3, $0x0  }
0x57: {  	v2 =	vshra.s32 v2, $0x1F  }
0x58: {  	v2 =	vor.u32 v2, v3  }
0x59: {  	v2 =	vor.u32 v1, v2  }
0x5a: {  	[tilespmem:$0x10030] =	vst v2  }
0x5b: {  	v2 =	vld [tilespmem:s25+$0x8040];
	_ =	sdelay $0x1  }
0x5c: {  	s24 =	sadd.s32 $0x40, s24  }
0x5d: {  	v3 =	vmov s24  }
0x5e: {  	v3 =	vbroadcast v3, $0x0  }
0x5f: {  	v2 =	vshra.s32 v2, $0x1F  }
0x60: {  	v2 =	vor.u32 v2, v3  }
0x61: {  	v2 =	vor.u32 v1, v2  }
0x62: {  	[tilespmem:$0x10040] =	vst v2;
	(ifvalue) =	ssetifvalue $0xFFFFFFFF  }
0x63: {  	(ifvalue) =	ssetifvalue $0xFFFFFFFF  }
0x64: {  	[tilespmem:s17], [sflag:$0x1] =	stream.indirect.gather [hbm4b:s5+s18], $0x80, s19, s18, $0x40b8;
	[tilespmem:$0x1C880] =	vst v63  }
0x65: {  	_ =	swait.ge [sflag:s15], $0x2800  }
0x66: {  	[sflag:s15] =	ssyncset.done $0x0  }
0x67: {  	[sflag:s15] =	ssyncadd.s32 $0xFFFFD800;
	(ifvalue) =	ssetifvalue $0xFFFFFFFF  }
0x68: {  	[tilespmem:s17], [sflag:$0x1] =	stream.indirect.gather.add.f32 [hbm:s4], $0x80, s25, s18, $0x40b8;
	[tilespmem:$0x1C880] =	vst v63  }
0x69: {  	_ =	swait.ge [sflag:s15], $0x2800  }
0x6a: {  	[sflag:s15] =	ssyncset.done $0x0  }
0x6b: {  	s24 =	simm.s32 $0x0;
	[sflag:s15] =	ssyncadd.s32 $0xFFFFD800  }
0x6c: {  	v4 =	vld [tilespmem:s24+$0x10080]  }
0x6d: {  	v6 =	vld [tilespmem:s24+$0x10090]  }
0x6e: {  	v5 =	vld [tilespmem:s24+$0x100A0]  }
0x6f: {  	v3 =	vld [tilespmem:s24+$0x100B0]  }
0x70: {  	v2 =	vld [tilespmem:s24+$0x100C0]  }
0x71: {  	v7 =	vmax.f32 v4, $0.0e+00;
	v4 =	vld [tilespmem:s24+$0x100D0]  }
0x72: {  	s26 =	simm.s32 $0x200;
	s25 =	sadd.s32 $0x8000, s25;
	[tilespmem:s24+$0x10080] =	vst v7;
	v7 =	vmax.f32 v6, $0.0e+00;
	v6 =	vld [tilespmem:s24+$0x100E0]  }
.LBB2_5:
0x73: {  	s28 =	sshra.s32 s26, $0x2;
	p0 =	sne.s32 s26, $0x9E00;
	[tilespmem:s24+$0x10090] =	vst v7;
	v5 =	vmax.f32 v5, $0.0e+00;
	v7 =	vld [tilespmem:s24+$0x100F0]  }
0x74: {  	v8 =	vld [tilespmem:s28+$0x10080];
	[tilespmem:s24+$0x100A0] =	vst v5;
	v3 =	vmax.f32 v3, $0.0e+00  }
0x75: {  	v9 =	vld [tilespmem:s28+$0x10090];
	[tilespmem:s24+$0x100B0] =	vst v3;
	v2 =	vmax.f32 v2, $0.0e+00  }
.Ltmp1:
0x76: {  	v5 =	vld [tilespmem:s28+$0x100A0];
	[tilespmem:s24+$0x100C0] =	vst v2;
	v2 =	vmax.f32 v4, $0.0e+00;
	(pc) =	sbr.rel @p0 .LBB2_5-.Ltmp1, $4  }
0x77: {  	v3 =	vld [tilespmem:s28+$0x100B0];
	[tilespmem:s24+$0x100D0] =	vst v2;
	v4 =	vmax.f32 v6, $0.0e+00  }
0x78: {  	v2 =	vld [tilespmem:s28+$0x100C0];
	[tilespmem:s24+$0x100E0] =	vst v4;
	v6 =	vmax.f32 v7, $0.0e+00  }
0x79: {  	v7 =	vmax.f32 v8, $0.0e+00;
	v4 =	vld [tilespmem:s28+$0x100D0];
	[tilespmem:s24+$0x100F0] =	vst v6;
	s24 =	smov.u32 s28  }
0x7a: {  	s26 =	sadd.s32 $0x200, s26;
	[tilespmem:s24+$0x10080] =	vst v7;
	v7 =	vmax.f32 v9, $0.0e+00;
	v6 =	vld [tilespmem:s24+$0x100E0]  }
0x7b: {  	[tilespmem:s24+$0x10090] =	vst v7;
	v5 =	vmax.f32 v5, $0.0e+00;
	v63 =	vld [tilespmem:s24+$0x100F0]  }
0x7c: {  	[tilespmem:s24+$0x100A0] =	vst v5;
	v3 =	vmax.f32 v3, $0.0e+00  }
0x7d: {  	[tilespmem:s24+$0x100B0] =	vst v3;
	v2 =	vmax.f32 v2, $0.0e+00  }
0x7e: {  	[tilespmem:s24+$0x100C0] =	vst v2;
	v2 =	vmax.f32 v4, $0.0e+00  }
0x7f: {  	s23 =	sadd.s32 $0x1, s23;
	[tilespmem:s24+$0x100D0] =	vst v2;
	v2 =	vmax.f32 v6, $0.0e+00  }
0x80: {  	p0 =	sne.s32 s23, $0xFA;
	[tilespmem:s24+$0x100E0] =	vst v2;
	v2 =	vmax.f32 v63, $0.0e+00  }
.Ltmp2:
0x81: {  	[tilespmem:s24+$0x100F0] =	vst v2;
	(ifvalue) =	ssetifvalue $0xFFFFFFFF;
	(pc) =	sbr.rel @p0 .LBB2_4-.Ltmp2, $4  }
0x82: {  	[spmem:s1] =	stream.indirect.scatter.add.f32 [tilespmem:s17], [sflag:$0x1], $0x80, s25, s18, $0x40b8;
	[tilespmem:$0x1C880] =	vst v63  }
0x83: {  	_ =	swait.ge [sflag:s15], $0x2800  }
0x84: {  	[sflag:s15] =	ssyncset.done $0x0  }
0x85: {  	[sflag:s15] =	ssyncadd.s32 $0xFFFFD800  }
0x86: {  	s22 =	sadd.s32 $0x1, s22  }
0x87: {  	p0 =	sne.s32 s22, s14  }
.Ltmp3:
0x88: {  	[bflag:$0x0] =	sbarrier.arrive $0xFFFF;
	(pc) =	sbr.rel @p0 .LBB2_1-.Ltmp3, $4  }
0x89: {  	[hbm:s13], [sflag:s20] =	dma.local [spmem:s21], $0x1400  }
0x8a: {  	_ =	swait.ge [sflag:s15], $0x1400  }
0x8b: {  	[sflag:s15] =	ssyncset.done $0x0  }
0x8c: {  	[sflag:s15] =	ssyncadd.s32 $0xFFFFEC00  }
0x8d: {  	_ =	sfence.sel $0x180000  }
0x8e: {  	[bflag:$0x0] =	sbarrier.arrive $0xFFFF  }
0x8f: {  	p0 =	sne.s32 s3, $0x0;
	_ =	strace $0x9000004D  }
0x90: {  	s0 =	sadd.s32 @!p0 $0x100000, s0;
	[bflag:$0x2] =	sbarrier.arrive $0xFFFF  }
0x91: {  	[sflag:s0] =	ssyncadd.tile.s32 @!p0 $0x1;
	_ =	shalt  }
.Lfunc_end2:
_tile_overlayer_lowered:
.L_overlay_start_2:
0x92: {  	(tag) =	ssettag $0x2  }
0x93: {  	s0 =	rddreg [dreg:$0x0];
	s2 =	stileid.u32  }
0x94: {  	s1 =	rddreg [dreg:$0x1];
	p0 =	sne.s32 s2, $0x0  }
0x95: {  	s3 =	rddreg [dreg:$0x2];
	[bflag:$0x3] =	sbarrier.arrive $0xFFFF;
	s2 =	simm.s32 @!p0 $0x1C01  }
0x96: {  	[timem:s3], [sflag:s2] =	dma.local @!p0 [hbm:s0], s1  }
0x97: {  	s0 =	simm.s32 @!p0 $0x1  }
0x98: {  	_ =	swait.ge @!p0 [sflag:s0], s1  }
0x99: {  	s1 =	ssub.s32 @!p0 $0x0, s1;
	[sflag:s0] =	ssyncset.done @!p0 $0x0  }
0x9a: {  	[sflag:s0] =	ssyncadd.s32 @!p0 s1  }
0x9b: {  	[bflag:$0x3] =	sbarrier.arrive $0xFFFF  }
0x9c: {  	_ =	shalt  }

</sc_bundles>
